<compile_context>
chip_gen: v7x
topology: tpu7x:2x2x1
jax: 0.10.2.dev20260603
libtpu: 0.0.44.dev20260713+nightly
codegen_flags: <defaults>
</compile_context>

<pallas_src>
import functools

import jax
import jax.numpy as jnp
from jax import lax
from jax.experimental import pallas as pl
from jax.experimental.pallas import tpu as pltpu
from jax.experimental.pallas import tpu_sc as plsc

N = 10000
D = 128
E = 320000
NACC = 10112
NSC = 2
NSUB = 16
NW = NSC * NSUB
CH = 79
EPW = CH * 128
EPAD = NW * EPW - E
RPS = NACC // NSUB
R = 1000

_mesh = plsc.VectorSubcoreMesh(core_axis_name="c", subcore_axis_name="s")



def _prop_body(g_hbm, src_hbm, dst_hbm, zer_hbm, out_hbm,
               src_v, dst_v, rows_v, acc_sh, sem):
    cid = lax.axis_index("c")
    sid = lax.axis_index("s")
    r0 = sid * RPS
    pltpu.sync_copy(zer_hbm.at[pl.ds(r0, RPS)], acc_sh.at[pl.ds(r0, RPS)])
    pltpu.sync_copy(src_hbm.at[cid, sid], src_v)
    pltpu.sync_copy(dst_hbm.at[cid, sid], dst_v)
    plsc.subcore_barrier()

    def body(j, carry):
        pltpu.async_copy(g_hbm.at[src_v.at[j]], rows_v, sem).wait()
        pltpu.sync_copy(rows_v, acc_sh.at[dst_v.at[j]], add=True)
        return carry

    lax.fori_loop(0, CH, body, 0)
    plsc.subcore_barrier()
    pltpu.sync_copy(acc_sh.at[pl.ds(r0, RPS)], out_hbm.at[cid, pl.ds(r0, RPS)])


_prop = functools.partial(
    pl.kernel,
    out_type=jax.ShapeDtypeStruct((NSC, NACC, D), jnp.float32),
    mesh=_mesh,
    scratch_types=[
        pltpu.VMEM((CH, 128), jnp.int32),
        pltpu.VMEM((CH, 128), jnp.int32),
        pltpu.VMEM((128, D), jnp.float32),
        pltpu.VMEM_SHARED((NACC, D), jnp.float32),
        pltpu.SemaphoreType.DMA,
    ],
)(_prop_body)


def _deg_body(dst_hbm, zer_hbm, ones_hbm, out_hbm, dst_v, ones_v, acc_sh):
    cid = lax.axis_index("c")
    sid = lax.axis_index("s")
    r0 = sid * RPS
    pltpu.sync_copy(zer_hbm.at[pl.ds(r0, RPS)], acc_sh.at[pl.ds(r0, RPS)])
    pltpu.sync_copy(ones_hbm, ones_v)
    pltpu.sync_copy(dst_hbm.at[cid, sid], dst_v)
    plsc.subcore_barrier()

    def body(j, carry):
        pltpu.sync_copy(ones_v, acc_sh.at[dst_v.at[j]], add=True)
        return carry

    lax.fori_loop(0, CH, body, 0)
    plsc.subcore_barrier()
    pltpu.sync_copy(acc_sh.at[pl.ds(r0, RPS)], out_hbm.at[cid, pl.ds(r0, RPS)])


_deg = functools.partial(
    pl.kernel,
    out_type=jax.ShapeDtypeStruct((NSC, NACC, D), jnp.float32),
    mesh=_mesh,
    scratch_types=[
        pltpu.VMEM((CH, 128), jnp.int32),
        pltpu.VMEM((128, D), jnp.float32),
        pltpu.VMEM_SHARED((NACC, D), jnp.float32),
    ],
)(_deg_body)



def _mm(a, b):
    return jnp.dot(a, b, preferred_element_type=jnp.float32)


def _dense_h_body(x_ref, w0_ref, b0_ref, wg_ref, h_ref, acc_ref):
    h = jnp.maximum(_mm(x_ref[...], w0_ref[...]) + b0_ref[...], 0.0)
    h_ref[...] = h
    acc_ref[...] = _mm(h, wg_ref[...])


_dense_h = pl.pallas_call(
    _dense_h_body,
    grid=(N // R,),
    in_specs=[
        pl.BlockSpec((R, D), lambda i: (i, 0)),
        pl.BlockSpec((D, D), lambda i: (0, 0)),
        pl.BlockSpec((1, D), lambda i: (0, 0)),
        pl.BlockSpec((D, D), lambda i: (0, 0)),
    ],
    out_specs=[
        pl.BlockSpec((R, D), lambda i: (i, 0)),
        pl.BlockSpec((R, D), lambda i: (i, 0)),
    ],
    out_shape=[
        jax.ShapeDtypeStruct((N, D), jnp.float32),
        jax.ShapeDtypeStruct((N, D), jnp.float32),
    ],
)


def _dense_scale_body(h_ref, degp_ref, g_ref, dinv_ref):
    deg = degp_ref[0, :, 0:1] + degp_ref[1, :, 0:1]
    dinv = jnp.where(deg > 0, lax.rsqrt(jnp.maximum(deg, 1.0)), 0.0)
    g_ref[...] = h_ref[...] * dinv
    dinv_ref[...] = dinv


_dense_scale = pl.pallas_call(
    _dense_scale_body,
    grid=(N // R,),
    in_specs=[
        pl.BlockSpec((R, D), lambda i: (i, 0)),
        pl.BlockSpec((NSC, R, D), lambda i: (0, i, 0)),
    ],
    out_specs=[
        pl.BlockSpec((R, D), lambda i: (i, 0)),
        pl.BlockSpec((R, 1), lambda i: (i, 0)),
    ],
    out_shape=[
        jax.ShapeDtypeStruct((N, D), jnp.float32),
        jax.ShapeDtypeStruct((N, 1), jnp.float32),
    ],
)


def _hop_g_body(p_ref, dinv_ref, g_ref):
    dinv = dinv_ref[...]
    g_ref[...] = (p_ref[0] + p_ref[1]) * (dinv * dinv)


_hop_g = pl.pallas_call(
    _hop_g_body,
    grid=(N // R,),
    in_specs=[
        pl.BlockSpec((NSC, R, D), lambda i: (0, i, 0)),
        pl.BlockSpec((R, 1), lambda i: (i, 0)),
    ],
    out_specs=pl.BlockSpec((R, D), lambda i: (i, 0)),
    out_shape=jax.ShapeDtypeStruct((N, D), jnp.float32),
)


def _hop_mm_body(p_ref, dinv_ref, wk_ref, acc_ref, accout_ref):
    hk = (p_ref[0] + p_ref[1]) * dinv_ref[...]
    accout_ref[...] = acc_ref[...] + _mm(hk, wk_ref[...])


_hop_mm = pl.pallas_call(
    _hop_mm_body,
    grid=(N // R,),
    in_specs=[
        pl.BlockSpec((NSC, R, D), lambda i: (0, i, 0)),
        pl.BlockSpec((R, 1), lambda i: (i, 0)),
        pl.BlockSpec((D, D), lambda i: (0, 0)),
        pl.BlockSpec((R, D), lambda i: (i, 0)),
    ],
    out_specs=pl.BlockSpec((R, D), lambda i: (i, 0)),
    out_shape=jax.ShapeDtypeStruct((N, D), jnp.float32),
)


def _hop_last_body(p_ref, dinv_ref, wk_ref, acc_ref, bg_ref, wn_ref,
                   accout_ref, g_ref):
    dinv = dinv_ref[...]
    hk = (p_ref[0] + p_ref[1]) * dinv
    t = jnp.maximum(acc_ref[...] + _mm(hk, wk_ref[...]) + bg_ref[...], 0.0)
    accout_ref[...] = _mm(t, wn_ref[...])
    g_ref[...] = t * dinv


_hop_last = pl.pallas_call(
    _hop_last_body,
    grid=(N // R,),
    in_specs=[
        pl.BlockSpec((NSC, R, D), lambda i: (0, i, 0)),
        pl.BlockSpec((R, 1), lambda i: (i, 0)),
        pl.BlockSpec((D, D), lambda i: (0, 0)),
        pl.BlockSpec((R, D), lambda i: (i, 0)),
        pl.BlockSpec((1, D), lambda i: (0, 0)),
        pl.BlockSpec((D, D), lambda i: (0, 0)),
    ],
    out_specs=[
        pl.BlockSpec((R, D), lambda i: (i, 0)),
        pl.BlockSpec((R, D), lambda i: (i, 0)),
    ],
    out_shape=[
        jax.ShapeDtypeStruct((N, D), jnp.float32),
        jax.ShapeDtypeStruct((N, D), jnp.float32),
    ],
)


def _hop_final_body(p_ref, dinv_ref, wk_ref, acc_ref, bg_ref,
                    wm0_ref, bm0_ref, wm1_ref, bm1_ref, wo_ref, bo_ref,
                    out_ref):
    dinv = dinv_ref[...]
    hk = (p_ref[0] + p_ref[1]) * dinv
    t = jnp.maximum(acc_ref[...] + _mm(hk, wk_ref[...]) + bg_ref[...], 0.0)
    m = jnp.maximum(_mm(t, wm0_ref[...]) + bm0_ref[...], 0.0)
    m = jnp.maximum(_mm(m, wm1_ref[...]) + bm1_ref[...], 0.0)
    out_ref[...] = jnp.maximum(_mm(m, wo_ref[...]) + bo_ref[...], 0.0)


_hop_final = pl.pallas_call(
    _hop_final_body,
    grid=(N // R,),
    in_specs=[
        pl.BlockSpec((NSC, R, D), lambda i: (0, i, 0)),
        pl.BlockSpec((R, 1), lambda i: (i, 0)),
        pl.BlockSpec((D, D), lambda i: (0, 0)),
        pl.BlockSpec((R, D), lambda i: (i, 0)),
        pl.BlockSpec((1, D), lambda i: (0, 0)),
        pl.BlockSpec((D, D), lambda i: (0, 0)),
        pl.BlockSpec((1, D), lambda i: (0, 0)),
        pl.BlockSpec((D, D), lambda i: (0, 0)),
        pl.BlockSpec((1, D), lambda i: (0, 0)),
        pl.BlockSpec((D, 1), lambda i: (0, 0)),
        pl.BlockSpec((1, 1), lambda i: (0, 0)),
    ],
    out_specs=pl.BlockSpec((R, 1), lambda i: (i, 0)),
    out_shape=jax.ShapeDtypeStruct((N, 1), jnp.float32),
)


def kernel(x, edge_index, batch, W_lin0, b_lin0,
           Wg0_0, Wg0_1, Wg0_2, Wg0_3, bg0,
           Wg1_0, Wg1_1, Wg1_2, Wg1_3, bg1,
           W_mlp0, b_mlp0, W_mlp1, b_mlp1, W_out, b_out):
    src = edge_index[0]
    dst = edge_index[1]
    src_p = jnp.concatenate(
        [src, jnp.zeros((EPAD,), jnp.int32)]).reshape(NSC, NSUB, CH, 128)
    dst_p = jnp.concatenate(
        [dst, jnp.full((EPAD,), N, jnp.int32)]).reshape(NSC, NSUB, CH, 128)
    z128 = jnp.zeros((NACC, D), jnp.float32)
    ones128 = jnp.ones((128, D), jnp.float32)

    degp = _deg(dst_p, z128, ones128)
    h, acc = _dense_h(x, W_lin0, b_lin0.reshape(1, D), Wg0_0)
    g, dinv = _dense_scale(h, degp)

    for wk in (Wg0_1, Wg0_2):
        p = _prop(g, src_p, dst_p, z128)
        g = _hop_g(p, dinv)
        acc = _hop_mm(p, dinv, wk, acc)
    p = _prop(g, src_p, dst_p, z128)
    acc, g = _hop_last(p, dinv, Wg0_3, acc, bg0.reshape(1, D), Wg1_0)

    for wk in (Wg1_1, Wg1_2):
        p = _prop(g, src_p, dst_p, z128)
        g = _hop_g(p, dinv)
        acc = _hop_mm(p, dinv, wk, acc)
    p = _prop(g, src_p, dst_p, z128)
    out = _hop_final(p, dinv, Wg1_3, acc, bg1.reshape(1, D),
                     W_mlp0, b_mlp0.reshape(1, D),
                     W_mlp1, b_mlp1.reshape(1, D),
                     W_out, b_out.reshape(1, 1))
    return out

# --- scband reference (transcript-rebuilt; emitter-appended) ---
"""Pipeline reference for scband-hpt-tagconv-net-14388140441685 (READ-ONLY COPY).

The authoritative reference and input builder live on the scoring server;
editing this copy changes nothing except your own understanding.
"""

import jax, jax.numpy as jnp
import numpy as np

N = 10000
E = 320000
D = 128
NC = 128
K = 3

def setup_inputs(seed: int = 0):
    key = jax.random.key(seed)
    ks = jax.random.split(key, 32)
    inp = {}
    inp["x"] = jax.random.normal(ks[0], (N, D), dtype=jnp.float32)
    inp["edge_index"] = jax.random.randint(ks[1], (2, E), 0, N, dtype=jnp.int32)
    inp["batch"] = jnp.zeros((N,), dtype=jnp.int32)
    inp["W_lin0"] = jax.random.normal(ks[2], (D, NC), dtype=jnp.float32) * 0.05
    inp["b_lin0"] = jnp.zeros((NC,), dtype=jnp.float32)
    for g in range(2):
        for k in range(K + 1):
            inp["Wg%d_%d" % (g, k)] = jax.random.normal(ks[3 + g * 5 + k], (NC, NC), dtype=jnp.float32) * 0.05
        inp["bg%d" % g] = jnp.zeros((NC,), dtype=jnp.float32)
    inp["W_mlp0"] = jax.random.normal(ks[14], (NC, NC), dtype=jnp.float32) * 0.05
    inp["b_mlp0"] = jnp.zeros((NC,), dtype=jnp.float32)
    inp["W_mlp1"] = jax.random.normal(ks[15], (NC, NC), dtype=jnp.float32) * 0.05
    inp["b_mlp1"] = jnp.zeros((NC,), dtype=jnp.float32)
    inp["W_out"] = jax.random.normal(ks[16], (NC, 1), dtype=jnp.float32) * 0.05
    inp["b_out"] = jnp.zeros((1,), dtype=jnp.float32)
    return inp

def _tagconv(x, src, dst, norm, Ws, b):
    # TAGConv (PyG): out = sum_{k=0..K} (A_norm^k x) @ W_k + b, gcn_norm without self-loops
    out = x @ Ws[0]
    h = x
    for k in range(1, len(Ws)):
        msg = h[src] * norm[:, None]
        h = jnp.zeros_like(h).at[dst].add(msg)
        out = out + h @ Ws[k]
    return out + b

def reference(x, edge_index, batch, W_lin0, b_lin0,
              Wg0_0, Wg0_1, Wg0_2, Wg0_3, bg0,
              Wg1_0, Wg1_1, Wg1_2, Wg1_3, bg1,
              W_mlp0, b_mlp0, W_mlp1, b_mlp1, W_out, b_out):
    src = edge_index[0]
    dst = edge_index[1]
    n = x.shape[0]
    deg = jnp.zeros((n,), dtype=x.dtype).at[dst].add(1.0)
    dinv = jnp.where(deg > 0, 1.0 / jnp.sqrt(jnp.where(deg > 0, deg, 1.0)), 0.0)
    norm = dinv[src] * dinv[dst]
    h = jax.nn.relu(x @ W_lin0 + b_lin0)
    h = jax.nn.relu(_tagconv(h, src, dst, norm, [Wg0_0, Wg0_1, Wg0_2, Wg0_3], bg0))
    h = jax.nn.relu(_tagconv(h, src, dst, norm, [Wg1_0, Wg1_1, Wg1_2, Wg1_3], bg1))
    h = jax.nn.relu(h @ W_mlp0 + b_mlp0)
    h = jax.nn.relu(h @ W_mlp1 + b_mlp1)
    out = jax.nn.relu(h @ W_out + b_out)
    return out

if __name__ == "__main__":
    import jax
    _d = setup_inputs()
    print(jax.jit(kernel)(*tuple(_d.values())))

</pallas_src>

<mosaic_0001>
#map = affine_map<(d0, d1) -> (0, 0, 0, 0)>
#map1 = affine_map<(d0, d1) -> (0, 0)>
#map2 = affine_map<(d0, d1) -> (0, 0, 0)>
module attributes {stable_mosaic.version = 14 : i64} {
  func.func @_deg_body(%arg0: i32, %arg1: i32, %arg2: memref<2x16x79x128xi32, #tpu.memory_space<hbm>>, %arg3: memref<10112x128xf32, #tpu.memory_space<hbm>>, %arg4: memref<128x128xf32, #tpu.memory_space<hbm>>, %arg5: memref<2x10112x128xf32, #tpu.memory_space<hbm>>, %arg6: memref<79x128xi32, #tpu.memory_space<vmem>>, %arg7: memref<128x128xf32, #tpu.memory_space<vmem>>, %arg8: memref<10112x128xf32, #tpu.memory_space<vmem_shared>>) attributes {dimension_semantics = [#tpu.dimension_semantics<core_parallel>, #tpu.dimension_semantics<subcore_parallel>], iteration_bounds = array<i64: 2, 16>, scalar_prefetch = 0 : i64, scratch_operands = 3 : i64, tpu.core_type = #tpu.core_type<sc_vector_subcore>, window_params = [{transform_indices = #map}, {transform_indices = #map1}, {transform_indices = #map1}, {transform_indices = #map2}]} {
    %mul3A = arith.constant 632 : i32
    %mul3A_0 = arith.muli %arg1, %mul3A : i32
    "tpu.region"() ({
      %run_scoped3A = tpu.sem_alloc : memref<!tpu.dma_semaphore, #tpu.memory_space<semaphore_mem>>
      %dma_start3A = arith.constant 0 : i32
      %dma_start3A_7 = tpu.memref_slice %arg8[%mul3A_0, %dma_start3A] : memref<10112x128xf32, #tpu.memory_space<vmem_shared>> -> memref<632x128xf32, #tpu.memory_space<vmem_shared>>
      %dma_start3A_8 = arith.constant 0 : i32
      %dma_start3A_9 = tpu.memref_slice %arg3[%mul3A_0, %dma_start3A_8] : memref<10112x128xf32, #tpu.memory_space<hbm>> -> memref<632x128xf32, #tpu.memory_space<hbm>>
      tpu.enqueue_dma source(%dma_start3A_9 : memref<632x128xf32, #tpu.memory_space<hbm>>) target(%dma_start3A_7 : memref<632x128xf32, #tpu.memory_space<vmem_shared>>) target_semaphore(%run_scoped3A : memref<!tpu.dma_semaphore, #tpu.memory_space<semaphore_mem>>)
      %dma_wait3A = arith.constant 0 : i32
      %dma_wait3A_10 = tpu.memref_slice %arg8[%mul3A_0, %dma_wait3A] : memref<10112x128xf32, #tpu.memory_space<vmem_shared>> -> memref<632x128xf32, #tpu.memory_space<vmem_shared>>
      %dma_wait3A_11 = arith.constant 0 : i32
      %dma_wait3A_12 = tpu.memref_slice %arg3[%mul3A_0, %dma_wait3A_11] : memref<10112x128xf32, #tpu.memory_space<hbm>> -> memref<632x128xf32, #tpu.memory_space<hbm>>
      tpu.wait_dma2 semaphore(%run_scoped3A : memref<!tpu.dma_semaphore, #tpu.memory_space<semaphore_mem>>) src(%dma_wait3A_12 : memref<632x128xf32, #tpu.memory_space<hbm>>) dst(%dma_wait3A_10 : memref<632x128xf32, #tpu.memory_space<vmem_shared>>)
      tpu.yield
    }) : () -> ()
    "tpu.region"() ({
      %run_scoped3A = tpu.sem_alloc : memref<!tpu.dma_semaphore, #tpu.memory_space<semaphore_mem>>
      tpu.enqueue_dma source(%arg4 : memref<128x128xf32, #tpu.memory_space<hbm>>) target(%arg7 : memref<128x128xf32, #tpu.memory_space<vmem>>) target_semaphore(%run_scoped3A : memref<!tpu.dma_semaphore, #tpu.memory_space<semaphore_mem>>)
      tpu.wait_dma2 semaphore(%run_scoped3A : memref<!tpu.dma_semaphore, #tpu.memory_space<semaphore_mem>>) src(%arg4 : memref<128x128xf32, #tpu.memory_space<hbm>>) dst(%arg7 : memref<128x128xf32, #tpu.memory_space<vmem>>)
      tpu.yield
    }) : () -> ()
    "tpu.region"() ({
      %run_scoped3A = tpu.sem_alloc : memref<!tpu.dma_semaphore, #tpu.memory_space<semaphore_mem>>
      %dma_start3A = arith.constant 0 : i32
      %dma_start3A_7 = arith.constant 0 : i32
      %dma_start3A_8 = tpu.memref_slice %arg2[%arg0, %arg1, %dma_start3A, %dma_start3A_7] : memref<2x16x79x128xi32, #tpu.memory_space<hbm>> -> memref<1x1x79x128xi32, #tpu.memory_space<hbm>>
      %dma_start3A_9 = tpu.memref_squeeze %dma_start3A_8 : memref<1x1x79x128xi32, #tpu.memory_space<hbm>> -> memref<79x128xi32, #tpu.memory_space<hbm>>
      %dma_start3A_10 = arith.constant 0 : i32
      %dma_start3A_11 = arith.constant 0 : i32
      %dma_start3A_12 = tpu.memref_slice %arg2[%arg0, %arg1, %dma_start3A_10, %dma_start3A_11] : memref<2x16x79x128xi32, #tpu.memory_space<hbm>> -> memref<1x1x79x128xi32, #tpu.memory_space<hbm>>
      %dma_start3A_13 = tpu.memref_squeeze %dma_start3A_12 : memref<1x1x79x128xi32, #tpu.memory_space<hbm>> -> memref<79x128xi32, #tpu.memory_space<hbm>>
      tpu.enqueue_dma source(%dma_start3A_13 : memref<79x128xi32, #tpu.memory_space<hbm>>) target(%arg6 : memref<79x128xi32, #tpu.memory_space<vmem>>) target_semaphore(%run_scoped3A : memref<!tpu.dma_semaphore, #tpu.memory_space<semaphore_mem>>)
      %dma_wait3A = arith.constant 0 : i32
      %dma_wait3A_14 = arith.constant 0 : i32
      %dma_wait3A_15 = tpu.memref_slice %arg2[%arg0, %arg1, %dma_wait3A, %dma_wait3A_14] : memref<2x16x79x128xi32, #tpu.memory_space<hbm>> -> memref<1x1x79x128xi32, #tpu.memory_space<hbm>>
      %dma_wait3A_16 = tpu.memref_squeeze %dma_wait3A_15 : memref<1x1x79x128xi32, #tpu.memory_space<hbm>> -> memref<79x128xi32, #tpu.memory_space<hbm>>
      %dma_wait3A_17 = arith.constant 0 : i32
      %dma_wait3A_18 = arith.constant 0 : i32
      %dma_wait3A_19 = tpu.memref_slice %arg2[%arg0, %arg1, %dma_wait3A_17, %dma_wait3A_18] : memref<2x16x79x128xi32, #tpu.memory_space<hbm>> -> memref<1x1x79x128xi32, #tpu.memory_space<hbm>>
      %dma_wait3A_20 = tpu.memref_squeeze %dma_wait3A_19 : memref<1x1x79x128xi32, #tpu.memory_space<hbm>> -> memref<79x128xi32, #tpu.memory_space<hbm>>
      tpu.wait_dma2 semaphore(%run_scoped3A : memref<!tpu.dma_semaphore, #tpu.memory_space<semaphore_mem>>) src(%dma_wait3A_20 : memref<79x128xi32, #tpu.memory_space<hbm>>) dst(%arg6 : memref<79x128xi32, #tpu.memory_space<vmem>>)
      tpu.yield
    }) : () -> ()
    %barrier3A = arith.constant 0 : index
    tpu.barrier barrier_id(%barrier3A)
    %scan3A = arith.constant 0 : i32
    %scan3A_1 = arith.constant 0 : i32
    %scan3A_2 = arith.constant 79 : i32
    %scan3A_3 = arith.addi %scan3A_1, %scan3A_2 : i32
    %scan3A_4 = arith.constant 1 : i32
    scf.for %scan3A_7 = %scan3A_1 to %scan3A_3 step %scan3A_4  : i32 {
      "tpu.region"() ({
        %run_scoped3A = tpu.sem_alloc : memref<!tpu.dma_semaphore, #tpu.memory_space<semaphore_mem>>
        %dma_start3A = arith.constant 0 : i32
        %dma_start3A_8 = tpu.memref_slice %arg6[%scan3A_7, %dma_start3A] : memref<79x128xi32, #tpu.memory_space<vmem>> -> memref<1x128xi32, #tpu.memory_space<vmem>>
        %dma_start3A_9 = tpu.memref_squeeze %dma_start3A_8 : memref<1x128xi32, #tpu.memory_space<vmem>> -> memref<128xi32, #tpu.memory_space<vmem>>
        %dma_start3A_10 = arith.constant 0 : i32
        %dma_start3A_11 = arith.constant 0 : i32
        %dma_start3A_12 = tpu.memref_slice %arg8[%dma_start3A_10, %dma_start3A_11] : memref<10112x128xf32, #tpu.memory_space<vmem_shared>> -> memref<10112x128xf32, #tpu.memory_space<vmem_shared>>
        tpu.enqueue_indirect_dma source(%arg7 : memref<128x128xf32, #tpu.memory_space<vmem>>) target(%dma_start3A_12 : memref<10112x128xf32, #tpu.memory_space<vmem_shared>>) offsets(%dma_start3A_9 : memref<128xi32, #tpu.memory_space<vmem>>) semaphore(%run_scoped3A : memref<!tpu.dma_semaphore, #tpu.memory_space<semaphore_mem>>) {add = true}
        %dma_wait3A = arith.constant 0 : i32
        %dma_wait3A_13 = tpu.memref_slice %arg6[%scan3A_7, %dma_wait3A] : memref<79x128xi32, #tpu.memory_space<vmem>> -> memref<1x128xi32, #tpu.memory_space<vmem>>
        %dma_wait3A_14 = tpu.memref_squeeze %dma_wait3A_13 : memref<1x128xi32, #tpu.memory_space<vmem>> -> memref<128xi32, #tpu.memory_space<vmem>>
        %dma_wait3A_15 = arith.constant 0 : i32
        %dma_wait3A_16 = arith.constant 0 : i32
        %dma_wait3A_17 = tpu.memref_slice %arg8[%dma_wait3A_15, %dma_wait3A_16] : memref<10112x128xf32, #tpu.memory_space<vmem_shared>> -> memref<10112x128xf32, #tpu.memory_space<vmem_shared>>
        tpu.wait_indirect_dma semaphore(%run_scoped3A : memref<!tpu.dma_semaphore, #tpu.memory_space<semaphore_mem>>) src(%arg7 : memref<128x128xf32, #tpu.memory_space<vmem>>) dst(%dma_wait3A_17 : memref<10112x128xf32, #tpu.memory_space<vmem_shared>>)
        tpu.yield
      }) : () -> ()
    }
    %scan3A_5 = arith.constant 79 : i32
    %barrier3A_6 = arith.constant 0 : index
    tpu.barrier barrier_id(%barrier3A_6)
    "tpu.region"() ({
      %run_scoped3A = tpu.sem_alloc : memref<!tpu.dma_semaphore, #tpu.memory_space<semaphore_mem>>
      %dma_start3A = arith.constant 0 : i32
      %dma_start3A_7 = tpu.memref_slice %arg5[%arg0, %mul3A_0, %dma_start3A] : memref<2x10112x128xf32, #tpu.memory_space<hbm>> -> memref<1x632x128xf32, #tpu.memory_space<hbm>>
      %dma_start3A_8 = tpu.memref_squeeze %dma_start3A_7 : memref<1x632x128xf32, #tpu.memory_space<hbm>> -> memref<632x128xf32, #tpu.memory_space<hbm>>
      %dma_start3A_9 = arith.constant 0 : i32
      %dma_start3A_10 = tpu.memref_slice %arg8[%mul3A_0, %dma_start3A_9] : memref<10112x128xf32, #tpu.memory_space<vmem_shared>> -> memref<632x128xf32, #tpu.memory_space<vmem_shared>>
      tpu.enqueue_dma source(%dma_start3A_10 : memref<632x128xf32, #tpu.memory_space<vmem_shared>>) target(%dma_start3A_8 : memref<632x128xf32, #tpu.memory_space<hbm>>) target_semaphore(%run_scoped3A : memref<!tpu.dma_semaphore, #tpu.memory_space<semaphore_mem>>)
      %dma_wait3A = arith.constant 0 : i32
      %dma_wait3A_11 = tpu.memref_slice %arg5[%arg0, %mul3A_0, %dma_wait3A] : memref<2x10112x128xf32, #tpu.memory_space<hbm>> -> memref<1x632x128xf32, #tpu.memory_space<hbm>>
      %dma_wait3A_12 = tpu.memref_squeeze %dma_wait3A_11 : memref<1x632x128xf32, #tpu.memory_space<hbm>> -> memref<632x128xf32, #tpu.memory_space<hbm>>
      %dma_wait3A_13 = arith.constant 0 : i32
      %dma_wait3A_14 = tpu.memref_slice %arg8[%mul3A_0, %dma_wait3A_13] : memref<10112x128xf32, #tpu.memory_space<vmem_shared>> -> memref<632x128xf32, #tpu.memory_space<vmem_shared>>
      tpu.wait_dma2 semaphore(%run_scoped3A : memref<!tpu.dma_semaphore, #tpu.memory_space<semaphore_mem>>) src(%dma_wait3A_14 : memref<632x128xf32, #tpu.memory_space<vmem_shared>>) dst(%dma_wait3A_12 : memref<632x128xf32, #tpu.memory_space<hbm>>)
      tpu.yield
    }) : () -> ()
    return
  }
}

#map = affine_map<(d0, d1) -> (0, 0)>
#map1 = affine_map<(d0, d1) -> (0, 0, 0, 0)>
#map2 = affine_map<(d0, d1) -> (0, 0, 0)>
module attributes {stable_mosaic.version = 14 : i64} {
  func.func @_prop_body(%arg0: i32, %arg1: i32, %arg2: memref<10000x128xf32, #tpu.memory_space<hbm>>, %arg3: memref<2x16x79x128xi32, #tpu.memory_space<hbm>>, %arg4: memref<2x16x79x128xi32, #tpu.memory_space<hbm>>, %arg5: memref<10112x128xf32, #tpu.memory_space<hbm>>, %arg6: memref<2x10112x128xf32, #tpu.memory_space<hbm>>, %arg7: memref<79x128xi32, #tpu.memory_space<vmem>>, %arg8: memref<79x128xi32, #tpu.memory_space<vmem>>, %arg9: memref<128x128xf32, #tpu.memory_space<vmem>>, %arg10: memref<10112x128xf32, #tpu.memory_space<vmem_shared>>, %arg11: memref<!tpu.dma_semaphore, #tpu.memory_space<semaphore_mem>>) attributes {dimension_semantics = [#tpu.dimension_semantics<core_parallel>, #tpu.dimension_semantics<subcore_parallel>], iteration_bounds = array<i64: 2, 16>, scalar_prefetch = 0 : i64, scratch_operands = 5 : i64, tpu.core_type = #tpu.core_type<sc_vector_subcore>, window_params = [{transform_indices = #map}, {transform_indices = #map1}, {transform_indices = #map1}, {transform_indices = #map}, {transform_indices = #map2}]} {
    %mul3A = arith.constant 632 : i32
    %mul3A_0 = arith.muli %arg1, %mul3A : i32
    "tpu.region"() ({
      %run_scoped3A = tpu.sem_alloc : memref<!tpu.dma_semaphore, #tpu.memory_space<semaphore_mem>>
      %dma_start3A = arith.constant 0 : i32
      %dma_start3A_7 = tpu.memref_slice %arg10[%mul3A_0, %dma_start3A] : memref<10112x128xf32, #tpu.memory_space<vmem_shared>> -> memref<632x128xf32, #tpu.memory_space<vmem_shared>>
      %dma_start3A_8 = arith.constant 0 : i32
      %dma_start3A_9 = tpu.memref_slice %arg5[%mul3A_0, %dma_start3A_8] : memref<10112x128xf32, #tpu.memory_space<hbm>> -> memref<632x128xf32, #tpu.memory_space<hbm>>
      tpu.enqueue_dma source(%dma_start3A_9 : memref<632x128xf32, #tpu.memory_space<hbm>>) target(%dma_start3A_7 : memref<632x128xf32, #tpu.memory_space<vmem_shared>>) target_semaphore(%run_scoped3A : memref<!tpu.dma_semaphore, #tpu.memory_space<semaphore_mem>>)
      %dma_wait3A = arith.constant 0 : i32
      %dma_wait3A_10 = tpu.memref_slice %arg10[%mul3A_0, %dma_wait3A] : memref<10112x128xf32, #tpu.memory_space<vmem_shared>> -> memref<632x128xf32, #tpu.memory_space<vmem_shared>>
      %dma_wait3A_11 = arith.constant 0 : i32
      %dma_wait3A_12 = tpu.memref_slice %arg5[%mul3A_0, %dma_wait3A_11] : memref<10112x128xf32, #tpu.memory_space<hbm>> -> memref<632x128xf32, #tpu.memory_space<hbm>>
      tpu.wait_dma2 semaphore(%run_scoped3A : memref<!tpu.dma_semaphore, #tpu.memory_space<semaphore_mem>>) src(%dma_wait3A_12 : memref<632x128xf32, #tpu.memory_space<hbm>>) dst(%dma_wait3A_10 : memref<632x128xf32, #tpu.memory_space<vmem_shared>>)
      tpu.yield
    }) : () -> ()
    "tpu.region"() ({
      %run_scoped3A = tpu.sem_alloc : memref<!tpu.dma_semaphore, #tpu.memory_space<semaphore_mem>>
      %dma_start3A = arith.constant 0 : i32
      %dma_start3A_7 = arith.constant 0 : i32
      %dma_start3A_8 = tpu.memref_slice %arg3[%arg0, %arg1, %dma_start3A, %dma_start3A_7] : memref<2x16x79x128xi32, #tpu.memory_space<hbm>> -> memref<1x1x79x128xi32, #tpu.memory_space<hbm>>
      %dma_start3A_9 = tpu.memref_squeeze %dma_start3A_8 : memref<1x1x79x128xi32, #tpu.memory_space<hbm>> -> memref<79x128xi32, #tpu.memory_space<hbm>>
      %dma_start3A_10 = arith.constant 0 : i32
      %dma_start3A_11 = arith.constant 0 : i32
      %dma_start3A_12 = tpu.memref_slice %arg3[%arg0, %arg1, %dma_start3A_10, %dma_start3A_11] : memref<2x16x79x128xi32, #tpu.memory_space<hbm>> -> memref<1x1x79x128xi32, #tpu.memory_space<hbm>>
      %dma_start3A_13 = tpu.memref_squeeze %dma_start3A_12 : memref<1x1x79x128xi32, #tpu.memory_space<hbm>> -> memref<79x128xi32, #tpu.memory_space<hbm>>
      tpu.enqueue_dma source(%dma_start3A_13 : memref<79x128xi32, #tpu.memory_space<hbm>>) target(%arg7 : memref<79x128xi32, #tpu.memory_space<vmem>>) target_semaphore(%run_scoped3A : memref<!tpu.dma_semaphore, #tpu.memory_space<semaphore_mem>>)
      %dma_wait3A = arith.constant 0 : i32
      %dma_wait3A_14 = arith.constant 0 : i32
      %dma_wait3A_15 = tpu.memref_slice %arg3[%arg0, %arg1, %dma_wait3A, %dma_wait3A_14] : memref<2x16x79x128xi32, #tpu.memory_space<hbm>> -> memref<1x1x79x128xi32, #tpu.memory_space<hbm>>
      %dma_wait3A_16 = tpu.memref_squeeze %dma_wait3A_15 : memref<1x1x79x128xi32, #tpu.memory_space<hbm>> -> memref<79x128xi32, #tpu.memory_space<hbm>>
      %dma_wait3A_17 = arith.constant 0 : i32
      %dma_wait3A_18 = arith.constant 0 : i32
      %dma_wait3A_19 = tpu.memref_slice %arg3[%arg0, %arg1, %dma_wait3A_17, %dma_wait3A_18] : memref<2x16x79x128xi32, #tpu.memory_space<hbm>> -> memref<1x1x79x128xi32, #tpu.memory_space<hbm>>
      %dma_wait3A_20 = tpu.memref_squeeze %dma_wait3A_19 : memref<1x1x79x128xi32, #tpu.memory_space<hbm>> -> memref<79x128xi32, #tpu.memory_space<hbm>>
      tpu.wait_dma2 semaphore(%run_scoped3A : memref<!tpu.dma_semaphore, #tpu.memory_space<semaphore_mem>>) src(%dma_wait3A_20 : memref<79x128xi32, #tpu.memory_space<hbm>>) dst(%arg7 : memref<79x128xi32, #tpu.memory_space<vmem>>)
      tpu.yield
    }) : () -> ()
    "tpu.region"() ({
      %run_scoped3A = tpu.sem_alloc : memref<!tpu.dma_semaphore, #tpu.memory_space<semaphore_mem>>
      %dma_start3A = arith.constant 0 : i32
      %dma_start3A_7 = arith.constant 0 : i32
      %dma_start3A_8 = tpu.memref_slice %arg4[%arg0, %arg1, %dma_start3A, %dma_start3A_7] : memref<2x16x79x128xi32, #tpu.memory_space<hbm>> -> memref<1x1x79x128xi32, #tpu.memory_space<hbm>>
      %dma_start3A_9 = tpu.memref_squeeze %dma_start3A_8 : memref<1x1x79x128xi32, #tpu.memory_space<hbm>> -> memref<79x128xi32, #tpu.memory_space<hbm>>
      %dma_start3A_10 = arith.constant 0 : i32
      %dma_start3A_11 = arith.constant 0 : i32
      %dma_start3A_12 = tpu.memref_slice %arg4[%arg0, %arg1, %dma_start3A_10, %dma_start3A_11] : memref<2x16x79x128xi32, #tpu.memory_space<hbm>> -> memref<1x1x79x128xi32, #tpu.memory_space<hbm>>
      %dma_start3A_13 = tpu.memref_squeeze %dma_start3A_12 : memref<1x1x79x128xi32, #tpu.memory_space<hbm>> -> memref<79x128xi32, #tpu.memory_space<hbm>>
      tpu.enqueue_dma source(%dma_start3A_13 : memref<79x128xi32, #tpu.memory_space<hbm>>) target(%arg8 : memref<79x128xi32, #tpu.memory_space<vmem>>) target_semaphore(%run_scoped3A : memref<!tpu.dma_semaphore, #tpu.memory_space<semaphore_mem>>)
      %dma_wait3A = arith.constant 0 : i32
      %dma_wait3A_14 = arith.constant 0 : i32
      %dma_wait3A_15 = tpu.memref_slice %arg4[%arg0, %arg1, %dma_wait3A, %dma_wait3A_14] : memref<2x16x79x128xi32, #tpu.memory_space<hbm>> -> memref<1x1x79x128xi32, #tpu.memory_space<hbm>>
      %dma_wait3A_16 = tpu.memref_squeeze %dma_wait3A_15 : memref<1x1x79x128xi32, #tpu.memory_space<hbm>> -> memref<79x128xi32, #tpu.memory_space<hbm>>
      %dma_wait3A_17 = arith.constant 0 : i32
      %dma_wait3A_18 = arith.constant 0 : i32
      %dma_wait3A_19 = tpu.memref_slice %arg4[%arg0, %arg1, %dma_wait3A_17, %dma_wait3A_18] : memref<2x16x79x128xi32, #tpu.memory_space<hbm>> -> memref<1x1x79x128xi32, #tpu.memory_space<hbm>>
      %dma_wait3A_20 = tpu.memref_squeeze %dma_wait3A_19 : memref<1x1x79x128xi32, #tpu.memory_space<hbm>> -> memref<79x128xi32, #tpu.memory_space<hbm>>
      tpu.wait_dma2 semaphore(%run_scoped3A : memref<!tpu.dma_semaphore, #tpu.memory_space<semaphore_mem>>) src(%dma_wait3A_20 : memref<79x128xi32, #tpu.memory_space<hbm>>) dst(%arg8 : memref<79x128xi32, #tpu.memory_space<vmem>>)
      tpu.yield
    }) : () -> ()
    %barrier3A = arith.constant 0 : index
    tpu.barrier barrier_id(%barrier3A)
    %scan3A = arith.constant 0 : i32
    %scan3A_1 = arith.constant 0 : i32
    %scan3A_2 = arith.constant 79 : i32
    %scan3A_3 = arith.addi %scan3A_1, %scan3A_2 : i32
    %scan3A_4 = arith.constant 1 : i32
    scf.for %scan3A_7 = %scan3A_1 to %scan3A_3 step %scan3A_4  : i32 {
      %dma_start3A = arith.constant 0 : i32
      %dma_start3A_8 = tpu.memref_slice %arg7[%scan3A_7, %dma_start3A] : memref<79x128xi32, #tpu.memory_space<vmem>> -> memref<1x128xi32, #tpu.memory_space<vmem>>
      %dma_start3A_9 = tpu.memref_squeeze %dma_start3A_8 : memref<1x128xi32, #tpu.memory_space<vmem>> -> memref<128xi32, #tpu.memory_space<vmem>>
      %dma_start3A_10 = arith.constant 0 : i32
      %dma_start3A_11 = arith.constant 0 : i32
      %dma_start3A_12 = tpu.memref_slice %arg2[%dma_start3A_10, %dma_start3A_11] : memref<10000x128xf32, #tpu.memory_space<hbm>> -> memref<10000x128xf32, #tpu.memory_space<hbm>>
      tpu.enqueue_indirect_dma source(%dma_start3A_12 : memref<10000x128xf32, #tpu.memory_space<hbm>>) target(%arg9 : memref<128x128xf32, #tpu.memory_space<vmem>>) offsets(%dma_start3A_9 : memref<128xi32, #tpu.memory_space<vmem>>) semaphore(%arg11 : memref<!tpu.dma_semaphore, #tpu.memory_space<semaphore_mem>>)
      %dma_wait3A = arith.constant 0 : i32
      %dma_wait3A_13 = tpu.memref_slice %arg7[%scan3A_7, %dma_wait3A] : memref<79x128xi32, #tpu.memory_space<vmem>> -> memref<1x128xi32, #tpu.memory_space<vmem>>
      %dma_wait3A_14 = tpu.memref_squeeze %dma_wait3A_13 : memref<1x128xi32, #tpu.memory_space<vmem>> -> memref<128xi32, #tpu.memory_space<vmem>>
      %dma_wait3A_15 = arith.constant 0 : i32
      %dma_wait3A_16 = arith.constant 0 : i32
      %dma_wait3A_17 = tpu.memref_slice %arg2[%dma_wait3A_15, %dma_wait3A_16] : memref<10000x128xf32, #tpu.memory_space<hbm>> -> memref<10000x128xf32, #tpu.memory_space<hbm>>
      tpu.wait_indirect_dma semaphore(%arg11 : memref<!tpu.dma_semaphore, #tpu.memory_space<semaphore_mem>>) src(%dma_wait3A_17 : memref<10000x128xf32, #tpu.memory_space<hbm>>) dst(%arg9 : memref<128x128xf32, #tpu.memory_space<vmem>>)
      "tpu.region"() ({
        %run_scoped3A = tpu.sem_alloc : memref<!tpu.dma_semaphore, #tpu.memory_space<semaphore_mem>>
        %dma_start3A_18 = arith.constant 0 : i32
        %dma_start3A_19 = tpu.memref_slice %arg8[%scan3A_7, %dma_start3A_18] : memref<79x128xi32, #tpu.memory_space<vmem>> -> memref<1x128xi32, #tpu.memory_space<vmem>>
        %dma_start3A_20 = tpu.memref_squeeze %dma_start3A_19 : memref<1x128xi32, #tpu.memory_space<vmem>> -> memref<128xi32, #tpu.memory_space<vmem>>
        %dma_start3A_21 = arith.constant 0 : i32
        %dma_start3A_22 = arith.constant 0 : i32
        %dma_start3A_23 = tpu.memref_slice %arg10[%dma_start3A_21, %dma_start3A_22] : memref<10112x128xf32, #tpu.memory_space<vmem_shared>> -> memref<10112x128xf32, #tpu.memory_space<vmem_shared>>
        tpu.enqueue_indirect_dma source(%arg9 : memref<128x128xf32, #tpu.memory_space<vmem>>) target(%dma_start3A_23 : memref<10112x128xf32, #tpu.memory_space<vmem_shared>>) offsets(%dma_start3A_20 : memref<128xi32, #tpu.memory_space<vmem>>) semaphore(%run_scoped3A : memref<!tpu.dma_semaphore, #tpu.memory_space<semaphore_mem>>) {add = true}
        %dma_wait3A_24 = arith.constant 0 : i32
        %dma_wait3A_25 = tpu.memref_slice %arg8[%scan3A_7, %dma_wait3A_24] : memref<79x128xi32, #tpu.memory_space<vmem>> -> memref<1x128xi32, #tpu.memory_space<vmem>>
        %dma_wait3A_26 = tpu.memref_squeeze %dma_wait3A_25 : memref<1x128xi32, #tpu.memory_space<vmem>> -> memref<128xi32, #tpu.memory_space<vmem>>
        %dma_wait3A_27 = arith.constant 0 : i32
        %dma_wait3A_28 = arith.constant 0 : i32
        %dma_wait3A_29 = tpu.memref_slice %arg10[%dma_wait3A_27, %dma_wait3A_28] : memref<10112x128xf32, #tpu.memory_space<vmem_shared>> -> memref<10112x128xf32, #tpu.memory_space<vmem_shared>>
        tpu.wait_indirect_dma semaphore(%run_scoped3A : memref<!tpu.dma_semaphore, #tpu.memory_space<semaphore_mem>>) src(%arg9 : memref<128x128xf32, #tpu.memory_space<vmem>>) dst(%dma_wait3A_29 : memref<10112x128xf32, #tpu.memory_space<vmem_shared>>)
        tpu.yield
      }) : () -> ()
    }
    %scan3A_5 = arith.constant 79 : i32
    %barrier3A_6 = arith.constant 0 : index
    tpu.barrier barrier_id(%barrier3A_6)
    "tpu.region"() ({
      %run_scoped3A = tpu.sem_alloc : memref<!tpu.dma_semaphore, #tpu.memory_space<semaphore_mem>>
      %dma_start3A = arith.constant 0 : i32
      %dma_start3A_7 = tpu.memref_slice %arg6[%arg0, %mul3A_0, %dma_start3A] : memref<2x10112x128xf32, #tpu.memory_space<hbm>> -> memref<1x632x128xf32, #tpu.memory_space<hbm>>
      %dma_start3A_8 = tpu.memref_squeeze %dma_start3A_7 : memref<1x632x128xf32, #tpu.memory_space<hbm>> -> memref<632x128xf32, #tpu.memory_space<hbm>>
      %dma_start3A_9 = arith.constant 0 : i32
      %dma_start3A_10 = tpu.memref_slice %arg10[%mul3A_0, %dma_start3A_9] : memref<10112x128xf32, #tpu.memory_space<vmem_shared>> -> memref<632x128xf32, #tpu.memory_space<vmem_shared>>
      tpu.enqueue_dma source(%dma_start3A_10 : memref<632x128xf32, #tpu.memory_space<vmem_shared>>) target(%dma_start3A_8 : memref<632x128xf32, #tpu.memory_space<hbm>>) target_semaphore(%run_scoped3A : memref<!tpu.dma_semaphore, #tpu.memory_space<semaphore_mem>>)
      %dma_wait3A = arith.constant 0 : i32
      %dma_wait3A_11 = tpu.memref_slice %arg6[%arg0, %mul3A_0, %dma_wait3A] : memref<2x10112x128xf32, #tpu.memory_space<hbm>> -> memref<1x632x128xf32, #tpu.memory_space<hbm>>
      %dma_wait3A_12 = tpu.memref_squeeze %dma_wait3A_11 : memref<1x632x128xf32, #tpu.memory_space<hbm>> -> memref<632x128xf32, #tpu.memory_space<hbm>>
      %dma_wait3A_13 = arith.constant 0 : i32
      %dma_wait3A_14 = tpu.memref_slice %arg10[%mul3A_0, %dma_wait3A_13] : memref<10112x128xf32, #tpu.memory_space<vmem_shared>> -> memref<632x128xf32, #tpu.memory_space<vmem_shared>>
      tpu.wait_dma2 semaphore(%run_scoped3A : memref<!tpu.dma_semaphore, #tpu.memory_space<semaphore_mem>>) src(%dma_wait3A_14 : memref<632x128xf32, #tpu.memory_space<vmem_shared>>) dst(%dma_wait3A_12 : memref<632x128xf32, #tpu.memory_space<hbm>>)
      tpu.yield
    }) : () -> ()
    return
  }
}

#map = affine_map<(d0, d1) -> (0, 0)>
#map1 = affine_map<(d0, d1) -> (0, 0, 0, 0)>
#map2 = affine_map<(d0, d1) -> (0, 0, 0)>
module attributes {stable_mosaic.version = 14 : i64} {
  func.func @_prop_body(%arg0: i32, %arg1: i32, %arg2: memref<10000x128xf32, #tpu.memory_space<hbm>>, %arg3: memref<2x16x79x128xi32, #tpu.memory_space<hbm>>, %arg4: memref<2x16x79x128xi32, #tpu.memory_space<hbm>>, %arg5: memref<10112x128xf32, #tpu.memory_space<hbm>>, %arg6: memref<2x10112x128xf32, #tpu.memory_space<hbm>>, %arg7: memref<79x128xi32, #tpu.memory_space<vmem>>, %arg8: memref<79x128xi32, #tpu.memory_space<vmem>>, %arg9: memref<128x128xf32, #tpu.memory_space<vmem>>, %arg10: memref<10112x128xf32, #tpu.memory_space<vmem_shared>>, %arg11: memref<!tpu.dma_semaphore, #tpu.memory_space<semaphore_mem>>) attributes {dimension_semantics = [#tpu.dimension_semantics<core_parallel>, #tpu.dimension_semantics<subcore_parallel>], iteration_bounds = array<i64: 2, 16>, scalar_prefetch = 0 : i64, scratch_operands = 5 : i64, tpu.core_type = #tpu.core_type<sc_vector_subcore>, window_params = [{transform_indices = #map}, {transform_indices = #map1}, {transform_indices = #map1}, {transform_indices = #map}, {transform_indices = #map2}]} {
    %mul3A = arith.constant 632 : i32
    %mul3A_0 = arith.muli %arg1, %mul3A : i32
    "tpu.region"() ({
      %run_scoped3A = tpu.sem_alloc : memref<!tpu.dma_semaphore, #tpu.memory_space<semaphore_mem>>
      %dma_start3A = arith.constant 0 : i32
      %dma_start3A_7 = tpu.memref_slice %arg10[%mul3A_0, %dma_start3A] : memref<10112x128xf32, #tpu.memory_space<vmem_shared>> -> memref<632x128xf32, #tpu.memory_space<vmem_shared>>
      %dma_start3A_8 = arith.constant 0 : i32
      %dma_start3A_9 = tpu.memref_slice %arg5[%mul3A_0, %dma_start3A_8] : memref<10112x128xf32, #tpu.memory_space<hbm>> -> memref<632x128xf32, #tpu.memory_space<hbm>>
      tpu.enqueue_dma source(%dma_start3A_9 : memref<632x128xf32, #tpu.memory_space<hbm>>) target(%dma_start3A_7 : memref<632x128xf32, #tpu.memory_space<vmem_shared>>) target_semaphore(%run_scoped3A : memref<!tpu.dma_semaphore, #tpu.memory_space<semaphore_mem>>)
      %dma_wait3A = arith.constant 0 : i32
      %dma_wait3A_10 = tpu.memref_slice %arg10[%mul3A_0, %dma_wait3A] : memref<10112x128xf32, #tpu.memory_space<vmem_shared>> -> memref<632x128xf32, #tpu.memory_space<vmem_shared>>
      %dma_wait3A_11 = arith.constant 0 : i32
      %dma_wait3A_12 = tpu.memref_slice %arg5[%mul3A_0, %dma_wait3A_11] : memref<10112x128xf32, #tpu.memory_space<hbm>> -> memref<632x128xf32, #tpu.memory_space<hbm>>
      tpu.wait_dma2 semaphore(%run_scoped3A : memref<!tpu.dma_semaphore, #tpu.memory_space<semaphore_mem>>) src(%dma_wait3A_12 : memref<632x128xf32, #tpu.memory_space<hbm>>) dst(%dma_wait3A_10 : memref<632x128xf32, #tpu.memory_space<vmem_shared>>)
      tpu.yield
    }) : () -> ()
    "tpu.region"() ({
      %run_scoped3A = tpu.sem_alloc : memref<!tpu.dma_semaphore, #tpu.memory_space<semaphore_mem>>
      %dma_start3A = arith.constant 0 : i32
      %dma_start3A_7 = arith.constant 0 : i32
      %dma_start3A_8 = tpu.memref_slice %arg3[%arg0, %arg1, %dma_start3A, %dma_start3A_7] : memref<2x16x79x128xi32, #tpu.memory_space<hbm>> -> memref<1x1x79x128xi32, #tpu.memory_space<hbm>>
      %dma_start3A_9 = tpu.memref_squeeze %dma_start3A_8 : memref<1x1x79x128xi32, #tpu.memory_space<hbm>> -> memref<79x128xi32, #tpu.memory_space<hbm>>
      %dma_start3A_10 = arith.constant 0 : i32
      %dma_start3A_11 = arith.constant 0 : i32
      %dma_start3A_12 = tpu.memref_slice %arg3[%arg0, %arg1, %dma_start3A_10, %dma_start3A_11] : memref<2x16x79x128xi32, #tpu.memory_space<hbm>> -> memref<1x1x79x128xi32, #tpu.memory_space<hbm>>
      %dma_start3A_13 = tpu.memref_squeeze %dma_start3A_12 : memref<1x1x79x128xi32, #tpu.memory_space<hbm>> -> memref<79x128xi32, #tpu.memory_space<hbm>>
      tpu.enqueue_dma source(%dma_start3A_13 : memref<79x128xi32, #tpu.memory_space<hbm>>) target(%arg7 : memref<79x128xi32, #tpu.memory_space<vmem>>) target_semaphore(%run_scoped3A : memref<!tpu.dma_semaphore, #tpu.memory_space<semaphore_mem>>)
      %dma_wait3A = arith.constant 0 : i32
      %dma_wait3A_14 = arith.constant 0 : i32
      %dma_wait3A_15 = tpu.memref_slice %arg3[%arg0, %arg1, %dma_wait3A, %dma_wait3A_14] : memref<2x16x79x128xi32, #tpu.memory_space<hbm>> -> memref<1x1x79x128xi32, #tpu.memory_space<hbm>>
      %dma_wait3A_16 = tpu.memref_squeeze %dma_wait3A_15 : memref<1x1x79x128xi32, #tpu.memory_space<hbm>> -> memref<79x128xi32, #tpu.memory_space<hbm>>
      %dma_wait3A_17 = arith.constant 0 : i32
      %dma_wait3A_18 = arith.constant 0 : i32
      %dma_wait3A_19 = tpu.memref_slice %arg3[%arg0, %arg1, %dma_wait3A_17, %dma_wait3A_18] : memref<2x16x79x128xi32, #tpu.memory_space<hbm>> -> memref<1x1x79x128xi32, #tpu.memory_space<hbm>>
      %dma_wait3A_20 = tpu.memref_squeeze %dma_wait3A_19 : memref<1x1x79x128xi32, #tpu.memory_space<hbm>> -> memref<79x128xi32, #tpu.memory_space<hbm>>
      tpu.wait_dma2 semaphore(%run_scoped3A : memref<!tpu.dma_semaphore, #tpu.memory_space<semaphore_mem>>) src(%dma_wait3A_20 : memref<79x128xi32, #tpu.memory_space<hbm>>) dst(%arg7 : memref<79x128xi32, #tpu.memory_space<vmem>>)
      tpu.yield
    }) : () -> ()
    "tpu.region"() ({
      %run_scoped3A = tpu.sem_alloc : memref<!tpu.dma_semaphore, #tpu.memory_space<semaphore_mem>>
      %dma_start3A = arith.constant 0 : i32
      %dma_start3A_7 = arith.constant 0 : i32
      %dma_start3A_8 = tpu.memref_slice %arg4[%arg0, %arg1, %dma_start3A, %dma_start3A_7] : memref<2x16x79x128xi32, #tpu.memory_space<hbm>> -> memref<1x1x79x128xi32, #tpu.memory_space<hbm>>
      %dma_start3A_9 = tpu.memref_squeeze %dma_start3A_8 : memref<1x1x79x128xi32, #tpu.memory_space<hbm>> -> memref<79x128xi32, #tpu.memory_space<hbm>>
      %dma_start3A_10 = arith.constant 0 : i32
      %dma_start3A_11 = arith.constant 0 : i32
      %dma_start3A_12 = tpu.memref_slice %arg4[%arg0, %arg1, %dma_start3A_10, %dma_start3A_11] : memref<2x16x79x128xi32, #tpu.memory_space<hbm>> -> memref<1x1x79x128xi32, #tpu.memory_space<hbm>>
      %dma_start3A_13 = tpu.memref_squeeze %dma_start3A_12 : memref<1x1x79x128xi32, #tpu.memory_space<hbm>> -> memref<79x128xi32, #tpu.memory_space<hbm>>
      tpu.enqueue_dma source(%dma_start3A_13 : memref<79x128xi32, #tpu.memory_space<hbm>>) target(%arg8 : memref<79x128xi32, #tpu.memory_space<vmem>>) target_semaphore(%run_scoped3A : memref<!tpu.dma_semaphore, #tpu.memory_space<semaphore_mem>>)
      %dma_wait3A = arith.constant 0 : i32
      %dma_wait3A_14 = arith.constant 0 : i32
      %dma_wait3A_15 = tpu.memref_slice %arg4[%arg0, %arg1, %dma_wait3A, %dma_wait3A_14] : memref<2x16x79x128xi32, #tpu.memory_space<hbm>> -> memref<1x1x79x128xi32, #tpu.memory_space<hbm>>
      %dma_wait3A_16 = tpu.memref_squeeze %dma_wait3A_15 : memref<1x1x79x128xi32, #tpu.memory_space<hbm>> -> memref<79x128xi32, #tpu.memory_space<hbm>>
      %dma_wait3A_17 = arith.constant 0 : i32
      %dma_wait3A_18 = arith.constant 0 : i32
      %dma_wait3A_19 = tpu.memref_slice %arg4[%arg0, %arg1, %dma_wait3A_17, %dma_wait3A_18] : memref<2x16x79x128xi32, #tpu.memory_space<hbm>> -> memref<1x1x79x128xi32, #tpu.memory_space<hbm>>
      %dma_wait3A_20 = tpu.memref_squeeze %dma_wait3A_19 : memref<1x1x79x128xi32, #tpu.memory_space<hbm>> -> memref<79x128xi32, #tpu.memory_space<hbm>>
      tpu.wait_dma2 semaphore(%run_scoped3A : memref<!tpu.dma_semaphore, #tpu.memory_space<semaphore_mem>>) src(%dma_wait3A_20 : memref<79x128xi32, #tpu.memory_space<hbm>>) dst(%arg8 : memref<79x128xi32, #tpu.memory_space<vmem>>)
      tpu.yield
    }) : () -> ()
    %barrier3A = arith.constant 0 : index
    tpu.barrier barrier_id(%barrier3A)
    %scan3A = arith.constant 0 : i32
    %scan3A_1 = arith.constant 0 : i32
    %scan3A_2 = arith.constant 79 : i32
    %scan3A_3 = arith.addi %scan3A_1, %scan3A_2 : i32
    %scan3A_4 = arith.constant 1 : i32
    scf.for %scan3A_7 = %scan3A_1 to %scan3A_3 step %scan3A_4  : i32 {
      %dma_start3A = arith.constant 0 : i32
      %dma_start3A_8 = tpu.memref_slice %arg7[%scan3A_7, %dma_start3A] : memref<79x128xi32, #tpu.memory_space<vmem>> -> memref<1x128xi32, #tpu.memory_space<vmem>>
      %dma_start3A_9 = tpu.memref_squeeze %dma_start3A_8 : memref<1x128xi32, #tpu.memory_space<vmem>> -> memref<128xi32, #tpu.memory_space<vmem>>
      %dma_start3A_10 = arith.constant 0 : i32
      %dma_start3A_11 = arith.constant 0 : i32
      %dma_start3A_12 = tpu.memref_slice %arg2[%dma_start3A_10, %dma_start3A_11] : memref<10000x128xf32, #tpu.memory_space<hbm>> -> memref<10000x128xf32, #tpu.memory_space<hbm>>
      tpu.enqueue_indirect_dma source(%dma_start3A_12 : memref<10000x128xf32, #tpu.memory_space<hbm>>) target(%arg9 : memref<128x128xf32, #tpu.memory_space<vmem>>) offsets(%dma_start3A_9 : memref<128xi32, #tpu.memory_space<vmem>>) semaphore(%arg11 : memref<!tpu.dma_semaphore, #tpu.memory_space<semaphore_mem>>)
      %dma_wait3A = arith.constant 0 : i32
      %dma_wait3A_13 = tpu.memref_slice %arg7[%scan3A_7, %dma_wait3A] : memref<79x128xi32, #tpu.memory_space<vmem>> -> memref<1x128xi32, #tpu.memory_space<vmem>>
      %dma_wait3A_14 = tpu.memref_squeeze %dma_wait3A_13 : memref<1x128xi32, #tpu.memory_space<vmem>> -> memref<128xi32, #tpu.memory_space<vmem>>
      %dma_wait3A_15 = arith.constant 0 : i32
      %dma_wait3A_16 = arith.constant 0 : i32
      %dma_wait3A_17 = tpu.memref_slice %arg2[%dma_wait3A_15, %dma_wait3A_16] : memref<10000x128xf32, #tpu.memory_space<hbm>> -> memref<10000x128xf32, #tpu.memory_space<hbm>>
      tpu.wait_indirect_dma semaphore(%arg11 : memref<!tpu.dma_semaphore, #tpu.memory_space<semaphore_mem>>) src(%dma_wait3A_17 : memref<10000x128xf32, #tpu.memory_space<hbm>>) dst(%arg9 : memref<128x128xf32, #tpu.memory_space<vmem>>)
      "tpu.region"() ({
        %run_scoped3A = tpu.sem_alloc : memref<!tpu.dma_semaphore, #tpu.memory_space<semaphore_mem>>
        %dma_start3A_18 = arith.constant 0 : i32
        %dma_start3A_19 = tpu.memref_slice %arg8[%scan3A_7, %dma_start3A_18] : memref<79x128xi32, #tpu.memory_space<vmem>> -> memref<1x128xi32, #tpu.memory_space<vmem>>
        %dma_start3A_20 = tpu.memref_squeeze %dma_start3A_19 : memref<1x128xi32, #tpu.memory_space<vmem>> -> memref<128xi32, #tpu.memory_space<vmem>>
        %dma_start3A_21 = arith.constant 0 : i32
        %dma_start3A_22 = arith.constant 0 : i32
        %dma_start3A_23 = tpu.memref_slice %arg10[%dma_start3A_21, %dma_start3A_22] : memref<10112x128xf32, #tpu.memory_space<vmem_shared>> -> memref<10112x128xf32, #tpu.memory_space<vmem_shared>>
        tpu.enqueue_indirect_dma source(%arg9 : memref<128x128xf32, #tpu.memory_space<vmem>>) target(%dma_start3A_23 : memref<10112x128xf32, #tpu.memory_space<vmem_shared>>) offsets(%dma_start3A_20 : memref<128xi32, #tpu.memory_space<vmem>>) semaphore(%run_scoped3A : memref<!tpu.dma_semaphore, #tpu.memory_space<semaphore_mem>>) {add = true}
        %dma_wait3A_24 = arith.constant 0 : i32
        %dma_wait3A_25 = tpu.memref_slice %arg8[%scan3A_7, %dma_wait3A_24] : memref<79x128xi32, #tpu.memory_space<vmem>> -> memref<1x128xi32, #tpu.memory_space<vmem>>
        %dma_wait3A_26 = tpu.memref_squeeze %dma_wait3A_25 : memref<1x128xi32, #tpu.memory_space<vmem>> -> memref<128xi32, #tpu.memory_space<vmem>>
        %dma_wait3A_27 = arith.constant 0 : i32
        %dma_wait3A_28 = arith.constant 0 : i32
        %dma_wait3A_29 = tpu.memref_slice %arg10[%dma_wait3A_27, %dma_wait3A_28] : memref<10112x128xf32, #tpu.memory_space<vmem_shared>> -> memref<10112x128xf32, #tpu.memory_space<vmem_shared>>
        tpu.wait_indirect_dma semaphore(%run_scoped3A : memref<!tpu.dma_semaphore, #tpu.memory_space<semaphore_mem>>) src(%arg9 : memref<128x128xf32, #tpu.memory_space<vmem>>) dst(%dma_wait3A_29 : memref<10112x128xf32, #tpu.memory_space<vmem_shared>>)
        tpu.yield
      }) : () -> ()
    }
    %scan3A_5 = arith.constant 79 : i32
    %barrier3A_6 = arith.constant 0 : index
    tpu.barrier barrier_id(%barrier3A_6)
    "tpu.region"() ({
      %run_scoped3A = tpu.sem_alloc : memref<!tpu.dma_semaphore, #tpu.memory_space<semaphore_mem>>
      %dma_start3A = arith.constant 0 : i32
      %dma_start3A_7 = tpu.memref_slice %arg6[%arg0, %mul3A_0, %dma_start3A] : memref<2x10112x128xf32, #tpu.memory_space<hbm>> -> memref<1x632x128xf32, #tpu.memory_space<hbm>>
      %dma_start3A_8 = tpu.memref_squeeze %dma_start3A_7 : memref<1x632x128xf32, #tpu.memory_space<hbm>> -> memref<632x128xf32, #tpu.memory_space<hbm>>
      %dma_start3A_9 = arith.constant 0 : i32
      %dma_start3A_10 = tpu.memref_slice %arg10[%mul3A_0, %dma_start3A_9] : memref<10112x128xf32, #tpu.memory_space<vmem_shared>> -> memref<632x128xf32, #tpu.memory_space<vmem_shared>>
      tpu.enqueue_dma source(%dma_start3A_10 : memref<632x128xf32, #tpu.memory_space<vmem_shared>>) target(%dma_start3A_8 : memref<632x128xf32, #tpu.memory_space<hbm>>) target_semaphore(%run_scoped3A : memref<!tpu.dma_semaphore, #tpu.memory_space<semaphore_mem>>)
      %dma_wait3A = arith.constant 0 : i32
      %dma_wait3A_11 = tpu.memref_slice %arg6[%arg0, %mul3A_0, %dma_wait3A] : memref<2x10112x128xf32, #tpu.memory_space<hbm>> -> memref<1x632x128xf32, #tpu.memory_space<hbm>>
      %dma_wait3A_12 = tpu.memref_squeeze %dma_wait3A_11 : memref<1x632x128xf32, #tpu.memory_space<hbm>> -> memref<632x128xf32, #tpu.memory_space<hbm>>
      %dma_wait3A_13 = arith.constant 0 : i32
      %dma_wait3A_14 = tpu.memref_slice %arg10[%mul3A_0, %dma_wait3A_13] : memref<10112x128xf32, #tpu.memory_space<vmem_shared>> -> memref<632x128xf32, #tpu.memory_space<vmem_shared>>
      tpu.wait_dma2 semaphore(%run_scoped3A : memref<!tpu.dma_semaphore, #tpu.memory_space<semaphore_mem>>) src(%dma_wait3A_14 : memref<632x128xf32, #tpu.memory_space<vmem_shared>>) dst(%dma_wait3A_12 : memref<632x128xf32, #tpu.memory_space<hbm>>)
      tpu.yield
    }) : () -> ()
    return
  }
}

#map = affine_map<(d0, d1) -> (0, 0)>
#map1 = affine_map<(d0, d1) -> (0, 0, 0, 0)>
#map2 = affine_map<(d0, d1) -> (0, 0, 0)>
module attributes {stable_mosaic.version = 14 : i64} {
  func.func @_prop_body(%arg0: i32, %arg1: i32, %arg2: memref<10000x128xf32, #tpu.memory_space<hbm>>, %arg3: memref<2x16x79x128xi32, #tpu.memory_space<hbm>>, %arg4: memref<2x16x79x128xi32, #tpu.memory_space<hbm>>, %arg5: memref<10112x128xf32, #tpu.memory_space<hbm>>, %arg6: memref<2x10112x128xf32, #tpu.memory_space<hbm>>, %arg7: memref<79x128xi32, #tpu.memory_space<vmem>>, %arg8: memref<79x128xi32, #tpu.memory_space<vmem>>, %arg9: memref<128x128xf32, #tpu.memory_space<vmem>>, %arg10: memref<10112x128xf32, #tpu.memory_space<vmem_shared>>, %arg11: memref<!tpu.dma_semaphore, #tpu.memory_space<semaphore_mem>>) attributes {dimension_semantics = [#tpu.dimension_semantics<core_parallel>, #tpu.dimension_semantics<subcore_parallel>], iteration_bounds = array<i64: 2, 16>, scalar_prefetch = 0 : i64, scratch_operands = 5 : i64, tpu.core_type = #tpu.core_type<sc_vector_subcore>, window_params = [{transform_indices = #map}, {transform_indices = #map1}, {transform_indices = #map1}, {transform_indices = #map}, {transform_indices = #map2}]} {
    %mul3A = arith.constant 632 : i32
    %mul3A_0 = arith.muli %arg1, %mul3A : i32
    "tpu.region"() ({
      %run_scoped3A = tpu.sem_alloc : memref<!tpu.dma_semaphore, #tpu.memory_space<semaphore_mem>>
      %dma_start3A = arith.constant 0 : i32
      %dma_start3A_7 = tpu.memref_slice %arg10[%mul3A_0, %dma_start3A] : memref<10112x128xf32, #tpu.memory_space<vmem_shared>> -> memref<632x128xf32, #tpu.memory_space<vmem_shared>>
      %dma_start3A_8 = arith.constant 0 : i32
      %dma_start3A_9 = tpu.memref_slice %arg5[%mul3A_0, %dma_start3A_8] : memref<10112x128xf32, #tpu.memory_space<hbm>> -> memref<632x128xf32, #tpu.memory_space<hbm>>
      tpu.enqueue_dma source(%dma_start3A_9 : memref<632x128xf32, #tpu.memory_space<hbm>>) target(%dma_start3A_7 : memref<632x128xf32, #tpu.memory_space<vmem_shared>>) target_semaphore(%run_scoped3A : memref<!tpu.dma_semaphore, #tpu.memory_space<semaphore_mem>>)
      %dma_wait3A = arith.constant 0 : i32
      %dma_wait3A_10 = tpu.memref_slice %arg10[%mul3A_0, %dma_wait3A] : memref<10112x128xf32, #tpu.memory_space<vmem_shared>> -> memref<632x128xf32, #tpu.memory_space<vmem_shared>>
      %dma_wait3A_11 = arith.constant 0 : i32
      %dma_wait3A_12 = tpu.memref_slice %arg5[%mul3A_0, %dma_wait3A_11] : memref<10112x128xf32, #tpu.memory_space<hbm>> -> memref<632x128xf32, #tpu.memory_space<hbm>>
      tpu.wait_dma2 semaphore(%run_scoped3A : memref<!tpu.dma_semaphore, #tpu.memory_space<semaphore_mem>>) src(%dma_wait3A_12 : memref<632x128xf32, #tpu.memory_space<hbm>>) dst(%dma_wait3A_10 : memref<632x128xf32, #tpu.memory_space<vmem_shared>>)
      tpu.yield
    }) : () -> ()
    "tpu.region"() ({
      %run_scoped3A = tpu.sem_alloc : memref<!tpu.dma_semaphore, #tpu.memory_space<semaphore_mem>>
      %dma_start3A = arith.constant 0 : i32
      %dma_start3A_7 = arith.constant 0 : i32
      %dma_start3A_8 = tpu.memref_slice %arg3[%arg0, %arg1, %dma_start3A, %dma_start3A_7] : memref<2x16x79x128xi32, #tpu.memory_space<hbm>> -> memref<1x1x79x128xi32, #tpu.memory_space<hbm>>
      %dma_start3A_9 = tpu.memref_squeeze %dma_start3A_8 : memref<1x1x79x128xi32, #tpu.memory_space<hbm>> -> memref<79x128xi32, #tpu.memory_space<hbm>>
      %dma_start3A_10 = arith.constant 0 : i32
      %dma_start3A_11 = arith.constant 0 : i32
      %dma_start3A_12 = tpu.memref_slice %arg3[%arg0, %arg1, %dma_start3A_10, %dma_start3A_11] : memref<2x16x79x128xi32, #tpu.memory_space<hbm>> -> memref<1x1x79x128xi32, #tpu.memory_space<hbm>>
      %dma_start3A_13 = tpu.memref_squeeze %dma_start3A_12 : memref<1x1x79x128xi32, #tpu.memory_space<hbm>> -> memref<79x128xi32, #tpu.memory_space<hbm>>
      tpu.enqueue_dma source(%dma_start3A_13 : memref<79x128xi32, #tpu.memory_space<hbm>>) target(%arg7 : memref<79x128xi32, #tpu.memory_space<vmem>>) target_semaphore(%run_scoped3A : memref<!tpu.dma_semaphore, #tpu.memory_space<semaphore_mem>>)
      %dma_wait3A = arith.constant 0 : i32
      %dma_wait3A_14 = arith.constant 0 : i32
      %dma_wait3A_15 = tpu.memref_slice %arg3[%arg0, %arg1, %dma_wait3A, %dma_wait3A_14] : memref<2x16x79x128xi32, #tpu.memory_space<hbm>> -> memref<1x1x79x128xi32, #tpu.memory_space<hbm>>
      %dma_wait3A_16 = tpu.memref_squeeze %dma_wait3A_15 : memref<1x1x79x128xi32, #tpu.memory_space<hbm>> -> memref<79x128xi32, #tpu.memory_space<hbm>>
      %dma_wait3A_17 = arith.constant 0 : i32
      %dma_wait3A_18 = arith.constant 0 : i32
      %dma_wait3A_19 = tpu.memref_slice %arg3[%arg0, %arg1, %dma_wait3A_17, %dma_wait3A_18] : memref<2x16x79x128xi32, #tpu.memory_space<hbm>> -> memref<1x1x79x128xi32, #tpu.memory_space<hbm>>
      %dma_wait3A_20 = tpu.memref_squeeze %dma_wait3A_19 : memref<1x1x79x128xi32, #tpu.memory_space<hbm>> -> memref<79x128xi32, #tpu.memory_space<hbm>>
      tpu.wait_dma2 semaphore(%run_scoped3A : memref<!tpu.dma_semaphore, #tpu.memory_space<semaphore_mem>>) src(%dma_wait3A_20 : memref<79x128xi32, #tpu.memory_space<hbm>>) dst(%arg7 : memref<79x128xi32, #tpu.memory_space<vmem>>)
      tpu.yield
    }) : () -> ()
    "tpu.region"() ({
      %run_scoped3A = tpu.sem_alloc : memref<!tpu.dma_semaphore, #tpu.memory_space<semaphore_mem>>
      %dma_start3A = arith.constant 0 : i32
      %dma_start3A_7 = arith.constant 0 : i32
      %dma_start3A_8 = tpu.memref_slice %arg4[%arg0, %arg1, %dma_start3A, %dma_start3A_7] : memref<2x16x79x128xi32, #tpu.memory_space<hbm>> -> memref<1x1x79x128xi32, #tpu.memory_space<hbm>>
      %dma_start3A_9 = tpu.memref_squeeze %dma_start3A_8 : memref<1x1x79x128xi32, #tpu.memory_space<hbm>> -> memref<79x128xi32, #tpu.memory_space<hbm>>
      %dma_start3A_10 = arith.constant 0 : i32
      %dma_start3A_11 = arith.constant 0 : i32
      %dma_start3A_12 = tpu.memref_slice %arg4[%arg0, %arg1, %dma_start3A_10, %dma_start3A_11] : memref<2x16x79x128xi32, #tpu.memory_space<hbm>> -> memref<1x1x79x128xi32, #tpu.memory_space<hbm>>
      %dma_start3A_13 = tpu.memref_squeeze %dma_start3A_12 : memref<1x1x79x128xi32, #tpu.memory_space<hbm>> -> memref<79x128xi32, #tpu.memory_space<hbm>>
      tpu.enqueue_dma source(%dma_start3A_13 : memref<79x128xi32, #tpu.memory_space<hbm>>) target(%arg8 : memref<79x128xi32, #tpu.memory_space<vmem>>) target_semaphore(%run_scoped3A : memref<!tpu.dma_semaphore, #tpu.memory_space<semaphore_mem>>)
      %dma_wait3A = arith.constant 0 : i32
      %dma_wait3A_14 = arith.constant 0 : i32
      %dma_wait3A_15 = tpu.memref_slice %arg4[%arg0, %arg1, %dma_wait3A, %dma_wait3A_14] : memref<2x16x79x128xi32, #tpu.memory_space<hbm>> -> memref<1x1x79x128xi32, #tpu.memory_space<hbm>>
      %dma_wait3A_16 = tpu.memref_squeeze %dma_wait3A_15 : memref<1x1x79x128xi32, #tpu.memory_space<hbm>> -> memref<79x128xi32, #tpu.memory_space<hbm>>
      %dma_wait3A_17 = arith.constant 0 : i32
      %dma_wait3A_18 = arith.constant 0 : i32
      %dma_wait3A_19 = tpu.memref_slice %arg4[%arg0, %arg1, %dma_wait3A_17, %dma_wait3A_18] : memref<2x16x79x128xi32, #tpu.memory_space<hbm>> -> memref<1x1x79x128xi32, #tpu.memory_space<hbm>>
      %dma_wait3A_20 = tpu.memref_squeeze %dma_wait3A_19 : memref<1x1x79x128xi32, #tpu.memory_space<hbm>> -> memref<79x128xi32, #tpu.memory_space<hbm>>
      tpu.wait_dma2 semaphore(%run_scoped3A : memref<!tpu.dma_semaphore, #tpu.memory_space<semaphore_mem>>) src(%dma_wait3A_20 : memref<79x128xi32, #tpu.memory_space<hbm>>) dst(%arg8 : memref<79x128xi32, #tpu.memory_space<vmem>>)
      tpu.yield
    }) : () -> ()
    %barrier3A = arith.constant 0 : index
    tpu.barrier barrier_id(%barrier3A)
    %scan3A = arith.constant 0 : i32
    %scan3A_1 = arith.constant 0 : i32
    %scan3A_2 = arith.constant 79 : i32
    %scan3A_3 = arith.addi %scan3A_1, %scan3A_2 : i32
    %scan3A_4 = arith.constant 1 : i32
    scf.for %scan3A_7 = %scan3A_1 to %scan3A_3 step %scan3A_4  : i32 {
      %dma_start3A = arith.constant 0 : i32
      %dma_start3A_8 = tpu.memref_slice %arg7[%scan3A_7, %dma_start3A] : memref<79x128xi32, #tpu.memory_space<vmem>> -> memref<1x128xi32, #tpu.memory_space<vmem>>
      %dma_start3A_9 = tpu.memref_squeeze %dma_start3A_8 : memref<1x128xi32, #tpu.memory_space<vmem>> -> memref<128xi32, #tpu.memory_space<vmem>>
      %dma_start3A_10 = arith.constant 0 : i32
      %dma_start3A_11 = arith.constant 0 : i32
      %dma_start3A_12 = tpu.memref_slice %arg2[%dma_start3A_10, %dma_start3A_11] : memref<10000x128xf32, #tpu.memory_space<hbm>> -> memref<10000x128xf32, #tpu.memory_space<hbm>>
      tpu.enqueue_indirect_dma source(%dma_start3A_12 : memref<10000x128xf32, #tpu.memory_space<hbm>>) target(%arg9 : memref<128x128xf32, #tpu.memory_space<vmem>>) offsets(%dma_start3A_9 : memref<128xi32, #tpu.memory_space<vmem>>) semaphore(%arg11 : memref<!tpu.dma_semaphore, #tpu.memory_space<semaphore_mem>>)
      %dma_wait3A = arith.constant 0 : i32
      %dma_wait3A_13 = tpu.memref_slice %arg7[%scan3A_7, %dma_wait3A] : memref<79x128xi32, #tpu.memory_space<vmem>> -> memref<1x128xi32, #tpu.memory_space<vmem>>
      %dma_wait3A_14 = tpu.memref_squeeze %dma_wait3A_13 : memref<1x128xi32, #tpu.memory_space<vmem>> -> memref<128xi32, #tpu.memory_space<vmem>>
      %dma_wait3A_15 = arith.constant 0 : i32
      %dma_wait3A_16 = arith.constant 0 : i32
      %dma_wait3A_17 = tpu.memref_slice %arg2[%dma_wait3A_15, %dma_wait3A_16] : memref<10000x128xf32, #tpu.memory_space<hbm>> -> memref<10000x128xf32, #tpu.memory_space<hbm>>
      tpu.wait_indirect_dma semaphore(%arg11 : memref<!tpu.dma_semaphore, #tpu.memory_space<semaphore_mem>>) src(%dma_wait3A_17 : memref<10000x128xf32, #tpu.memory_space<hbm>>) dst(%arg9 : memref<128x128xf32, #tpu.memory_space<vmem>>)
      "tpu.region"() ({
        %run_scoped3A = tpu.sem_alloc : memref<!tpu.dma_semaphore, #tpu.memory_space<semaphore_mem>>
        %dma_start3A_18 = arith.constant 0 : i32
        %dma_start3A_19 = tpu.memref_slice %arg8[%scan3A_7, %dma_start3A_18] : memref<79x128xi32, #tpu.memory_space<vmem>> -> memref<1x128xi32, #tpu.memory_space<vmem>>
        %dma_start3A_20 = tpu.memref_squeeze %dma_start3A_19 : memref<1x128xi32, #tpu.memory_space<vmem>> -> memref<128xi32, #tpu.memory_space<vmem>>
        %dma_start3A_21 = arith.constant 0 : i32
        %dma_start3A_22 = arith.constant 0 : i32
        %dma_start3A_23 = tpu.memref_slice %arg10[%dma_start3A_21, %dma_start3A_22] : memref<10112x128xf32, #tpu.memory_space<vmem_shared>> -> memref<10112x128xf32, #tpu.memory_space<vmem_shared>>
        tpu.enqueue_indirect_dma source(%arg9 : memref<128x128xf32, #tpu.memory_space<vmem>>) target(%dma_start3A_23 : memref<10112x128xf32, #tpu.memory_space<vmem_shared>>) offsets(%dma_start3A_20 : memref<128xi32, #tpu.memory_space<vmem>>) semaphore(%run_scoped3A : memref<!tpu.dma_semaphore, #tpu.memory_space<semaphore_mem>>) {add = true}
        %dma_wait3A_24 = arith.constant 0 : i32
        %dma_wait3A_25 = tpu.memref_slice %arg8[%scan3A_7, %dma_wait3A_24] : memref<79x128xi32, #tpu.memory_space<vmem>> -> memref<1x128xi32, #tpu.memory_space<vmem>>
        %dma_wait3A_26 = tpu.memref_squeeze %dma_wait3A_25 : memref<1x128xi32, #tpu.memory_space<vmem>> -> memref<128xi32, #tpu.memory_space<vmem>>
        %dma_wait3A_27 = arith.constant 0 : i32
        %dma_wait3A_28 = arith.constant 0 : i32
        %dma_wait3A_29 = tpu.memref_slice %arg10[%dma_wait3A_27, %dma_wait3A_28] : memref<10112x128xf32, #tpu.memory_space<vmem_shared>> -> memref<10112x128xf32, #tpu.memory_space<vmem_shared>>
        tpu.wait_indirect_dma semaphore(%run_scoped3A : memref<!tpu.dma_semaphore, #tpu.memory_space<semaphore_mem>>) src(%arg9 : memref<128x128xf32, #tpu.memory_space<vmem>>) dst(%dma_wait3A_29 : memref<10112x128xf32, #tpu.memory_space<vmem_shared>>)
        tpu.yield
      }) : () -> ()
    }
    %scan3A_5 = arith.constant 79 : i32
    %barrier3A_6 = arith.constant 0 : index
    tpu.barrier barrier_id(%barrier3A_6)
    "tpu.region"() ({
      %run_scoped3A = tpu.sem_alloc : memref<!tpu.dma_semaphore, #tpu.memory_space<semaphore_mem>>
      %dma_start3A = arith.constant 0 : i32
      %dma_start3A_7 = tpu.memref_slice %arg6[%arg0, %mul3A_0, %dma_start3A] : memref<2x10112x128xf32, #tpu.memory_space<hbm>> -> memref<1x632x128xf32, #tpu.memory_space<hbm>>
      %dma_start3A_8 = tpu.memref_squeeze %dma_start3A_7 : memref<1x632x128xf32, #tpu.memory_space<hbm>> -> memref<632x128xf32, #tpu.memory_space<hbm>>
      %dma_start3A_9 = arith.constant 0 : i32
      %dma_start3A_10 = tpu.memref_slice %arg10[%mul3A_0, %dma_start3A_9] : memref<10112x128xf32, #tpu.memory_space<vmem_shared>> -> memref<632x128xf32, #tpu.memory_space<vmem_shared>>
      tpu.enqueue_dma source(%dma_start3A_10 : memref<632x128xf32, #tpu.memory_space<vmem_shared>>) target(%dma_start3A_8 : memref<632x128xf32, #tpu.memory_space<hbm>>) target_semaphore(%run_scoped3A : memref<!tpu.dma_semaphore, #tpu.memory_space<semaphore_mem>>)
      %dma_wait3A = arith.constant 0 : i32
      %dma_wait3A_11 = tpu.memref_slice %arg6[%arg0, %mul3A_0, %dma_wait3A] : memref<2x10112x128xf32, #tpu.memory_space<hbm>> -> memref<1x632x128xf32, #tpu.memory_space<hbm>>
      %dma_wait3A_12 = tpu.memref_squeeze %dma_wait3A_11 : memref<1x632x128xf32, #tpu.memory_space<hbm>> -> memref<632x128xf32, #tpu.memory_space<hbm>>
      %dma_wait3A_13 = arith.constant 0 : i32
      %dma_wait3A_14 = tpu.memref_slice %arg10[%mul3A_0, %dma_wait3A_13] : memref<10112x128xf32, #tpu.memory_space<vmem_shared>> -> memref<632x128xf32, #tpu.memory_space<vmem_shared>>
      tpu.wait_dma2 semaphore(%run_scoped3A : memref<!tpu.dma_semaphore, #tpu.memory_space<semaphore_mem>>) src(%dma_wait3A_14 : memref<632x128xf32, #tpu.memory_space<vmem_shared>>) dst(%dma_wait3A_12 : memref<632x128xf32, #tpu.memory_space<hbm>>)
      tpu.yield
    }) : () -> ()
    return
  }
}

#map = affine_map<(d0, d1) -> (0, 0)>
#map1 = affine_map<(d0, d1) -> (0, 0, 0, 0)>
#map2 = affine_map<(d0, d1) -> (0, 0, 0)>
module attributes {stable_mosaic.version = 14 : i64} {
  func.func @_prop_body(%arg0: i32, %arg1: i32, %arg2: memref<10000x128xf32, #tpu.memory_space<hbm>>, %arg3: memref<2x16x79x128xi32, #tpu.memory_space<hbm>>, %arg4: memref<2x16x79x128xi32, #tpu.memory_space<hbm>>, %arg5: memref<10112x128xf32, #tpu.memory_space<hbm>>, %arg6: memref<2x10112x128xf32, #tpu.memory_space<hbm>>, %arg7: memref<79x128xi32, #tpu.memory_space<vmem>>, %arg8: memref<79x128xi32, #tpu.memory_space<vmem>>, %arg9: memref<128x128xf32, #tpu.memory_space<vmem>>, %arg10: memref<10112x128xf32, #tpu.memory_space<vmem_shared>>, %arg11: memref<!tpu.dma_semaphore, #tpu.memory_space<semaphore_mem>>) attributes {dimension_semantics = [#tpu.dimension_semantics<core_parallel>, #tpu.dimension_semantics<subcore_parallel>], iteration_bounds = array<i64: 2, 16>, scalar_prefetch = 0 : i64, scratch_operands = 5 : i64, tpu.core_type = #tpu.core_type<sc_vector_subcore>, window_params = [{transform_indices = #map}, {transform_indices = #map1}, {transform_indices = #map1}, {transform_indices = #map}, {transform_indices = #map2}]} {
    %mul3A = arith.constant 632 : i32
    %mul3A_0 = arith.muli %arg1, %mul3A : i32
    "tpu.region"() ({
      %run_scoped3A = tpu.sem_alloc : memref<!tpu.dma_semaphore, #tpu.memory_space<semaphore_mem>>
      %dma_start3A = arith.constant 0 : i32
      %dma_start3A_7 = tpu.memref_slice %arg10[%mul3A_0, %dma_start3A] : memref<10112x128xf32, #tpu.memory_space<vmem_shared>> -> memref<632x128xf32, #tpu.memory_space<vmem_shared>>
      %dma_start3A_8 = arith.constant 0 : i32
      %dma_start3A_9 = tpu.memref_slice %arg5[%mul3A_0, %dma_start3A_8] : memref<10112x128xf32, #tpu.memory_space<hbm>> -> memref<632x128xf32, #tpu.memory_space<hbm>>
      tpu.enqueue_dma source(%dma_start3A_9 : memref<632x128xf32, #tpu.memory_space<hbm>>) target(%dma_start3A_7 : memref<632x128xf32, #tpu.memory_space<vmem_shared>>) target_semaphore(%run_scoped3A : memref<!tpu.dma_semaphore, #tpu.memory_space<semaphore_mem>>)
      %dma_wait3A = arith.constant 0 : i32
      %dma_wait3A_10 = tpu.memref_slice %arg10[%mul3A_0, %dma_wait3A] : memref<10112x128xf32, #tpu.memory_space<vmem_shared>> -> memref<632x128xf32, #tpu.memory_space<vmem_shared>>
      %dma_wait3A_11 = arith.constant 0 : i32
      %dma_wait3A_12 = tpu.memref_slice %arg5[%mul3A_0, %dma_wait3A_11] : memref<10112x128xf32, #tpu.memory_space<hbm>> -> memref<632x128xf32, #tpu.memory_space<hbm>>
      tpu.wait_dma2 semaphore(%run_scoped3A : memref<!tpu.dma_semaphore, #tpu.memory_space<semaphore_mem>>) src(%dma_wait3A_12 : memref<632x128xf32, #tpu.memory_space<hbm>>) dst(%dma_wait3A_10 : memref<632x128xf32, #tpu.memory_space<vmem_shared>>)
      tpu.yield
    }) : () -> ()
    "tpu.region"() ({
      %run_scoped3A = tpu.sem_alloc : memref<!tpu.dma_semaphore, #tpu.memory_space<semaphore_mem>>
      %dma_start3A = arith.constant 0 : i32
      %dma_start3A_7 = arith.constant 0 : i32
      %dma_start3A_8 = tpu.memref_slice %arg3[%arg0, %arg1, %dma_start3A, %dma_start3A_7] : memref<2x16x79x128xi32, #tpu.memory_space<hbm>> -> memref<1x1x79x128xi32, #tpu.memory_space<hbm>>
      %dma_start3A_9 = tpu.memref_squeeze %dma_start3A_8 : memref<1x1x79x128xi32, #tpu.memory_space<hbm>> -> memref<79x128xi32, #tpu.memory_space<hbm>>
      %dma_start3A_10 = arith.constant 0 : i32
      %dma_start3A_11 = arith.constant 0 : i32
      %dma_start3A_12 = tpu.memref_slice %arg3[%arg0, %arg1, %dma_start3A_10, %dma_start3A_11] : memref<2x16x79x128xi32, #tpu.memory_space<hbm>> -> memref<1x1x79x128xi32, #tpu.memory_space<hbm>>
      %dma_start3A_13 = tpu.memref_squeeze %dma_start3A_12 : memref<1x1x79x128xi32, #tpu.memory_space<hbm>> -> memref<79x128xi32, #tpu.memory_space<hbm>>
      tpu.enqueue_dma source(%dma_start3A_13 : memref<79x128xi32, #tpu.memory_space<hbm>>) target(%arg7 : memref<79x128xi32, #tpu.memory_space<vmem>>) target_semaphore(%run_scoped3A : memref<!tpu.dma_semaphore, #tpu.memory_space<semaphore_mem>>)
      %dma_wait3A = arith.constant 0 : i32
      %dma_wait3A_14 = arith.constant 0 : i32
      %dma_wait3A_15 = tpu.memref_slice %arg3[%arg0, %arg1, %dma_wait3A, %dma_wait3A_14] : memref<2x16x79x128xi32, #tpu.memory_space<hbm>> -> memref<1x1x79x128xi32, #tpu.memory_space<hbm>>
      %dma_wait3A_16 = tpu.memref_squeeze %dma_wait3A_15 : memref<1x1x79x128xi32, #tpu.memory_space<hbm>> -> memref<79x128xi32, #tpu.memory_space<hbm>>
      %dma_wait3A_17 = arith.constant 0 : i32
      %dma_wait3A_18 = arith.constant 0 : i32
      %dma_wait3A_19 = tpu.memref_slice %arg3[%arg0, %arg1, %dma_wait3A_17, %dma_wait3A_18] : memref<2x16x79x128xi32, #tpu.memory_space<hbm>> -> memref<1x1x79x128xi32, #tpu.memory_space<hbm>>
      %dma_wait3A_20 = tpu.memref_squeeze %dma_wait3A_19 : memref<1x1x79x128xi32, #tpu.memory_space<hbm>> -> memref<79x128xi32, #tpu.memory_space<hbm>>
      tpu.wait_dma2 semaphore(%run_scoped3A : memref<!tpu.dma_semaphore, #tpu.memory_space<semaphore_mem>>) src(%dma_wait3A_20 : memref<79x128xi32, #tpu.memory_space<hbm>>) dst(%arg7 : memref<79x128xi32, #tpu.memory_space<vmem>>)
      tpu.yield
    }) : () -> ()
    "tpu.region"() ({
      %run_scoped3A = tpu.sem_alloc : memref<!tpu.dma_semaphore, #tpu.memory_space<semaphore_mem>>
      %dma_start3A = arith.constant 0 : i32
      %dma_start3A_7 = arith.constant 0 : i32
      %dma_start3A_8 = tpu.memref_slice %arg4[%arg0, %arg1, %dma_start3A, %dma_start3A_7] : memref<2x16x79x128xi32, #tpu.memory_space<hbm>> -> memref<1x1x79x128xi32, #tpu.memory_space<hbm>>
      %dma_start3A_9 = tpu.memref_squeeze %dma_start3A_8 : memref<1x1x79x128xi32, #tpu.memory_space<hbm>> -> memref<79x128xi32, #tpu.memory_space<hbm>>
      %dma_start3A_10 = arith.constant 0 : i32
      %dma_start3A_11 = arith.constant 0 : i32
      %dma_start3A_12 = tpu.memref_slice %arg4[%arg0, %arg1, %dma_start3A_10, %dma_start3A_11] : memref<2x16x79x128xi32, #tpu.memory_space<hbm>> -> memref<1x1x79x128xi32, #tpu.memory_space<hbm>>
      %dma_start3A_13 = tpu.memref_squeeze %dma_start3A_12 : memref<1x1x79x128xi32, #tpu.memory_space<hbm>> -> memref<79x128xi32, #tpu.memory_space<hbm>>
      tpu.enqueue_dma source(%dma_start3A_13 : memref<79x128xi32, #tpu.memory_space<hbm>>) target(%arg8 : memref<79x128xi32, #tpu.memory_space<vmem>>) target_semaphore(%run_scoped3A : memref<!tpu.dma_semaphore, #tpu.memory_space<semaphore_mem>>)
      %dma_wait3A = arith.constant 0 : i32
      %dma_wait3A_14 = arith.constant 0 : i32
      %dma_wait3A_15 = tpu.memref_slice %arg4[%arg0, %arg1, %dma_wait3A, %dma_wait3A_14] : memref<2x16x79x128xi32, #tpu.memory_space<hbm>> -> memref<1x1x79x128xi32, #tpu.memory_space<hbm>>
      %dma_wait3A_16 = tpu.memref_squeeze %dma_wait3A_15 : memref<1x1x79x128xi32, #tpu.memory_space<hbm>> -> memref<79x128xi32, #tpu.memory_space<hbm>>
      %dma_wait3A_17 = arith.constant 0 : i32
      %dma_wait3A_18 = arith.constant 0 : i32
      %dma_wait3A_19 = tpu.memref_slice %arg4[%arg0, %arg1, %dma_wait3A_17, %dma_wait3A_18] : memref<2x16x79x128xi32, #tpu.memory_space<hbm>> -> memref<1x1x79x128xi32, #tpu.memory_space<hbm>>
      %dma_wait3A_20 = tpu.memref_squeeze %dma_wait3A_19 : memref<1x1x79x128xi32, #tpu.memory_space<hbm>> -> memref<79x128xi32, #tpu.memory_space<hbm>>
      tpu.wait_dma2 semaphore(%run_scoped3A : memref<!tpu.dma_semaphore, #tpu.memory_space<semaphore_mem>>) src(%dma_wait3A_20 : memref<79x128xi32, #tpu.memory_space<hbm>>) dst(%arg8 : memref<79x128xi32, #tpu.memory_space<vmem>>)
      tpu.yield
    }) : () -> ()
    %barrier3A = arith.constant 0 : index
    tpu.barrier barrier_id(%barrier3A)
    %scan3A = arith.constant 0 : i32
    %scan3A_1 = arith.constant 0 : i32
    %scan3A_2 = arith.constant 79 : i32
    %scan3A_3 = arith.addi %scan3A_1, %scan3A_2 : i32
    %scan3A_4 = arith.constant 1 : i32
    scf.for %scan3A_7 = %scan3A_1 to %scan3A_3 step %scan3A_4  : i32 {
      %dma_start3A = arith.constant 0 : i32
      %dma_start3A_8 = tpu.memref_slice %arg7[%scan3A_7, %dma_start3A] : memref<79x128xi32, #tpu.memory_space<vmem>> -> memref<1x128xi32, #tpu.memory_space<vmem>>
      %dma_start3A_9 = tpu.memref_squeeze %dma_start3A_8 : memref<1x128xi32, #tpu.memory_space<vmem>> -> memref<128xi32, #tpu.memory_space<vmem>>
      %dma_start3A_10 = arith.constant 0 : i32
      %dma_start3A_11 = arith.constant 0 : i32
      %dma_start3A_12 = tpu.memref_slice %arg2[%dma_start3A_10, %dma_start3A_11] : memref<10000x128xf32, #tpu.memory_space<hbm>> -> memref<10000x128xf32, #tpu.memory_space<hbm>>
      tpu.enqueue_indirect_dma source(%dma_start3A_12 : memref<10000x128xf32, #tpu.memory_space<hbm>>) target(%arg9 : memref<128x128xf32, #tpu.memory_space<vmem>>) offsets(%dma_start3A_9 : memref<128xi32, #tpu.memory_space<vmem>>) semaphore(%arg11 : memref<!tpu.dma_semaphore, #tpu.memory_space<semaphore_mem>>)
      %dma_wait3A = arith.constant 0 : i32
      %dma_wait3A_13 = tpu.memref_slice %arg7[%scan3A_7, %dma_wait3A] : memref<79x128xi32, #tpu.memory_space<vmem>> -> memref<1x128xi32, #tpu.memory_space<vmem>>
      %dma_wait3A_14 = tpu.memref_squeeze %dma_wait3A_13 : memref<1x128xi32, #tpu.memory_space<vmem>> -> memref<128xi32, #tpu.memory_space<vmem>>
      %dma_wait3A_15 = arith.constant 0 : i32
      %dma_wait3A_16 = arith.constant 0 : i32
      %dma_wait3A_17 = tpu.memref_slice %arg2[%dma_wait3A_15, %dma_wait3A_16] : memref<10000x128xf32, #tpu.memory_space<hbm>> -> memref<10000x128xf32, #tpu.memory_space<hbm>>
      tpu.wait_indirect_dma semaphore(%arg11 : memref<!tpu.dma_semaphore, #tpu.memory_space<semaphore_mem>>) src(%dma_wait3A_17 : memref<10000x128xf32, #tpu.memory_space<hbm>>) dst(%arg9 : memref<128x128xf32, #tpu.memory_space<vmem>>)
      "tpu.region"() ({
        %run_scoped3A = tpu.sem_alloc : memref<!tpu.dma_semaphore, #tpu.memory_space<semaphore_mem>>
        %dma_start3A_18 = arith.constant 0 : i32
        %dma_start3A_19 = tpu.memref_slice %arg8[%scan3A_7, %dma_start3A_18] : memref<79x128xi32, #tpu.memory_space<vmem>> -> memref<1x128xi32, #tpu.memory_space<vmem>>
        %dma_start3A_20 = tpu.memref_squeeze %dma_start3A_19 : memref<1x128xi32, #tpu.memory_space<vmem>> -> memref<128xi32, #tpu.memory_space<vmem>>
        %dma_start3A_21 = arith.constant 0 : i32
        %dma_start3A_22 = arith.constant 0 : i32
        %dma_start3A_23 = tpu.memref_slice %arg10[%dma_start3A_21, %dma_start3A_22] : memref<10112x128xf32, #tpu.memory_space<vmem_shared>> -> memref<10112x128xf32, #tpu.memory_space<vmem_shared>>
        tpu.enqueue_indirect_dma source(%arg9 : memref<128x128xf32, #tpu.memory_space<vmem>>) target(%dma_start3A_23 : memref<10112x128xf32, #tpu.memory_space<vmem_shared>>) offsets(%dma_start3A_20 : memref<128xi32, #tpu.memory_space<vmem>>) semaphore(%run_scoped3A : memref<!tpu.dma_semaphore, #tpu.memory_space<semaphore_mem>>) {add = true}
        %dma_wait3A_24 = arith.constant 0 : i32
        %dma_wait3A_25 = tpu.memref_slice %arg8[%scan3A_7, %dma_wait3A_24] : memref<79x128xi32, #tpu.memory_space<vmem>> -> memref<1x128xi32, #tpu.memory_space<vmem>>
        %dma_wait3A_26 = tpu.memref_squeeze %dma_wait3A_25 : memref<1x128xi32, #tpu.memory_space<vmem>> -> memref<128xi32, #tpu.memory_space<vmem>>
        %dma_wait3A_27 = arith.constant 0 : i32
        %dma_wait3A_28 = arith.constant 0 : i32
        %dma_wait3A_29 = tpu.memref_slice %arg10[%dma_wait3A_27, %dma_wait3A_28] : memref<10112x128xf32, #tpu.memory_space<vmem_shared>> -> memref<10112x128xf32, #tpu.memory_space<vmem_shared>>
        tpu.wait_indirect_dma semaphore(%run_scoped3A : memref<!tpu.dma_semaphore, #tpu.memory_space<semaphore_mem>>) src(%arg9 : memref<128x128xf32, #tpu.memory_space<vmem>>) dst(%dma_wait3A_29 : memref<10112x128xf32, #tpu.memory_space<vmem_shared>>)
        tpu.yield
      }) : () -> ()
    }
    %scan3A_5 = arith.constant 79 : i32
    %barrier3A_6 = arith.constant 0 : index
    tpu.barrier barrier_id(%barrier3A_6)
    "tpu.region"() ({
      %run_scoped3A = tpu.sem_alloc : memref<!tpu.dma_semaphore, #tpu.memory_space<semaphore_mem>>
      %dma_start3A = arith.constant 0 : i32
      %dma_start3A_7 = tpu.memref_slice %arg6[%arg0, %mul3A_0, %dma_start3A] : memref<2x10112x128xf32, #tpu.memory_space<hbm>> -> memref<1x632x128xf32, #tpu.memory_space<hbm>>
      %dma_start3A_8 = tpu.memref_squeeze %dma_start3A_7 : memref<1x632x128xf32, #tpu.memory_space<hbm>> -> memref<632x128xf32, #tpu.memory_space<hbm>>
      %dma_start3A_9 = arith.constant 0 : i32
      %dma_start3A_10 = tpu.memref_slice %arg10[%mul3A_0, %dma_start3A_9] : memref<10112x128xf32, #tpu.memory_space<vmem_shared>> -> memref<632x128xf32, #tpu.memory_space<vmem_shared>>
      tpu.enqueue_dma source(%dma_start3A_10 : memref<632x128xf32, #tpu.memory_space<vmem_shared>>) target(%dma_start3A_8 : memref<632x128xf32, #tpu.memory_space<hbm>>) target_semaphore(%run_scoped3A : memref<!tpu.dma_semaphore, #tpu.memory_space<semaphore_mem>>)
      %dma_wait3A = arith.constant 0 : i32
      %dma_wait3A_11 = tpu.memref_slice %arg6[%arg0, %mul3A_0, %dma_wait3A] : memref<2x10112x128xf32, #tpu.memory_space<hbm>> -> memref<1x632x128xf32, #tpu.memory_space<hbm>>
      %dma_wait3A_12 = tpu.memref_squeeze %dma_wait3A_11 : memref<1x632x128xf32, #tpu.memory_space<hbm>> -> memref<632x128xf32, #tpu.memory_space<hbm>>
      %dma_wait3A_13 = arith.constant 0 : i32
      %dma_wait3A_14 = tpu.memref_slice %arg10[%mul3A_0, %dma_wait3A_13] : memref<10112x128xf32, #tpu.memory_space<vmem_shared>> -> memref<632x128xf32, #tpu.memory_space<vmem_shared>>
      tpu.wait_dma2 semaphore(%run_scoped3A : memref<!tpu.dma_semaphore, #tpu.memory_space<semaphore_mem>>) src(%dma_wait3A_14 : memref<632x128xf32, #tpu.memory_space<vmem_shared>>) dst(%dma_wait3A_12 : memref<632x128xf32, #tpu.memory_space<hbm>>)
      tpu.yield
    }) : () -> ()
    return
  }
}

#map = affine_map<(d0, d1) -> (0, 0)>
#map1 = affine_map<(d0, d1) -> (0, 0, 0, 0)>
#map2 = affine_map<(d0, d1) -> (0, 0, 0)>
module attributes {stable_mosaic.version = 14 : i64} {
  func.func @_prop_body(%arg0: i32, %arg1: i32, %arg2: memref<10000x128xf32, #tpu.memory_space<hbm>>, %arg3: memref<2x16x79x128xi32, #tpu.memory_space<hbm>>, %arg4: memref<2x16x79x128xi32, #tpu.memory_space<hbm>>, %arg5: memref<10112x128xf32, #tpu.memory_space<hbm>>, %arg6: memref<2x10112x128xf32, #tpu.memory_space<hbm>>, %arg7: memref<79x128xi32, #tpu.memory_space<vmem>>, %arg8: memref<79x128xi32, #tpu.memory_space<vmem>>, %arg9: memref<128x128xf32, #tpu.memory_space<vmem>>, %arg10: memref<10112x128xf32, #tpu.memory_space<vmem_shared>>, %arg11: memref<!tpu.dma_semaphore, #tpu.memory_space<semaphore_mem>>) attributes {dimension_semantics = [#tpu.dimension_semantics<core_parallel>, #tpu.dimension_semantics<subcore_parallel>], iteration_bounds = array<i64: 2, 16>, scalar_prefetch = 0 : i64, scratch_operands = 5 : i64, tpu.core_type = #tpu.core_type<sc_vector_subcore>, window_params = [{transform_indices = #map}, {transform_indices = #map1}, {transform_indices = #map1}, {transform_indices = #map}, {transform_indices = #map2}]} {
    %mul3A = arith.constant 632 : i32
    %mul3A_0 = arith.muli %arg1, %mul3A : i32
    "tpu.region"() ({
      %run_scoped3A = tpu.sem_alloc : memref<!tpu.dma_semaphore, #tpu.memory_space<semaphore_mem>>
      %dma_start3A = arith.constant 0 : i32
      %dma_start3A_7 = tpu.memref_slice %arg10[%mul3A_0, %dma_start3A] : memref<10112x128xf32, #tpu.memory_space<vmem_shared>> -> memref<632x128xf32, #tpu.memory_space<vmem_shared>>
      %dma_start3A_8 = arith.constant 0 : i32
      %dma_start3A_9 = tpu.memref_slice %arg5[%mul3A_0, %dma_start3A_8] : memref<10112x128xf32, #tpu.memory_space<hbm>> -> memref<632x128xf32, #tpu.memory_space<hbm>>
      tpu.enqueue_dma source(%dma_start3A_9 : memref<632x128xf32, #tpu.memory_space<hbm>>) target(%dma_start3A_7 : memref<632x128xf32, #tpu.memory_space<vmem_shared>>) target_semaphore(%run_scoped3A : memref<!tpu.dma_semaphore, #tpu.memory_space<semaphore_mem>>)
      %dma_wait3A = arith.constant 0 : i32
      %dma_wait3A_10 = tpu.memref_slice %arg10[%mul3A_0, %dma_wait3A] : memref<10112x128xf32, #tpu.memory_space<vmem_shared>> -> memref<632x128xf32, #tpu.memory_space<vmem_shared>>
      %dma_wait3A_11 = arith.constant 0 : i32
      %dma_wait3A_12 = tpu.memref_slice %arg5[%mul3A_0, %dma_wait3A_11] : memref<10112x128xf32, #tpu.memory_space<hbm>> -> memref<632x128xf32, #tpu.memory_space<hbm>>
      tpu.wait_dma2 semaphore(%run_scoped3A : memref<!tpu.dma_semaphore, #tpu.memory_space<semaphore_mem>>) src(%dma_wait3A_12 : memref<632x128xf32, #tpu.memory_space<hbm>>) dst(%dma_wait3A_10 : memref<632x128xf32, #tpu.memory_space<vmem_shared>>)
      tpu.yield
    }) : () -> ()
    "tpu.region"() ({
      %run_scoped3A = tpu.sem_alloc : memref<!tpu.dma_semaphore, #tpu.memory_space<semaphore_mem>>
      %dma_start3A = arith.constant 0 : i32
      %dma_start3A_7 = arith.constant 0 : i32
      %dma_start3A_8 = tpu.memref_slice %arg3[%arg0, %arg1, %dma_start3A, %dma_start3A_7] : memref<2x16x79x128xi32, #tpu.memory_space<hbm>> -> memref<1x1x79x128xi32, #tpu.memory_space<hbm>>
      %dma_start3A_9 = tpu.memref_squeeze %dma_start3A_8 : memref<1x1x79x128xi32, #tpu.memory_space<hbm>> -> memref<79x128xi32, #tpu.memory_space<hbm>>
      %dma_start3A_10 = arith.constant 0 : i32
      %dma_start3A_11 = arith.constant 0 : i32
      %dma_start3A_12 = tpu.memref_slice %arg3[%arg0, %arg1, %dma_start3A_10, %dma_start3A_11] : memref<2x16x79x128xi32, #tpu.memory_space<hbm>> -> memref<1x1x79x128xi32, #tpu.memory_space<hbm>>
      %dma_start3A_13 = tpu.memref_squeeze %dma_start3A_12 : memref<1x1x79x128xi32, #tpu.memory_space<hbm>> -> memref<79x128xi32, #tpu.memory_space<hbm>>
      tpu.enqueue_dma source(%dma_start3A_13 : memref<79x128xi32, #tpu.memory_space<hbm>>) target(%arg7 : memref<79x128xi32, #tpu.memory_space<vmem>>) target_semaphore(%run_scoped3A : memref<!tpu.dma_semaphore, #tpu.memory_space<semaphore_mem>>)
      %dma_wait3A = arith.constant 0 : i32
      %dma_wait3A_14 = arith.constant 0 : i32
      %dma_wait3A_15 = tpu.memref_slice %arg3[%arg0, %arg1, %dma_wait3A, %dma_wait3A_14] : memref<2x16x79x128xi32, #tpu.memory_space<hbm>> -> memref<1x1x79x128xi32, #tpu.memory_space<hbm>>
      %dma_wait3A_16 = tpu.memref_squeeze %dma_wait3A_15 : memref<1x1x79x128xi32, #tpu.memory_space<hbm>> -> memref<79x128xi32, #tpu.memory_space<hbm>>
      %dma_wait3A_17 = arith.constant 0 : i32
      %dma_wait3A_18 = arith.constant 0 : i32
      %dma_wait3A_19 = tpu.memref_slice %arg3[%arg0, %arg1, %dma_wait3A_17, %dma_wait3A_18] : memref<2x16x79x128xi32, #tpu.memory_space<hbm>> -> memref<1x1x79x128xi32, #tpu.memory_space<hbm>>
      %dma_wait3A_20 = tpu.memref_squeeze %dma_wait3A_19 : memref<1x1x79x128xi32, #tpu.memory_space<hbm>> -> memref<79x128xi32, #tpu.memory_space<hbm>>
      tpu.wait_dma2 semaphore(%run_scoped3A : memref<!tpu.dma_semaphore, #tpu.memory_space<semaphore_mem>>) src(%dma_wait3A_20 : memref<79x128xi32, #tpu.memory_space<hbm>>) dst(%arg7 : memref<79x128xi32, #tpu.memory_space<vmem>>)
      tpu.yield
    }) : () -> ()
    "tpu.region"() ({
      %run_scoped3A = tpu.sem_alloc : memref<!tpu.dma_semaphore, #tpu.memory_space<semaphore_mem>>
      %dma_start3A = arith.constant 0 : i32
      %dma_start3A_7 = arith.constant 0 : i32
      %dma_start3A_8 = tpu.memref_slice %arg4[%arg0, %arg1, %dma_start3A, %dma_start3A_7] : memref<2x16x79x128xi32, #tpu.memory_space<hbm>> -> memref<1x1x79x128xi32, #tpu.memory_space<hbm>>
      %dma_start3A_9 = tpu.memref_squeeze %dma_start3A_8 : memref<1x1x79x128xi32, #tpu.memory_space<hbm>> -> memref<79x128xi32, #tpu.memory_space<hbm>>
      %dma_start3A_10 = arith.constant 0 : i32
      %dma_start3A_11 = arith.constant 0 : i32
      %dma_start3A_12 = tpu.memref_slice %arg4[%arg0, %arg1, %dma_start3A_10, %dma_start3A_11] : memref<2x16x79x128xi32, #tpu.memory_space<hbm>> -> memref<1x1x79x128xi32, #tpu.memory_space<hbm>>
      %dma_start3A_13 = tpu.memref_squeeze %dma_start3A_12 : memref<1x1x79x128xi32, #tpu.memory_space<hbm>> -> memref<79x128xi32, #tpu.memory_space<hbm>>
      tpu.enqueue_dma source(%dma_start3A_13 : memref<79x128xi32, #tpu.memory_space<hbm>>) target(%arg8 : memref<79x128xi32, #tpu.memory_space<vmem>>) target_semaphore(%run_scoped3A : memref<!tpu.dma_semaphore, #tpu.memory_space<semaphore_mem>>)
      %dma_wait3A = arith.constant 0 : i32
      %dma_wait3A_14 = arith.constant 0 : i32
      %dma_wait3A_15 = tpu.memref_slice %arg4[%arg0, %arg1, %dma_wait3A, %dma_wait3A_14] : memref<2x16x79x128xi32, #tpu.memory_space<hbm>> -> memref<1x1x79x128xi32, #tpu.memory_space<hbm>>
      %dma_wait3A_16 = tpu.memref_squeeze %dma_wait3A_15 : memref<1x1x79x128xi32, #tpu.memory_space<hbm>> -> memref<79x128xi32, #tpu.memory_space<hbm>>
      %dma_wait3A_17 = arith.constant 0 : i32
      %dma_wait3A_18 = arith.constant 0 : i32
      %dma_wait3A_19 = tpu.memref_slice %arg4[%arg0, %arg1, %dma_wait3A_17, %dma_wait3A_18] : memref<2x16x79x128xi32, #tpu.memory_space<hbm>> -> memref<1x1x79x128xi32, #tpu.memory_space<hbm>>
      %dma_wait3A_20 = tpu.memref_squeeze %dma_wait3A_19 : memref<1x1x79x128xi32, #tpu.memory_space<hbm>> -> memref<79x128xi32, #tpu.memory_space<hbm>>
      tpu.wait_dma2 semaphore(%run_scoped3A : memref<!tpu.dma_semaphore, #tpu.memory_space<semaphore_mem>>) src(%dma_wait3A_20 : memref<79x128xi32, #tpu.memory_space<hbm>>) dst(%arg8 : memref<79x128xi32, #tpu.memory_space<vmem>>)
      tpu.yield
    }) : () -> ()
    %barrier3A = arith.constant 0 : index
    tpu.barrier barrier_id(%barrier3A)
    %scan3A = arith.constant 0 : i32
    %scan3A_1 = arith.constant 0 : i32
    %scan3A_2 = arith.constant 79 : i32
    %scan3A_3 = arith.addi %scan3A_1, %scan3A_2 : i32
    %scan3A_4 = arith.constant 1 : i32
    scf.for %scan3A_7 = %scan3A_1 to %scan3A_3 step %scan3A_4  : i32 {
      %dma_start3A = arith.constant 0 : i32
      %dma_start3A_8 = tpu.memref_slice %arg7[%scan3A_7, %dma_start3A] : memref<79x128xi32, #tpu.memory_space<vmem>> -> memref<1x128xi32, #tpu.memory_space<vmem>>
      %dma_start3A_9 = tpu.memref_squeeze %dma_start3A_8 : memref<1x128xi32, #tpu.memory_space<vmem>> -> memref<128xi32, #tpu.memory_space<vmem>>
      %dma_start3A_10 = arith.constant 0 : i32
      %dma_start3A_11 = arith.constant 0 : i32
      %dma_start3A_12 = tpu.memref_slice %arg2[%dma_start3A_10, %dma_start3A_11] : memref<10000x128xf32, #tpu.memory_space<hbm>> -> memref<10000x128xf32, #tpu.memory_space<hbm>>
      tpu.enqueue_indirect_dma source(%dma_start3A_12 : memref<10000x128xf32, #tpu.memory_space<hbm>>) target(%arg9 : memref<128x128xf32, #tpu.memory_space<vmem>>) offsets(%dma_start3A_9 : memref<128xi32, #tpu.memory_space<vmem>>) semaphore(%arg11 : memref<!tpu.dma_semaphore, #tpu.memory_space<semaphore_mem>>)
      %dma_wait3A = arith.constant 0 : i32
      %dma_wait3A_13 = tpu.memref_slice %arg7[%scan3A_7, %dma_wait3A] : memref<79x128xi32, #tpu.memory_space<vmem>> -> memref<1x128xi32, #tpu.memory_space<vmem>>
      %dma_wait3A_14 = tpu.memref_squeeze %dma_wait3A_13 : memref<1x128xi32, #tpu.memory_space<vmem>> -> memref<128xi32, #tpu.memory_space<vmem>>
      %dma_wait3A_15 = arith.constant 0 : i32
      %dma_wait3A_16 = arith.constant 0 : i32
      %dma_wait3A_17 = tpu.memref_slice %arg2[%dma_wait3A_15, %dma_wait3A_16] : memref<10000x128xf32, #tpu.memory_space<hbm>> -> memref<10000x128xf32, #tpu.memory_space<hbm>>
      tpu.wait_indirect_dma semaphore(%arg11 : memref<!tpu.dma_semaphore, #tpu.memory_space<semaphore_mem>>) src(%dma_wait3A_17 : memref<10000x128xf32, #tpu.memory_space<hbm>>) dst(%arg9 : memref<128x128xf32, #tpu.memory_space<vmem>>)
      "tpu.region"() ({
        %run_scoped3A = tpu.sem_alloc : memref<!tpu.dma_semaphore, #tpu.memory_space<semaphore_mem>>
        %dma_start3A_18 = arith.constant 0 : i32
        %dma_start3A_19 = tpu.memref_slice %arg8[%scan3A_7, %dma_start3A_18] : memref<79x128xi32, #tpu.memory_space<vmem>> -> memref<1x128xi32, #tpu.memory_space<vmem>>
        %dma_start3A_20 = tpu.memref_squeeze %dma_start3A_19 : memref<1x128xi32, #tpu.memory_space<vmem>> -> memref<128xi32, #tpu.memory_space<vmem>>
        %dma_start3A_21 = arith.constant 0 : i32
        %dma_start3A_22 = arith.constant 0 : i32
        %dma_start3A_23 = tpu.memref_slice %arg10[%dma_start3A_21, %dma_start3A_22] : memref<10112x128xf32, #tpu.memory_space<vmem_shared>> -> memref<10112x128xf32, #tpu.memory_space<vmem_shared>>
        tpu.enqueue_indirect_dma source(%arg9 : memref<128x128xf32, #tpu.memory_space<vmem>>) target(%dma_start3A_23 : memref<10112x128xf32, #tpu.memory_space<vmem_shared>>) offsets(%dma_start3A_20 : memref<128xi32, #tpu.memory_space<vmem>>) semaphore(%run_scoped3A : memref<!tpu.dma_semaphore, #tpu.memory_space<semaphore_mem>>) {add = true}
        %dma_wait3A_24 = arith.constant 0 : i32
        %dma_wait3A_25 = tpu.memref_slice %arg8[%scan3A_7, %dma_wait3A_24] : memref<79x128xi32, #tpu.memory_space<vmem>> -> memref<1x128xi32, #tpu.memory_space<vmem>>
        %dma_wait3A_26 = tpu.memref_squeeze %dma_wait3A_25 : memref<1x128xi32, #tpu.memory_space<vmem>> -> memref<128xi32, #tpu.memory_space<vmem>>
        %dma_wait3A_27 = arith.constant 0 : i32
        %dma_wait3A_28 = arith.constant 0 : i32
        %dma_wait3A_29 = tpu.memref_slice %arg10[%dma_wait3A_27, %dma_wait3A_28] : memref<10112x128xf32, #tpu.memory_space<vmem_shared>> -> memref<10112x128xf32, #tpu.memory_space<vmem_shared>>
        tpu.wait_indirect_dma semaphore(%run_scoped3A : memref<!tpu.dma_semaphore, #tpu.memory_space<semaphore_mem>>) src(%arg9 : memref<128x128xf32, #tpu.memory_space<vmem>>) dst(%dma_wait3A_29 : memref<10112x128xf32, #tpu.memory_space<vmem_shared>>)
        tpu.yield
      }) : () -> ()
    }
    %scan3A_5 = arith.constant 79 : i32
    %barrier3A_6 = arith.constant 0 : index
    tpu.barrier barrier_id(%barrier3A_6)
    "tpu.region"() ({
      %run_scoped3A = tpu.sem_alloc : memref<!tpu.dma_semaphore, #tpu.memory_space<semaphore_mem>>
      %dma_start3A = arith.constant 0 : i32
      %dma_start3A_7 = tpu.memref_slice %arg6[%arg0, %mul3A_0, %dma_start3A] : memref<2x10112x128xf32, #tpu.memory_space<hbm>> -> memref<1x632x128xf32, #tpu.memory_space<hbm>>
      %dma_start3A_8 = tpu.memref_squeeze %dma_start3A_7 : memref<1x632x128xf32, #tpu.memory_space<hbm>> -> memref<632x128xf32, #tpu.memory_space<hbm>>
      %dma_start3A_9 = arith.constant 0 : i32
      %dma_start3A_10 = tpu.memref_slice %arg10[%mul3A_0, %dma_start3A_9] : memref<10112x128xf32, #tpu.memory_space<vmem_shared>> -> memref<632x128xf32, #tpu.memory_space<vmem_shared>>
      tpu.enqueue_dma source(%dma_start3A_10 : memref<632x128xf32, #tpu.memory_space<vmem_shared>>) target(%dma_start3A_8 : memref<632x128xf32, #tpu.memory_space<hbm>>) target_semaphore(%run_scoped3A : memref<!tpu.dma_semaphore, #tpu.memory_space<semaphore_mem>>)
      %dma_wait3A = arith.constant 0 : i32
      %dma_wait3A_11 = tpu.memref_slice %arg6[%arg0, %mul3A_0, %dma_wait3A] : memref<2x10112x128xf32, #tpu.memory_space<hbm>> -> memref<1x632x128xf32, #tpu.memory_space<hbm>>
      %dma_wait3A_12 = tpu.memref_squeeze %dma_wait3A_11 : memref<1x632x128xf32, #tpu.memory_space<hbm>> -> memref<632x128xf32, #tpu.memory_space<hbm>>
      %dma_wait3A_13 = arith.constant 0 : i32
      %dma_wait3A_14 = tpu.memref_slice %arg10[%mul3A_0, %dma_wait3A_13] : memref<10112x128xf32, #tpu.memory_space<vmem_shared>> -> memref<632x128xf32, #tpu.memory_space<vmem_shared>>
      tpu.wait_dma2 semaphore(%run_scoped3A : memref<!tpu.dma_semaphore, #tpu.memory_space<semaphore_mem>>) src(%dma_wait3A_14 : memref<632x128xf32, #tpu.memory_space<vmem_shared>>) dst(%dma_wait3A_12 : memref<632x128xf32, #tpu.memory_space<hbm>>)
      tpu.yield
    }) : () -> ()
    return
  }
}

#map = affine_map<(d0, d1) -> (0, 0)>
#map1 = affine_map<(d0, d1) -> (0, 0, 0, 0)>
#map2 = affine_map<(d0, d1) -> (0, 0, 0)>
module attributes {stable_mosaic.version = 14 : i64} {
  func.func @_prop_body(%arg0: i32, %arg1: i32, %arg2: memref<10000x128xf32, #tpu.memory_space<hbm>>, %arg3: memref<2x16x79x128xi32, #tpu.memory_space<hbm>>, %arg4: memref<2x16x79x128xi32, #tpu.memory_space<hbm>>, %arg5: memref<10112x128xf32, #tpu.memory_space<hbm>>, %arg6: memref<2x10112x128xf32, #tpu.memory_space<hbm>>, %arg7: memref<79x128xi32, #tpu.memory_space<vmem>>, %arg8: memref<79x128xi32, #tpu.memory_space<vmem>>, %arg9: memref<128x128xf32, #tpu.memory_space<vmem>>, %arg10: memref<10112x128xf32, #tpu.memory_space<vmem_shared>>, %arg11: memref<!tpu.dma_semaphore, #tpu.memory_space<semaphore_mem>>) attributes {dimension_semantics = [#tpu.dimension_semantics<core_parallel>, #tpu.dimension_semantics<subcore_parallel>], iteration_bounds = array<i64: 2, 16>, scalar_prefetch = 0 : i64, scratch_operands = 5 : i64, tpu.core_type = #tpu.core_type<sc_vector_subcore>, window_params = [{transform_indices = #map}, {transform_indices = #map1}, {transform_indices = #map1}, {transform_indices = #map}, {transform_indices = #map2}]} {
    %mul3A = arith.constant 632 : i32
    %mul3A_0 = arith.muli %arg1, %mul3A : i32
    "tpu.region"() ({
      %run_scoped3A = tpu.sem_alloc : memref<!tpu.dma_semaphore, #tpu.memory_space<semaphore_mem>>
      %dma_start3A = arith.constant 0 : i32
      %dma_start3A_7 = tpu.memref_slice %arg10[%mul3A_0, %dma_start3A] : memref<10112x128xf32, #tpu.memory_space<vmem_shared>> -> memref<632x128xf32, #tpu.memory_space<vmem_shared>>
      %dma_start3A_8 = arith.constant 0 : i32
      %dma_start3A_9 = tpu.memref_slice %arg5[%mul3A_0, %dma_start3A_8] : memref<10112x128xf32, #tpu.memory_space<hbm>> -> memref<632x128xf32, #tpu.memory_space<hbm>>
      tpu.enqueue_dma source(%dma_start3A_9 : memref<632x128xf32, #tpu.memory_space<hbm>>) target(%dma_start3A_7 : memref<632x128xf32, #tpu.memory_space<vmem_shared>>) target_semaphore(%run_scoped3A : memref<!tpu.dma_semaphore, #tpu.memory_space<semaphore_mem>>)
      %dma_wait3A = arith.constant 0 : i32
      %dma_wait3A_10 = tpu.memref_slice %arg10[%mul3A_0, %dma_wait3A] : memref<10112x128xf32, #tpu.memory_space<vmem_shared>> -> memref<632x128xf32, #tpu.memory_space<vmem_shared>>
      %dma_wait3A_11 = arith.constant 0 : i32
      %dma_wait3A_12 = tpu.memref_slice %arg5[%mul3A_0, %dma_wait3A_11] : memref<10112x128xf32, #tpu.memory_space<hbm>> -> memref<632x128xf32, #tpu.memory_space<hbm>>
      tpu.wait_dma2 semaphore(%run_scoped3A : memref<!tpu.dma_semaphore, #tpu.memory_space<semaphore_mem>>) src(%dma_wait3A_12 : memref<632x128xf32, #tpu.memory_space<hbm>>) dst(%dma_wait3A_10 : memref<632x128xf32, #tpu.memory_space<vmem_shared>>)
      tpu.yield
    }) : () -> ()
    "tpu.region"() ({
      %run_scoped3A = tpu.sem_alloc : memref<!tpu.dma_semaphore, #tpu.memory_space<semaphore_mem>>
      %dma_start3A = arith.constant 0 : i32
      %dma_start3A_7 = arith.constant 0 : i32
      %dma_start3A_8 = tpu.memref_slice %arg3[%arg0, %arg1, %dma_start3A, %dma_start3A_7] : memref<2x16x79x128xi32, #tpu.memory_space<hbm>> -> memref<1x1x79x128xi32, #tpu.memory_space<hbm>>
      %dma_start3A_9 = tpu.memref_squeeze %dma_start3A_8 : memref<1x1x79x128xi32, #tpu.memory_space<hbm>> -> memref<79x128xi32, #tpu.memory_space<hbm>>
      %dma_start3A_10 = arith.constant 0 : i32
      %dma_start3A_11 = arith.constant 0 : i32
      %dma_start3A_12 = tpu.memref_slice %arg3[%arg0, %arg1, %dma_start3A_10, %dma_start3A_11] : memref<2x16x79x128xi32, #tpu.memory_space<hbm>> -> memref<1x1x79x128xi32, #tpu.memory_space<hbm>>
      %dma_start3A_13 = tpu.memref_squeeze %dma_start3A_12 : memref<1x1x79x128xi32, #tpu.memory_space<hbm>> -> memref<79x128xi32, #tpu.memory_space<hbm>>
      tpu.enqueue_dma source(%dma_start3A_13 : memref<79x128xi32, #tpu.memory_space<hbm>>) target(%arg7 : memref<79x128xi32, #tpu.memory_space<vmem>>) target_semaphore(%run_scoped3A : memref<!tpu.dma_semaphore, #tpu.memory_space<semaphore_mem>>)
      %dma_wait3A = arith.constant 0 : i32
      %dma_wait3A_14 = arith.constant 0 : i32
      %dma_wait3A_15 = tpu.memref_slice %arg3[%arg0, %arg1, %dma_wait3A, %dma_wait3A_14] : memref<2x16x79x128xi32, #tpu.memory_space<hbm>> -> memref<1x1x79x128xi32, #tpu.memory_space<hbm>>
      %dma_wait3A_16 = tpu.memref_squeeze %dma_wait3A_15 : memref<1x1x79x128xi32, #tpu.memory_space<hbm>> -> memref<79x128xi32, #tpu.memory_space<hbm>>
      %dma_wait3A_17 = arith.constant 0 : i32
      %dma_wait3A_18 = arith.constant 0 : i32
      %dma_wait3A_19 = tpu.memref_slice %arg3[%arg0, %arg1, %dma_wait3A_17, %dma_wait3A_18] : memref<2x16x79x128xi32, #tpu.memory_space<hbm>> -> memref<1x1x79x128xi32, #tpu.memory_space<hbm>>
      %dma_wait3A_20 = tpu.memref_squeeze %dma_wait3A_19 : memref<1x1x79x128xi32, #tpu.memory_space<hbm>> -> memref<79x128xi32, #tpu.memory_space<hbm>>
      tpu.wait_dma2 semaphore(%run_scoped3A : memref<!tpu.dma_semaphore, #tpu.memory_space<semaphore_mem>>) src(%dma_wait3A_20 : memref<79x128xi32, #tpu.memory_space<hbm>>) dst(%arg7 : memref<79x128xi32, #tpu.memory_space<vmem>>)
      tpu.yield
    }) : () -> ()
    "tpu.region"() ({
      %run_scoped3A = tpu.sem_alloc : memref<!tpu.dma_semaphore, #tpu.memory_space<semaphore_mem>>
      %dma_start3A = arith.constant 0 : i32
      %dma_start3A_7 = arith.constant 0 : i32
      %dma_start3A_8 = tpu.memref_slice %arg4[%arg0, %arg1, %dma_start3A, %dma_start3A_7] : memref<2x16x79x128xi32, #tpu.memory_space<hbm>> -> memref<1x1x79x128xi32, #tpu.memory_space<hbm>>
      %dma_start3A_9 = tpu.memref_squeeze %dma_start3A_8 : memref<1x1x79x128xi32, #tpu.memory_space<hbm>> -> memref<79x128xi32, #tpu.memory_space<hbm>>
      %dma_start3A_10 = arith.constant 0 : i32
      %dma_start3A_11 = arith.constant 0 : i32
      %dma_start3A_12 = tpu.memref_slice %arg4[%arg0, %arg1, %dma_start3A_10, %dma_start3A_11] : memref<2x16x79x128xi32, #tpu.memory_space<hbm>> -> memref<1x1x79x128xi32, #tpu.memory_space<hbm>>
      %dma_start3A_13 = tpu.memref_squeeze %dma_start3A_12 : memref<1x1x79x128xi32, #tpu.memory_space<hbm>> -> memref<79x128xi32, #tpu.memory_space<hbm>>
      tpu.enqueue_dma source(%dma_start3A_13 : memref<79x128xi32, #tpu.memory_space<hbm>>) target(%arg8 : memref<79x128xi32, #tpu.memory_space<vmem>>) target_semaphore(%run_scoped3A : memref<!tpu.dma_semaphore, #tpu.memory_space<semaphore_mem>>)
      %dma_wait3A = arith.constant 0 : i32
      %dma_wait3A_14 = arith.constant 0 : i32
      %dma_wait3A_15 = tpu.memref_slice %arg4[%arg0, %arg1, %dma_wait3A, %dma_wait3A_14] : memref<2x16x79x128xi32, #tpu.memory_space<hbm>> -> memref<1x1x79x128xi32, #tpu.memory_space<hbm>>
      %dma_wait3A_16 = tpu.memref_squeeze %dma_wait3A_15 : memref<1x1x79x128xi32, #tpu.memory_space<hbm>> -> memref<79x128xi32, #tpu.memory_space<hbm>>
      %dma_wait3A_17 = arith.constant 0 : i32
      %dma_wait3A_18 = arith.constant 0 : i32
      %dma_wait3A_19 = tpu.memref_slice %arg4[%arg0, %arg1, %dma_wait3A_17, %dma_wait3A_18] : memref<2x16x79x128xi32, #tpu.memory_space<hbm>> -> memref<1x1x79x128xi32, #tpu.memory_space<hbm>>
      %dma_wait3A_20 = tpu.memref_squeeze %dma_wait3A_19 : memref<1x1x79x128xi32, #tpu.memory_space<hbm>> -> memref<79x128xi32, #tpu.memory_space<hbm>>
      tpu.wait_dma2 semaphore(%run_scoped3A : memref<!tpu.dma_semaphore, #tpu.memory_space<semaphore_mem>>) src(%dma_wait3A_20 : memref<79x128xi32, #tpu.memory_space<hbm>>) dst(%arg8 : memref<79x128xi32, #tpu.memory_space<vmem>>)
      tpu.yield
    }) : () -> ()
    %barrier3A = arith.constant 0 : index
    tpu.barrier barrier_id(%barrier3A)
    %scan3A = arith.constant 0 : i32
    %scan3A_1 = arith.constant 0 : i32
    %scan3A_2 = arith.constant 79 : i32
    %scan3A_3 = arith.addi %scan3A_1, %scan3A_2 : i32
    %scan3A_4 = arith.constant 1 : i32
    scf.for %scan3A_7 = %scan3A_1 to %scan3A_3 step %scan3A_4  : i32 {
      %dma_start3A = arith.constant 0 : i32
      %dma_start3A_8 = tpu.memref_slice %arg7[%scan3A_7, %dma_start3A] : memref<79x128xi32, #tpu.memory_space<vmem>> -> memref<1x128xi32, #tpu.memory_space<vmem>>
      %dma_start3A_9 = tpu.memref_squeeze %dma_start3A_8 : memref<1x128xi32, #tpu.memory_space<vmem>> -> memref<128xi32, #tpu.memory_space<vmem>>
      %dma_start3A_10 = arith.constant 0 : i32
      %dma_start3A_11 = arith.constant 0 : i32
      %dma_start3A_12 = tpu.memref_slice %arg2[%dma_start3A_10, %dma_start3A_11] : memref<10000x128xf32, #tpu.memory_space<hbm>> -> memref<10000x128xf32, #tpu.memory_space<hbm>>
      tpu.enqueue_indirect_dma source(%dma_start3A_12 : memref<10000x128xf32, #tpu.memory_space<hbm>>) target(%arg9 : memref<128x128xf32, #tpu.memory_space<vmem>>) offsets(%dma_start3A_9 : memref<128xi32, #tpu.memory_space<vmem>>) semaphore(%arg11 : memref<!tpu.dma_semaphore, #tpu.memory_space<semaphore_mem>>)
      %dma_wait3A = arith.constant 0 : i32
      %dma_wait3A_13 = tpu.memref_slice %arg7[%scan3A_7, %dma_wait3A] : memref<79x128xi32, #tpu.memory_space<vmem>> -> memref<1x128xi32, #tpu.memory_space<vmem>>
      %dma_wait3A_14 = tpu.memref_squeeze %dma_wait3A_13 : memref<1x128xi32, #tpu.memory_space<vmem>> -> memref<128xi32, #tpu.memory_space<vmem>>
      %dma_wait3A_15 = arith.constant 0 : i32
      %dma_wait3A_16 = arith.constant 0 : i32
      %dma_wait3A_17 = tpu.memref_slice %arg2[%dma_wait3A_15, %dma_wait3A_16] : memref<10000x128xf32, #tpu.memory_space<hbm>> -> memref<10000x128xf32, #tpu.memory_space<hbm>>
      tpu.wait_indirect_dma semaphore(%arg11 : memref<!tpu.dma_semaphore, #tpu.memory_space<semaphore_mem>>) src(%dma_wait3A_17 : memref<10000x128xf32, #tpu.memory_space<hbm>>) dst(%arg9 : memref<128x128xf32, #tpu.memory_space<vmem>>)
      "tpu.region"() ({
        %run_scoped3A = tpu.sem_alloc : memref<!tpu.dma_semaphore, #tpu.memory_space<semaphore_mem>>
        %dma_start3A_18 = arith.constant 0 : i32
        %dma_start3A_19 = tpu.memref_slice %arg8[%scan3A_7, %dma_start3A_18] : memref<79x128xi32, #tpu.memory_space<vmem>> -> memref<1x128xi32, #tpu.memory_space<vmem>>
        %dma_start3A_20 = tpu.memref_squeeze %dma_start3A_19 : memref<1x128xi32, #tpu.memory_space<vmem>> -> memref<128xi32, #tpu.memory_space<vmem>>
        %dma_start3A_21 = arith.constant 0 : i32
        %dma_start3A_22 = arith.constant 0 : i32
        %dma_start3A_23 = tpu.memref_slice %arg10[%dma_start3A_21, %dma_start3A_22] : memref<10112x128xf32, #tpu.memory_space<vmem_shared>> -> memref<10112x128xf32, #tpu.memory_space<vmem_shared>>
        tpu.enqueue_indirect_dma source(%arg9 : memref<128x128xf32, #tpu.memory_space<vmem>>) target(%dma_start3A_23 : memref<10112x128xf32, #tpu.memory_space<vmem_shared>>) offsets(%dma_start3A_20 : memref<128xi32, #tpu.memory_space<vmem>>) semaphore(%run_scoped3A : memref<!tpu.dma_semaphore, #tpu.memory_space<semaphore_mem>>) {add = true}
        %dma_wait3A_24 = arith.constant 0 : i32
        %dma_wait3A_25 = tpu.memref_slice %arg8[%scan3A_7, %dma_wait3A_24] : memref<79x128xi32, #tpu.memory_space<vmem>> -> memref<1x128xi32, #tpu.memory_space<vmem>>
        %dma_wait3A_26 = tpu.memref_squeeze %dma_wait3A_25 : memref<1x128xi32, #tpu.memory_space<vmem>> -> memref<128xi32, #tpu.memory_space<vmem>>
        %dma_wait3A_27 = arith.constant 0 : i32
        %dma_wait3A_28 = arith.constant 0 : i32
        %dma_wait3A_29 = tpu.memref_slice %arg10[%dma_wait3A_27, %dma_wait3A_28] : memref<10112x128xf32, #tpu.memory_space<vmem_shared>> -> memref<10112x128xf32, #tpu.memory_space<vmem_shared>>
        tpu.wait_indirect_dma semaphore(%run_scoped3A : memref<!tpu.dma_semaphore, #tpu.memory_space<semaphore_mem>>) src(%arg9 : memref<128x128xf32, #tpu.memory_space<vmem>>) dst(%dma_wait3A_29 : memref<10112x128xf32, #tpu.memory_space<vmem_shared>>)
        tpu.yield
      }) : () -> ()
    }
    %scan3A_5 = arith.constant 79 : i32
    %barrier3A_6 = arith.constant 0 : index
    tpu.barrier barrier_id(%barrier3A_6)
    "tpu.region"() ({
      %run_scoped3A = tpu.sem_alloc : memref<!tpu.dma_semaphore, #tpu.memory_space<semaphore_mem>>
      %dma_start3A = arith.constant 0 : i32
      %dma_start3A_7 = tpu.memref_slice %arg6[%arg0, %mul3A_0, %dma_start3A] : memref<2x10112x128xf32, #tpu.memory_space<hbm>> -> memref<1x632x128xf32, #tpu.memory_space<hbm>>
      %dma_start3A_8 = tpu.memref_squeeze %dma_start3A_7 : memref<1x632x128xf32, #tpu.memory_space<hbm>> -> memref<632x128xf32, #tpu.memory_space<hbm>>
      %dma_start3A_9 = arith.constant 0 : i32
      %dma_start3A_10 = tpu.memref_slice %arg10[%mul3A_0, %dma_start3A_9] : memref<10112x128xf32, #tpu.memory_space<vmem_shared>> -> memref<632x128xf32, #tpu.memory_space<vmem_shared>>
      tpu.enqueue_dma source(%dma_start3A_10 : memref<632x128xf32, #tpu.memory_space<vmem_shared>>) target(%dma_start3A_8 : memref<632x128xf32, #tpu.memory_space<hbm>>) target_semaphore(%run_scoped3A : memref<!tpu.dma_semaphore, #tpu.memory_space<semaphore_mem>>)
      %dma_wait3A = arith.constant 0 : i32
      %dma_wait3A_11 = tpu.memref_slice %arg6[%arg0, %mul3A_0, %dma_wait3A] : memref<2x10112x128xf32, #tpu.memory_space<hbm>> -> memref<1x632x128xf32, #tpu.memory_space<hbm>>
      %dma_wait3A_12 = tpu.memref_squeeze %dma_wait3A_11 : memref<1x632x128xf32, #tpu.memory_space<hbm>> -> memref<632x128xf32, #tpu.memory_space<hbm>>
      %dma_wait3A_13 = arith.constant 0 : i32
      %dma_wait3A_14 = tpu.memref_slice %arg10[%mul3A_0, %dma_wait3A_13] : memref<10112x128xf32, #tpu.memory_space<vmem_shared>> -> memref<632x128xf32, #tpu.memory_space<vmem_shared>>
      tpu.wait_dma2 semaphore(%run_scoped3A : memref<!tpu.dma_semaphore, #tpu.memory_space<semaphore_mem>>) src(%dma_wait3A_14 : memref<632x128xf32, #tpu.memory_space<vmem_shared>>) dst(%dma_wait3A_12 : memref<632x128xf32, #tpu.memory_space<hbm>>)
      tpu.yield
    }) : () -> ()
    return
  }
}

module attributes {stable_mosaic.version = 14 : i64} {
  func.func @_dense_h_body(%arg0: i32, %arg1: memref<1000x128xf32, #tpu.memory_space<vmem>>, %arg2: memref<128x128xf32, #tpu.memory_space<vmem>>, %arg3: memref<1x128xf32, #tpu.memory_space<vmem>>, %arg4: memref<128x128xf32, #tpu.memory_space<vmem>>, %arg5: memref<1000x128xf32, #tpu.memory_space<vmem>>, %arg6: memref<1000x128xf32, #tpu.memory_space<vmem>>) attributes {dimension_semantics = [#tpu.dimension_semantics<arbitrary>], iteration_bounds = array<i64: 10>, scalar_prefetch = 0 : i64, scratch_operands = 0 : i64, tpu.core_type = #tpu.core_type<tc>, window_params = [{transform_indices = @transform_0, window_bounds = array<i64: 1000, 128>}, {pipeline_mode = #tpu.pipeline_mode<synchronous>, transform_indices = @transform_1, window_bounds = array<i64: 128, 128>}, {pipeline_mode = #tpu.pipeline_mode<synchronous>, transform_indices = @transform_2, window_bounds = array<i64: 1, 128>}, {pipeline_mode = #tpu.pipeline_mode<synchronous>, transform_indices = @transform_3, window_bounds = array<i64: 128, 128>}, {transform_indices = @transform_4, window_bounds = array<i64: 1000, 128>}, {transform_indices = @transform_5, window_bounds = array<i64: 1000, 128>}]} {
    %get3A = arith.constant 0 : index
    %get3A_0 = arith.constant 0 : index
    %get3A_1 = vector.load %arg1[%get3A, %get3A_0] : memref<1000x128xf32, #tpu.memory_space<vmem>>, vector<1000x128xf32>
    %get3A_2 = arith.constant 0 : index
    %get3A_3 = arith.constant 0 : index
    %get3A_4 = vector.load %arg2[%get3A_2, %get3A_3] : memref<128x128xf32, #tpu.memory_space<vmem>>, vector<128x128xf32>
    %dot_general3A = arith.constant dense<0.000000e+00> : vector<1000x128xf32>
    %dot_general3A_5 = tpu.matmul %get3A_1, %get3A_4, %dot_general3A {dimension_numbers = #tpu.dot_dimension_numbers<[1], [0], [0], [1], [0, 0, 1, 1], [], []>, transpose_lhs_hint = false} : vector<1000x128xf32>, vector<128x128xf32>, vector<1000x128xf32> -> vector<1000x128xf32>
    %get3A_6 = arith.constant 0 : index
    %get3A_7 = arith.constant 0 : index
    %get3A_8 = vector.load %arg3[%get3A_6, %get3A_7] : memref<1x128xf32, #tpu.memory_space<vmem>>, vector<1x128xf32>
    %add3A = vector.broadcast %get3A_8 : vector<1x128xf32> to vector<1000x128xf32>
    %add3A_9 = arith.addf %dot_general3A_5, %add3A : vector<1000x128xf32>
    %max3A = arith.constant 0.000000e+00 : f32
    %max3A_10 = vector.broadcast %max3A : f32 to vector<1000x128xf32>
    %max3A_11 = arith.maximumf %add3A_9, %max3A_10 : vector<1000x128xf32>
    %swap3A = arith.constant 0 : index
    %swap3A_12 = arith.constant 0 : index
    %swap3A_13 = vector.load %arg5[%swap3A, %swap3A_12] : memref<1000x128xf32, #tpu.memory_space<vmem>>, vector<1000x128xf32>
    tpu.vector_store %arg5[%swap3A, %swap3A_12], %max3A_11 {strides = array<i32>} : memref<1000x128xf32, #tpu.memory_space<vmem>>, vector<1000x128xf32>,
    %get3A_14 = arith.constant 0 : index
    %get3A_15 = arith.constant 0 : index
    %get3A_16 = vector.load %arg4[%get3A_14, %get3A_15] : memref<128x128xf32, #tpu.memory_space<vmem>>, vector<128x128xf32>
    %dot_general3A_17 = arith.constant dense<0.000000e+00> : vector<1000x128xf32>
    %dot_general3A_18 = tpu.matmul %max3A_11, %get3A_16, %dot_general3A_17 {dimension_numbers = #tpu.dot_dimension_numbers<[1], [0], [0], [1], [0, 0, 1, 1], [], []>, transpose_lhs_hint = false} : vector<1000x128xf32>, vector<128x128xf32>, vector<1000x128xf32> -> vector<1000x128xf32>
    %swap3A_19 = arith.constant 0 : index
    %swap3A_20 = arith.constant 0 : index
    %swap3A_21 = vector.load %arg6[%swap3A_19, %swap3A_20] : memref<1000x128xf32, #tpu.memory_space<vmem>>, vector<1000x128xf32>
    tpu.vector_store %arg6[%swap3A_19, %swap3A_20], %dot_general3A_18 {strides = array<i32>} : memref<1000x128xf32, #tpu.memory_space<vmem>>, vector<1000x128xf32>,
    return
  }
  func.func @transform_0(%arg0: i32) -> (i32, i32) {
    %c0_i32 = arith.constant 0 : i32
    %c0_i32_0 = arith.constant 0 : i32
    return %arg0, %c0_i32 : i32, i32
  }
  func.func @transform_1(%arg0: i32) -> (i32, i32) {
    %c0_i32 = arith.constant 0 : i32
    %c0_i32_0 = arith.constant 0 : i32
    %c0_i32_1 = arith.constant 0 : i32
    return %c0_i32, %c0_i32_0 : i32, i32
  }
  func.func @transform_2(%arg0: i32) -> (i32, i32) {
    %c0_i32 = arith.constant 0 : i32
    %c0_i32_0 = arith.constant 0 : i32
    %c0_i32_1 = arith.constant 0 : i32
    return %c0_i32, %c0_i32_0 : i32, i32
  }
  func.func @transform_3(%arg0: i32) -> (i32, i32) {
    %c0_i32 = arith.constant 0 : i32
    %c0_i32_0 = arith.constant 0 : i32
    %c0_i32_1 = arith.constant 0 : i32
    return %c0_i32, %c0_i32_0 : i32, i32
  }
  func.func @transform_4(%arg0: i32) -> (i32, i32) {
    %c0_i32 = arith.constant 0 : i32
    %c0_i32_0 = arith.constant 0 : i32
    return %arg0, %c0_i32 : i32, i32
  }
  func.func @transform_5(%arg0: i32) -> (i32, i32) {
    %c0_i32 = arith.constant 0 : i32
    %c0_i32_0 = arith.constant 0 : i32
    return %arg0, %c0_i32 : i32, i32
  }
}

module attributes {stable_mosaic.version = 14 : i64} {
  func.func @_hop_g_body(%arg0: i32, %arg1: memref<2x1000x128xf32, #tpu.memory_space<vmem>>, %arg2: memref<1000x1xf32, #tpu.memory_space<vmem>>, %arg3: memref<1000x128xf32, #tpu.memory_space<vmem>>) attributes {dimension_semantics = [#tpu.dimension_semantics<arbitrary>], iteration_bounds = array<i64: 10>, scalar_prefetch = 0 : i64, scratch_operands = 0 : i64, tpu.core_type = #tpu.core_type<tc>, window_params = [{transform_indices = @transform_0, window_bounds = array<i64: 2, 1000, 128>}, {transform_indices = @transform_1, window_bounds = array<i64: 1000, 1>}, {transform_indices = @transform_2, window_bounds = array<i64: 1000, 128>}]} {
    %get3A = arith.constant 0 : index
    %get3A_0 = arith.constant 0 : index
    %get3A_1 = vector.load %arg2[%get3A, %get3A_0] : memref<1000x1xf32, #tpu.memory_space<vmem>>, vector<1000x1xf32>
    %get3A_2 = arith.constant 0 : index
    %get3A_3 = arith.constant 0 : index
    %get3A_4 = arith.constant 0 : index
    %get3A_5 = vector.load %arg1[%get3A_2, %get3A_3, %get3A_4] : memref<2x1000x128xf32, #tpu.memory_space<vmem>>, vector<1x1000x128xf32>
    %get3A_6 = vector.shape_cast %get3A_5 : vector<1x1000x128xf32> to vector<1000x128xf32>
    %get3A_7 = arith.constant 1 : index
    %get3A_8 = arith.constant 0 : index
    %get3A_9 = arith.constant 0 : index
    %get3A_10 = vector.load %arg1[%get3A_7, %get3A_8, %get3A_9] : memref<2x1000x128xf32, #tpu.memory_space<vmem>>, vector<1x1000x128xf32>
    %get3A_11 = vector.shape_cast %get3A_10 : vector<1x1000x128xf32> to vector<1000x128xf32>
    %add3A = arith.addf %get3A_6, %get3A_11 : vector<1000x128xf32>
    %mul3A = arith.mulf %get3A_1, %get3A_1 : vector<1000x1xf32>
    %mul3A_12 = vector.broadcast %mul3A : vector<1000x1xf32> to vector<1000x128xf32>
    %mul3A_13 = arith.mulf %add3A, %mul3A_12 : vector<1000x128xf32>
    %swap3A = arith.constant 0 : index
    %swap3A_14 = arith.constant 0 : index
    %swap3A_15 = vector.load %arg3[%swap3A, %swap3A_14] : memref<1000x128xf32, #tpu.memory_space<vmem>>, vector<1000x128xf32>
    tpu.vector_store %arg3[%swap3A, %swap3A_14], %mul3A_13 {strides = array<i32>} : memref<1000x128xf32, #tpu.memory_space<vmem>>, vector<1000x128xf32>,
    return
  }
  func.func @transform_0(%arg0: i32) -> (i32, i32, i32) {
    %c0_i32 = arith.constant 0 : i32
    %c0_i32_0 = arith.constant 0 : i32
    %c0_i32_1 = arith.constant 0 : i32
    return %c0_i32, %arg0, %c0_i32_0 : i32, i32, i32
  }
  func.func @transform_1(%arg0: i32) -> (i32, i32) {
    %c0_i32 = arith.constant 0 : i32
    %c0_i32_0 = arith.constant 0 : i32
    return %arg0, %c0_i32 : i32, i32
  }
  func.func @transform_2(%arg0: i32) -> (i32, i32) {
    %c0_i32 = arith.constant 0 : i32
    %c0_i32_0 = arith.constant 0 : i32
    return %arg0, %c0_i32 : i32, i32
  }
}

module attributes {stable_mosaic.version = 14 : i64} {
  func.func @_dense_scale_body(%arg0: i32, %arg1: memref<1000x128xf32, #tpu.memory_space<vmem>>, %arg2: memref<2x1000x128xf32, #tpu.memory_space<vmem>>, %arg3: memref<1000x128xf32, #tpu.memory_space<vmem>>, %arg4: memref<1000x1xf32, #tpu.memory_space<vmem>>) attributes {dimension_semantics = [#tpu.dimension_semantics<arbitrary>], iteration_bounds = array<i64: 10>, scalar_prefetch = 0 : i64, scratch_operands = 0 : i64, tpu.core_type = #tpu.core_type<tc>, window_params = [{transform_indices = @transform_0, window_bounds = array<i64: 1000, 128>}, {transform_indices = @transform_1, window_bounds = array<i64: 2, 1000, 128>}, {transform_indices = @transform_2, window_bounds = array<i64: 1000, 128>}, {transform_indices = @transform_3, window_bounds = array<i64: 1000, 1>}]} {
    %get3A = arith.constant 0 : index
    %get3A_0 = arith.constant 0 : index
    %get3A_1 = arith.constant 0 : index
    %get3A_2 = vector.load %arg2[%get3A, %get3A_0, %get3A_1] : memref<2x1000x128xf32, #tpu.memory_space<vmem>>, vector<1x1000x1xf32>
    %get3A_3 = vector.shape_cast %get3A_2 : vector<1x1000x1xf32> to vector<1000x1xf32>
    %get3A_4 = arith.constant 1 : index
    %get3A_5 = arith.constant 0 : index
    %get3A_6 = arith.constant 0 : index
    %get3A_7 = vector.load %arg2[%get3A_4, %get3A_5, %get3A_6] : memref<2x1000x128xf32, #tpu.memory_space<vmem>>, vector<1x1000x1xf32>
    %get3A_8 = vector.shape_cast %get3A_7 : vector<1x1000x1xf32> to vector<1000x1xf32>
    %add3A = arith.addf %get3A_3, %get3A_8 : vector<1000x1xf32>
    %gt3A = arith.constant 0.000000e+00 : f32
    %gt3A_9 = vector.broadcast %gt3A : f32 to vector<1000x1xf32>
    %gt3A_10 = arith.cmpf ogt, %add3A, %gt3A_9 : vector<1000x1xf32>
    %max3A = arith.constant 1.000000e+00 : f32
    %max3A_11 = vector.broadcast %max3A : f32 to vector<1000x1xf32>
    %max3A_12 = arith.maximumf %add3A, %max3A_11 : vector<1000x1xf32>
    %rsqrt3A = math.rsqrt %max3A_12 : vector<1000x1xf32>
    %jit3A = arith.constant 0.000000e+00 : f32
    %broadcast_in_dim3A = vector.broadcast %jit3A : f32 to vector<1000x1xf32>
    %select_n3A = arith.select %gt3A_10, %rsqrt3A, %broadcast_in_dim3A : vector<1000x1xi1>, vector<1000x1xf32>
    %get3A_13 = arith.constant 0 : index
    %get3A_14 = arith.constant 0 : index
    %get3A_15 = vector.load %arg1[%get3A_13, %get3A_14] : memref<1000x128xf32, #tpu.memory_space<vmem>>, vector<1000x128xf32>
    %mul3A = vector.broadcast %select_n3A : vector<1000x1xf32> to vector<1000x128xf32>
    %mul3A_16 = arith.mulf %get3A_15, %mul3A : vector<1000x128xf32>
    %swap3A = arith.constant 0 : index
    %swap3A_17 = arith.constant 0 : index
    %swap3A_18 = vector.load %arg3[%swap3A, %swap3A_17] : memref<1000x128xf32, #tpu.memory_space<vmem>>, vector<1000x128xf32>
    tpu.vector_store %arg3[%swap3A, %swap3A_17], %mul3A_16 {strides = array<i32>} : memref<1000x128xf32, #tpu.memory_space<vmem>>, vector<1000x128xf32>,
    %swap3A_19 = arith.constant 0 : index
    %swap3A_20 = arith.constant 0 : index
    %swap3A_21 = vector.load %arg4[%swap3A_19, %swap3A_20] : memref<1000x1xf32, #tpu.memory_space<vmem>>, vector<1000x1xf32>
    tpu.vector_store %arg4[%swap3A_19, %swap3A_20], %select_n3A {strides = array<i32>} : memref<1000x1xf32, #tpu.memory_space<vmem>>, vector<1000x1xf32>,
    return
  }
  func.func @transform_0(%arg0: i32) -> (i32, i32) {
    %c0_i32 = arith.constant 0 : i32
    %c0_i32_0 = arith.constant 0 : i32
    return %arg0, %c0_i32 : i32, i32
  }
  func.func @transform_1(%arg0: i32) -> (i32, i32, i32) {
    %c0_i32 = arith.constant 0 : i32
    %c0_i32_0 = arith.constant 0 : i32
    %c0_i32_1 = arith.constant 0 : i32
    return %c0_i32, %arg0, %c0_i32_0 : i32, i32, i32
  }
  func.func @transform_2(%arg0: i32) -> (i32, i32) {
    %c0_i32 = arith.constant 0 : i32
    %c0_i32_0 = arith.constant 0 : i32
    return %arg0, %c0_i32 : i32, i32
  }
  func.func @transform_3(%arg0: i32) -> (i32, i32) {
    %c0_i32 = arith.constant 0 : i32
    %c0_i32_0 = arith.constant 0 : i32
    return %arg0, %c0_i32 : i32, i32
  }
}

module attributes {stable_mosaic.version = 14 : i64} {
  func.func @_hop_mm_body(%arg0: i32, %arg1: memref<2x1000x128xf32, #tpu.memory_space<vmem>>, %arg2: memref<1000x1xf32, #tpu.memory_space<vmem>>, %arg3: memref<128x128xf32, #tpu.memory_space<vmem>>, %arg4: memref<1000x128xf32, #tpu.memory_space<vmem>>, %arg5: memref<1000x128xf32, #tpu.memory_space<vmem>>) attributes {dimension_semantics = [#tpu.dimension_semantics<arbitrary>], iteration_bounds = array<i64: 10>, scalar_prefetch = 0 : i64, scratch_operands = 0 : i64, tpu.core_type = #tpu.core_type<tc>, window_params = [{transform_indices = @transform_0, window_bounds = array<i64: 2, 1000, 128>}, {transform_indices = @transform_1, window_bounds = array<i64: 1000, 1>}, {pipeline_mode = #tpu.pipeline_mode<synchronous>, transform_indices = @transform_2, window_bounds = array<i64: 128, 128>}, {transform_indices = @transform_3, window_bounds = array<i64: 1000, 128>}, {transform_indices = @transform_4, window_bounds = array<i64: 1000, 128>}]} {
    %get3A = arith.constant 0 : index
    %get3A_0 = arith.constant 0 : index
    %get3A_1 = arith.constant 0 : index
    %get3A_2 = vector.load %arg1[%get3A, %get3A_0, %get3A_1] : memref<2x1000x128xf32, #tpu.memory_space<vmem>>, vector<1x1000x128xf32>
    %get3A_3 = vector.shape_cast %get3A_2 : vector<1x1000x128xf32> to vector<1000x128xf32>
    %get3A_4 = arith.constant 1 : index
    %get3A_5 = arith.constant 0 : index
    %get3A_6 = arith.constant 0 : index
    %get3A_7 = vector.load %arg1[%get3A_4, %get3A_5, %get3A_6] : memref<2x1000x128xf32, #tpu.memory_space<vmem>>, vector<1x1000x128xf32>
    %get3A_8 = vector.shape_cast %get3A_7 : vector<1x1000x128xf32> to vector<1000x128xf32>
    %add3A = arith.addf %get3A_3, %get3A_8 : vector<1000x128xf32>
    %get3A_9 = arith.constant 0 : index
    %get3A_10 = arith.constant 0 : index
    %get3A_11 = vector.load %arg2[%get3A_9, %get3A_10] : memref<1000x1xf32, #tpu.memory_space<vmem>>, vector<1000x1xf32>
    %mul3A = vector.broadcast %get3A_11 : vector<1000x1xf32> to vector<1000x128xf32>
    %mul3A_12 = arith.mulf %add3A, %mul3A : vector<1000x128xf32>
    %get3A_13 = arith.constant 0 : index
    %get3A_14 = arith.constant 0 : index
    %get3A_15 = vector.load %arg4[%get3A_13, %get3A_14] : memref<1000x128xf32, #tpu.memory_space<vmem>>, vector<1000x128xf32>
    %get3A_16 = arith.constant 0 : index
    %get3A_17 = arith.constant 0 : index
    %get3A_18 = vector.load %arg3[%get3A_16, %get3A_17] : memref<128x128xf32, #tpu.memory_space<vmem>>, vector<128x128xf32>
    %dot_general3A = arith.constant dense<0.000000e+00> : vector<1000x128xf32>
    %dot_general3A_19 = tpu.matmul %mul3A_12, %get3A_18, %dot_general3A {dimension_numbers = #tpu.dot_dimension_numbers<[1], [0], [0], [1], [0, 0, 1, 1], [], []>, transpose_lhs_hint = false} : vector<1000x128xf32>, vector<128x128xf32>, vector<1000x128xf32> -> vector<1000x128xf32>
    %add3A_20 = arith.addf %get3A_15, %dot_general3A_19 : vector<1000x128xf32>
    %swap3A = arith.constant 0 : index
    %swap3A_21 = arith.constant 0 : index
    %swap3A_22 = vector.load %arg5[%swap3A, %swap3A_21] : memref<1000x128xf32, #tpu.memory_space<vmem>>, vector<1000x128xf32>
    tpu.vector_store %arg5[%swap3A, %swap3A_21], %add3A_20 {strides = array<i32>} : memref<1000x128xf32, #tpu.memory_space<vmem>>, vector<1000x128xf32>,
    return
  }
  func.func @transform_0(%arg0: i32) -> (i32, i32, i32) {
    %c0_i32 = arith.constant 0 : i32
    %c0_i32_0 = arith.constant 0 : i32
    %c0_i32_1 = arith.constant 0 : i32
    return %c0_i32, %arg0, %c0_i32_0 : i32, i32, i32
  }
  func.func @transform_1(%arg0: i32) -> (i32, i32) {
    %c0_i32 = arith.constant 0 : i32
    %c0_i32_0 = arith.constant 0 : i32
    return %arg0, %c0_i32 : i32, i32
  }
  func.func @transform_2(%arg0: i32) -> (i32, i32) {
    %c0_i32 = arith.constant 0 : i32
    %c0_i32_0 = arith.constant 0 : i32
    %c0_i32_1 = arith.constant 0 : i32
    return %c0_i32, %c0_i32_0 : i32, i32
  }
  func.func @transform_3(%arg0: i32) -> (i32, i32) {
    %c0_i32 = arith.constant 0 : i32
    %c0_i32_0 = arith.constant 0 : i32
    return %arg0, %c0_i32 : i32, i32
  }
  func.func @transform_4(%arg0: i32) -> (i32, i32) {
    %c0_i32 = arith.constant 0 : i32
    %c0_i32_0 = arith.constant 0 : i32
    return %arg0, %c0_i32 : i32, i32
  }
}

module attributes {stable_mosaic.version = 14 : i64} {
  func.func @_hop_last_body(%arg0: i32, %arg1: memref<2x1000x128xf32, #tpu.memory_space<vmem>>, %arg2: memref<1000x1xf32, #tpu.memory_space<vmem>>, %arg3: memref<128x128xf32, #tpu.memory_space<vmem>>, %arg4: memref<1000x128xf32, #tpu.memory_space<vmem>>, %arg5: memref<1x128xf32, #tpu.memory_space<vmem>>, %arg6: memref<128x128xf32, #tpu.memory_space<vmem>>, %arg7: memref<1000x128xf32, #tpu.memory_space<vmem>>, %arg8: memref<1000x128xf32, #tpu.memory_space<vmem>>) attributes {dimension_semantics = [#tpu.dimension_semantics<arbitrary>], iteration_bounds = array<i64: 10>, scalar_prefetch = 0 : i64, scratch_operands = 0 : i64, tpu.core_type = #tpu.core_type<tc>, window_params = [{transform_indices = @transform_0, window_bounds = array<i64: 2, 1000, 128>}, {transform_indices = @transform_1, window_bounds = array<i64: 1000, 1>}, {pipeline_mode = #tpu.pipeline_mode<synchronous>, transform_indices = @transform_2, window_bounds = array<i64: 128, 128>}, {transform_indices = @transform_3, window_bounds = array<i64: 1000, 128>}, {pipeline_mode = #tpu.pipeline_mode<synchronous>, transform_indices = @transform_4, window_bounds = array<i64: 1, 128>}, {pipeline_mode = #tpu.pipeline_mode<synchronous>, transform_indices = @transform_5, window_bounds = array<i64: 128, 128>}, {transform_indices = @transform_6, window_bounds = array<i64: 1000, 128>}, {transform_indices = @transform_7, window_bounds = array<i64: 1000, 128>}]} {
    %get3A = arith.constant 0 : index
    %get3A_0 = arith.constant 0 : index
    %get3A_1 = vector.load %arg2[%get3A, %get3A_0] : memref<1000x1xf32, #tpu.memory_space<vmem>>, vector<1000x1xf32>
    %get3A_2 = arith.constant 0 : index
    %get3A_3 = arith.constant 0 : index
    %get3A_4 = arith.constant 0 : index
    %get3A_5 = vector.load %arg1[%get3A_2, %get3A_3, %get3A_4] : memref<2x1000x128xf32, #tpu.memory_space<vmem>>, vector<1x1000x128xf32>
    %get3A_6 = vector.shape_cast %get3A_5 : vector<1x1000x128xf32> to vector<1000x128xf32>
    %get3A_7 = arith.constant 1 : index
    %get3A_8 = arith.constant 0 : index
    %get3A_9 = arith.constant 0 : index
    %get3A_10 = vector.load %arg1[%get3A_7, %get3A_8, %get3A_9] : memref<2x1000x128xf32, #tpu.memory_space<vmem>>, vector<1x1000x128xf32>
    %get3A_11 = vector.shape_cast %get3A_10 : vector<1x1000x128xf32> to vector<1000x128xf32>
    %add3A = arith.addf %get3A_6, %get3A_11 : vector<1000x128xf32>
    %mul3A = vector.broadcast %get3A_1 : vector<1000x1xf32> to vector<1000x128xf32>
    %mul3A_12 = arith.mulf %add3A, %mul3A : vector<1000x128xf32>
    %get3A_13 = arith.constant 0 : index
    %get3A_14 = arith.constant 0 : index
    %get3A_15 = vector.load %arg4[%get3A_13, %get3A_14] : memref<1000x128xf32, #tpu.memory_space<vmem>>, vector<1000x128xf32>
    %get3A_16 = arith.constant 0 : index
    %get3A_17 = arith.constant 0 : index
    %get3A_18 = vector.load %arg3[%get3A_16, %get3A_17] : memref<128x128xf32, #tpu.memory_space<vmem>>, vector<128x128xf32>
    %dot_general3A = arith.constant dense<0.000000e+00> : vector<1000x128xf32>
    %dot_general3A_19 = tpu.matmul %mul3A_12, %get3A_18, %dot_general3A {dimension_numbers = #tpu.dot_dimension_numbers<[1], [0], [0], [1], [0, 0, 1, 1], [], []>, transpose_lhs_hint = false} : vector<1000x128xf32>, vector<128x128xf32>, vector<1000x128xf32> -> vector<1000x128xf32>
    %add3A_20 = arith.addf %get3A_15, %dot_general3A_19 : vector<1000x128xf32>
    %get3A_21 = arith.constant 0 : index
    %get3A_22 = arith.constant 0 : index
    %get3A_23 = vector.load %arg5[%get3A_21, %get3A_22] : memref<1x128xf32, #tpu.memory_space<vmem>>, vector<1x128xf32>
    %add3A_24 = vector.broadcast %get3A_23 : vector<1x128xf32> to vector<1000x128xf32>
    %add3A_25 = arith.addf %add3A_20, %add3A_24 : vector<1000x128xf32>
    %max3A = arith.constant 0.000000e+00 : f32
    %max3A_26 = vector.broadcast %max3A : f32 to vector<1000x128xf32>
    %max3A_27 = arith.maximumf %add3A_25, %max3A_26 : vector<1000x128xf32>
    %get3A_28 = arith.constant 0 : index
    %get3A_29 = arith.constant 0 : index
    %get3A_30 = vector.load %arg6[%get3A_28, %get3A_29] : memref<128x128xf32, #tpu.memory_space<vmem>>, vector<128x128xf32>
    %dot_general3A_31 = arith.constant dense<0.000000e+00> : vector<1000x128xf32>
    %dot_general3A_32 = tpu.matmul %max3A_27, %get3A_30, %dot_general3A_31 {dimension_numbers = #tpu.dot_dimension_numbers<[1], [0], [0], [1], [0, 0, 1, 1], [], []>, transpose_lhs_hint = false} : vector<1000x128xf32>, vector<128x128xf32>, vector<1000x128xf32> -> vector<1000x128xf32>
    %swap3A = arith.constant 0 : index
    %swap3A_33 = arith.constant 0 : index
    %swap3A_34 = vector.load %arg7[%swap3A, %swap3A_33] : memref<1000x128xf32, #tpu.memory_space<vmem>>, vector<1000x128xf32>
    tpu.vector_store %arg7[%swap3A, %swap3A_33], %dot_general3A_32 {strides = array<i32>} : memref<1000x128xf32, #tpu.memory_space<vmem>>, vector<1000x128xf32>,
    %mul3A_35 = vector.broadcast %get3A_1 : vector<1000x1xf32> to vector<1000x128xf32>
    %mul3A_36 = arith.mulf %max3A_27, %mul3A_35 : vector<1000x128xf32>
    %swap3A_37 = arith.constant 0 : index
    %swap3A_38 = arith.constant 0 : index
    %swap3A_39 = vector.load %arg8[%swap3A_37, %swap3A_38] : memref<1000x128xf32, #tpu.memory_space<vmem>>, vector<1000x128xf32>
    tpu.vector_store %arg8[%swap3A_37, %swap3A_38], %mul3A_36 {strides = array<i32>} : memref<1000x128xf32, #tpu.memory_space<vmem>>, vector<1000x128xf32>,
    return
  }
  func.func @transform_0(%arg0: i32) -> (i32, i32, i32) {
    %c0_i32 = arith.constant 0 : i32
    %c0_i32_0 = arith.constant 0 : i32
    %c0_i32_1 = arith.constant 0 : i32
    return %c0_i32, %arg0, %c0_i32_0 : i32, i32, i32
  }
  func.func @transform_1(%arg0: i32) -> (i32, i32) {
    %c0_i32 = arith.constant 0 : i32
    %c0_i32_0 = arith.constant 0 : i32
    return %arg0, %c0_i32 : i32, i32
  }
  func.func @transform_2(%arg0: i32) -> (i32, i32) {
    %c0_i32 = arith.constant 0 : i32
    %c0_i32_0 = arith.constant 0 : i32
    %c0_i32_1 = arith.constant 0 : i32
    return %c0_i32, %c0_i32_0 : i32, i32
  }
  func.func @transform_3(%arg0: i32) -> (i32, i32) {
    %c0_i32 = arith.constant 0 : i32
    %c0_i32_0 = arith.constant 0 : i32
    return %arg0, %c0_i32 : i32, i32
  }
  func.func @transform_4(%arg0: i32) -> (i32, i32) {
    %c0_i32 = arith.constant 0 : i32
    %c0_i32_0 = arith.constant 0 : i32
    %c0_i32_1 = arith.constant 0 : i32
    return %c0_i32, %c0_i32_0 : i32, i32
  }
  func.func @transform_5(%arg0: i32) -> (i32, i32) {
    %c0_i32 = arith.constant 0 : i32
    %c0_i32_0 = arith.constant 0 : i32
    %c0_i32_1 = arith.constant 0 : i32
    return %c0_i32, %c0_i32_0 : i32, i32
  }
  func.func @transform_6(%arg0: i32) -> (i32, i32) {
    %c0_i32 = arith.constant 0 : i32
    %c0_i32_0 = arith.constant 0 : i32
    return %arg0, %c0_i32 : i32, i32
  }
  func.func @transform_7(%arg0: i32) -> (i32, i32) {
    %c0_i32 = arith.constant 0 : i32
    %c0_i32_0 = arith.constant 0 : i32
    return %arg0, %c0_i32 : i32, i32
  }
}

module attributes {stable_mosaic.version = 14 : i64} {
  func.func @_hop_final_body(%arg0: i32, %arg1: memref<2x1000x128xf32, #tpu.memory_space<vmem>>, %arg2: memref<1000x1xf32, #tpu.memory_space<vmem>>, %arg3: memref<128x128xf32, #tpu.memory_space<vmem>>, %arg4: memref<1000x128xf32, #tpu.memory_space<vmem>>, %arg5: memref<1x128xf32, #tpu.memory_space<vmem>>, %arg6: memref<128x128xf32, #tpu.memory_space<vmem>>, %arg7: memref<1x128xf32, #tpu.memory_space<vmem>>, %arg8: memref<128x128xf32, #tpu.memory_space<vmem>>, %arg9: memref<1x128xf32, #tpu.memory_space<vmem>>, %arg10: memref<128x1xf32, #tpu.memory_space<vmem>>, %arg11: memref<1x1xf32, #tpu.memory_space<vmem>>, %arg12: memref<1000x1xf32, #tpu.memory_space<vmem>>) attributes {dimension_semantics = [#tpu.dimension_semantics<arbitrary>], iteration_bounds = array<i64: 10>, scalar_prefetch = 0 : i64, scratch_operands = 0 : i64, tpu.core_type = #tpu.core_type<tc>, window_params = [{transform_indices = @transform_0, window_bounds = array<i64: 2, 1000, 128>}, {transform_indices = @transform_1, window_bounds = array<i64: 1000, 1>}, {pipeline_mode = #tpu.pipeline_mode<synchronous>, transform_indices = @transform_2, window_bounds = array<i64: 128, 128>}, {transform_indices = @transform_3, window_bounds = array<i64: 1000, 128>}, {pipeline_mode = #tpu.pipeline_mode<synchronous>, transform_indices = @transform_4, window_bounds = array<i64: 1, 128>}, {pipeline_mode = #tpu.pipeline_mode<synchronous>, transform_indices = @transform_5, window_bounds = array<i64: 128, 128>}, {pipeline_mode = #tpu.pipeline_mode<synchronous>, transform_indices = @transform_6, window_bounds = array<i64: 1, 128>}, {pipeline_mode = #tpu.pipeline_mode<synchronous>, transform_indices = @transform_7, window_bounds = array<i64: 128, 128>}, {pipeline_mode = #tpu.pipeline_mode<synchronous>, transform_indices = @transform_8, window_bounds = array<i64: 1, 128>}, {pipeline_mode = #tpu.pipeline_mode<synchronous>, transform_indices = @transform_9, window_bounds = array<i64: 128, 1>}, {pipeline_mode = #tpu.pipeline_mode<synchronous>, transform_indices = @transform_10, window_bounds = array<i64: 1, 1>}, {transform_indices = @transform_11, window_bounds = array<i64: 1000, 1>}]} {
    %get3A = arith.constant 0 : index
    %get3A_0 = arith.constant 0 : index
    %get3A_1 = vector.load %arg2[%get3A, %get3A_0] : memref<1000x1xf32, #tpu.memory_space<vmem>>, vector<1000x1xf32>
    %get3A_2 = arith.constant 0 : index
    %get3A_3 = arith.constant 0 : index
    %get3A_4 = arith.constant 0 : index
    %get3A_5 = vector.load %arg1[%get3A_2, %get3A_3, %get3A_4] : memref<2x1000x128xf32, #tpu.memory_space<vmem>>, vector<1x1000x128xf32>
    %get3A_6 = vector.shape_cast %get3A_5 : vector<1x1000x128xf32> to vector<1000x128xf32>
    %get3A_7 = arith.constant 1 : index
    %get3A_8 = arith.constant 0 : index
    %get3A_9 = arith.constant 0 : index
    %get3A_10 = vector.load %arg1[%get3A_7, %get3A_8, %get3A_9] : memref<2x1000x128xf32, #tpu.memory_space<vmem>>, vector<1x1000x128xf32>
    %get3A_11 = vector.shape_cast %get3A_10 : vector<1x1000x128xf32> to vector<1000x128xf32>
    %add3A = arith.addf %get3A_6, %get3A_11 : vector<1000x128xf32>
    %mul3A = vector.broadcast %get3A_1 : vector<1000x1xf32> to vector<1000x128xf32>
    %mul3A_12 = arith.mulf %add3A, %mul3A : vector<1000x128xf32>
    %get3A_13 = arith.constant 0 : index
    %get3A_14 = arith.constant 0 : index
    %get3A_15 = vector.load %arg4[%get3A_13, %get3A_14] : memref<1000x128xf32, #tpu.memory_space<vmem>>, vector<1000x128xf32>
    %get3A_16 = arith.constant 0 : index
    %get3A_17 = arith.constant 0 : index
    %get3A_18 = vector.load %arg3[%get3A_16, %get3A_17] : memref<128x128xf32, #tpu.memory_space<vmem>>, vector<128x128xf32>
    %dot_general3A = arith.constant dense<0.000000e+00> : vector<1000x128xf32>
    %dot_general3A_19 = tpu.matmul %mul3A_12, %get3A_18, %dot_general3A {dimension_numbers = #tpu.dot_dimension_numbers<[1], [0], [0], [1], [0, 0, 1, 1], [], []>, transpose_lhs_hint = false} : vector<1000x128xf32>, vector<128x128xf32>, vector<1000x128xf32> -> vector<1000x128xf32>
    %add3A_20 = arith.addf %get3A_15, %dot_general3A_19 : vector<1000x128xf32>
    %get3A_21 = arith.constant 0 : index
    %get3A_22 = arith.constant 0 : index
    %get3A_23 = vector.load %arg5[%get3A_21, %get3A_22] : memref<1x128xf32, #tpu.memory_space<vmem>>, vector<1x128xf32>
    %add3A_24 = vector.broadcast %get3A_23 : vector<1x128xf32> to vector<1000x128xf32>
    %add3A_25 = arith.addf %add3A_20, %add3A_24 : vector<1000x128xf32>
    %max3A = arith.constant 0.000000e+00 : f32
    %max3A_26 = vector.broadcast %max3A : f32 to vector<1000x128xf32>
    %max3A_27 = arith.maximumf %add3A_25, %max3A_26 : vector<1000x128xf32>
    %get3A_28 = arith.constant 0 : index
    %get3A_29 = arith.constant 0 : index
    %get3A_30 = vector.load %arg6[%get3A_28, %get3A_29] : memref<128x128xf32, #tpu.memory_space<vmem>>, vector<128x128xf32>
    %dot_general3A_31 = arith.constant dense<0.000000e+00> : vector<1000x128xf32>
    %dot_general3A_32 = tpu.matmul %max3A_27, %get3A_30, %dot_general3A_31 {dimension_numbers = #tpu.dot_dimension_numbers<[1], [0], [0], [1], [0, 0, 1, 1], [], []>, transpose_lhs_hint = false} : vector<1000x128xf32>, vector<128x128xf32>, vector<1000x128xf32> -> vector<1000x128xf32>
    %get3A_33 = arith.constant 0 : index
    %get3A_34 = arith.constant 0 : index
    %get3A_35 = vector.load %arg7[%get3A_33, %get3A_34] : memref<1x128xf32, #tpu.memory_space<vmem>>, vector<1x128xf32>
    %add3A_36 = vector.broadcast %get3A_35 : vector<1x128xf32> to vector<1000x128xf32>
    %add3A_37 = arith.addf %dot_general3A_32, %add3A_36 : vector<1000x128xf32>
    %max3A_38 = arith.constant 0.000000e+00 : f32
    %max3A_39 = vector.broadcast %max3A_38 : f32 to vector<1000x128xf32>
    %max3A_40 = arith.maximumf %add3A_37, %max3A_39 : vector<1000x128xf32>
    %get3A_41 = arith.constant 0 : index
    %get3A_42 = arith.constant 0 : index
    %get3A_43 = vector.load %arg8[%get3A_41, %get3A_42] : memref<128x128xf32, #tpu.memory_space<vmem>>, vector<128x128xf32>
    %dot_general3A_44 = arith.constant dense<0.000000e+00> : vector<1000x128xf32>
    %dot_general3A_45 = tpu.matmul %max3A_40, %get3A_43, %dot_general3A_44 {dimension_numbers = #tpu.dot_dimension_numbers<[1], [0], [0], [1], [0, 0, 1, 1], [], []>, transpose_lhs_hint = false} : vector<1000x128xf32>, vector<128x128xf32>, vector<1000x128xf32> -> vector<1000x128xf32>
    %get3A_46 = arith.constant 0 : index
    %get3A_47 = arith.constant 0 : index
    %get3A_48 = vector.load %arg9[%get3A_46, %get3A_47] : memref<1x128xf32, #tpu.memory_space<vmem>>, vector<1x128xf32>
    %add3A_49 = vector.broadcast %get3A_48 : vector<1x128xf32> to vector<1000x128xf32>
    %add3A_50 = arith.addf %dot_general3A_45, %add3A_49 : vector<1000x128xf32>
    %max3A_51 = arith.constant 0.000000e+00 : f32
    %max3A_52 = vector.broadcast %max3A_51 : f32 to vector<1000x128xf32>
    %max3A_53 = arith.maximumf %add3A_50, %max3A_52 : vector<1000x128xf32>
    %get3A_54 = arith.constant 0 : index
    %get3A_55 = arith.constant 0 : index
    %get3A_56 = vector.load %arg10[%get3A_54, %get3A_55] : memref<128x1xf32, #tpu.memory_space<vmem>>, vector<128x1xf32>
    %dot_general3A_57 = arith.constant dense<0.000000e+00> : vector<1000x1xf32>
    %dot_general3A_58 = tpu.matmul %max3A_53, %get3A_56, %dot_general3A_57 {dimension_numbers = #tpu.dot_dimension_numbers<[1], [0], [0], [1], [0, 0, 1, 1], [], []>, transpose_lhs_hint = false} : vector<1000x128xf32>, vector<128x1xf32>, vector<1000x1xf32> -> vector<1000x1xf32>
    %get3A_59 = arith.constant 0 : index
    %get3A_60 = arith.constant 0 : index
    %get3A_61 = vector.load %arg11[%get3A_59, %get3A_60] : memref<1x1xf32, #tpu.memory_space<vmem>>, vector<1x1xf32>
    %add3A_62 = vector.broadcast %get3A_61 : vector<1x1xf32> to vector<1000x1xf32>
    %add3A_63 = arith.addf %dot_general3A_58, %add3A_62 : vector<1000x1xf32>
    %max3A_64 = arith.constant 0.000000e+00 : f32
    %max3A_65 = vector.broadcast %max3A_64 : f32 to vector<1000x1xf32>
    %max3A_66 = arith.maximumf %add3A_63, %max3A_65 : vector<1000x1xf32>
    %swap3A = arith.constant 0 : index
    %swap3A_67 = arith.constant 0 : index
    %swap3A_68 = vector.load %arg12[%swap3A, %swap3A_67] : memref<1000x1xf32, #tpu.memory_space<vmem>>, vector<1000x1xf32>
    tpu.vector_store %arg12[%swap3A, %swap3A_67], %max3A_66 {strides = array<i32>} : memref<1000x1xf32, #tpu.memory_space<vmem>>, vector<1000x1xf32>,
    return
  }
  func.func @transform_0(%arg0: i32) -> (i32, i32, i32) {
    %c0_i32 = arith.constant 0 : i32
    %c0_i32_0 = arith.constant 0 : i32
    %c0_i32_1 = arith.constant 0 : i32
    return %c0_i32, %arg0, %c0_i32_0 : i32, i32, i32
  }
  func.func @transform_1(%arg0: i32) -> (i32, i32) {
    %c0_i32 = arith.constant 0 : i32
    %c0_i32_0 = arith.constant 0 : i32
    return %arg0, %c0_i32 : i32, i32
  }
  func.func @transform_2(%arg0: i32) -> (i32, i32) {
    %c0_i32 = arith.constant 0 : i32
    %c0_i32_0 = arith.constant 0 : i32
    %c0_i32_1 = arith.constant 0 : i32
    return %c0_i32, %c0_i32_0 : i32, i32
  }
  func.func @transform_3(%arg0: i32) -> (i32, i32) {
    %c0_i32 = arith.constant 0 : i32
    %c0_i32_0 = arith.constant 0 : i32
    return %arg0, %c0_i32 : i32, i32
  }
  func.func @transform_4(%arg0: i32) -> (i32, i32) {
    %c0_i32 = arith.constant 0 : i32
    %c0_i32_0 = arith.constant 0 : i32
    %c0_i32_1 = arith.constant 0 : i32
    return %c0_i32, %c0_i32_0 : i32, i32
  }
  func.func @transform_5(%arg0: i32) -> (i32, i32) {
    %c0_i32 = arith.constant 0 : i32
    %c0_i32_0 = arith.constant 0 : i32
    %c0_i32_1 = arith.constant 0 : i32
    return %c0_i32, %c0_i32_0 : i32, i32
  }
  func.func @transform_6(%arg0: i32) -> (i32, i32) {
    %c0_i32 = arith.constant 0 : i32
    %c0_i32_0 = arith.constant 0 : i32
    %c0_i32_1 = arith.constant 0 : i32
    return %c0_i32, %c0_i32_0 : i32, i32
  }
  func.func @transform_7(%arg0: i32) -> (i32, i32) {
    %c0_i32 = arith.constant 0 : i32
    %c0_i32_0 = arith.constant 0 : i32
    %c0_i32_1 = arith.constant 0 : i32
    return %c0_i32, %c0_i32_0 : i32, i32
  }
  func.func @transform_8(%arg0: i32) -> (i32, i32) {
    %c0_i32 = arith.constant 0 : i32
    %c0_i32_0 = arith.constant 0 : i32
    %c0_i32_1 = arith.constant 0 : i32
    return %c0_i32, %c0_i32_0 : i32, i32
  }
  func.func @transform_9(%arg0: i32) -> (i32, i32) {
    %c0_i32 = arith.constant 0 : i32
    %c0_i32_0 = arith.constant 0 : i32
    %c0_i32_1 = arith.constant 0 : i32
    return %c0_i32, %c0_i32_0 : i32, i32
  }
  func.func @transform_10(%arg0: i32) -> (i32, i32) {
    %c0_i32 = arith.constant 0 : i32
    %c0_i32_0 = arith.constant 0 : i32
    %c0_i32_1 = arith.constant 0 : i32
    return %c0_i32, %c0_i32_0 : i32, i32
  }
  func.func @transform_11(%arg0: i32) -> (i32, i32) {
    %c0_i32 = arith.constant 0 : i32
    %c0_i32_0 = arith.constant 0 : i32
    return %arg0, %c0_i32 : i32, i32
  }
}

</mosaic_0001>

<sc_bundles>
// kernel: kernel.21.cloned.1.call-start
scs
__scs_entry_jumppad:
0x0: {  	(pc) =	sbr.rel $0x88, $3  }
0x1: {  	(tag) =	ssettag $0x0;
	lr =	simm.s32 $0x1  }
0x2: {  	[smem:$0x3F8D] =	sst lr;
	_ =	strace $0xD0000000  }
0x3: {  	_ = 	snop  }
0x4: {  	_ = 	snop  }
0x5: {  	_ = 	snop  }
0x6: {  	_ = 	snop  }
0x7: {  	_ = 	snop  }
__scs_overlays_trampoline_lowered:
0x8: {  	[smem:$0x3F9C] =	sst s0  }
0x9: {  	[smem:$0x3F9D] =	sst s1  }
0xa: {  	[smem:$0x3F9E] =	sst s2  }
0xb: {  	[smem:$0x3F9F] =	sst s3  }
0xc: {  	[smem:$0x3FA0] =	sst s4  }
0xd: {  	[smem:$0x3FA1] =	sst s5  }
0xe: {  	[smem:$0x3FA2] =	sst s6  }
0xf: {  	[smem:$0x3FA3] =	sst s7  }
0x10: {  	[smem:$0x3FA4] =	sst s8  }
0x11: {  	[smem:$0x3FA5] =	sst s9;
	s0 =	simm.s32 @!p0 $0x0  }
0x12: {  	s1 =	sld [smem:$0x3F8B];
	s0 =	simm.s32 @p0 $0x1  }
0x13: {  	[smem:$0x3FA6] =	sst s0;
	s0 =	simm.s32 @!p1 $0x0  }
0x14: {  	s2 =	sld [smem:$0x3F8A];
	s0 =	simm.s32 @p1 $0x1  }
0x15: {  	[smem:$0x3FA7] =	sst s0;
	s0 =	simm.s32 @!p2 $0x0  }
0x16: {  	s3 =	sld [smem:$0x3FDB];
	s0 =	simm.s32 @p2 $0x1  }
0x17: {  	s4 =	simm.s32 $0x1BF5;
	[smem:$0x3FA9] =	sst s0  }
0x18: {  	s0 =	sld [smem:$0x3F8C];
	_ =	swait.ge [sflag:s4], $0x0  }
0x19: {  	s7 =	sld [smem:$0x3F8D]  }
0x1a: {  	s8 =	sadd.s32 $0xFFFFE003, lr  }
0x1b: {  	s9 =	sadd.s32 $0xFFFFFEF7, lr;
	s5 =	simm.s32 $0xFFFFFFFF;
	p2 =	slt.u32 s8, $0xFFFFF086  }
0x1c: {  	p1 =	slt.u32 s9, $0xF7A;
	s5 =	simm.s32 @!p2 $0x0  }
0x1d: {  	s5 =	simm.s32 @p1 $0x1;
	p0 =	seq.s32 s7, s2  }
0x1e: {  	s7 =	smul.u32 @!p0 $0xF7A, s2;
	p2 =	seq.s32 @!p0 s5, $0x0  }
0x1f: {  	s9 =	smul.u32 $0xF7A, s1;
	s8 =	simm.s32 @!p0 $0x1BF5;
	p2 =	por !p2, p0  }
0x20: {  	[sflag:s8] =	ssyncset.s32 @!p0 $0xFFFFF086;
	s6 =	sadd.s32 @!p0 s3, s7;
	s7 =	simm.s32 @!p0 $0x108  }
0x21: {  	s3 =	sadd.s32 s3, s9;
	s6 =	sadd.s32 @!p0 $0x88, s6;
	s7 =	simm.s32 @p2 $0x1082  }
0x22: {  	[simem:s7], [sflag:s8] =	dma.local @!p0 [hbm:s6], $0xF7A  }
0x23: {  	s9 =	sor.u32 $0xD0000000, s2;
	s6 =	simm.s32 $0x108;
	_ =	swait.ge @!p0 [sflag:s8], $0x0  }
0x24: {  	s3 =	sadd.s32 $0x88, s3;
	s6 =	simm.s32 @!p1 $0x1082;
	[sflag:s4] =	ssyncset.s32 $0xFFFFF086  }
0x25: {  	[simem:s6], [sflag:s4] =	dma.local [hbm:s3], $0xF7A  }
0x26: {  	[smem:$0x3F8D] =	sst s1;
	(tag) =	ssettag s2;
	_ =	strace s9  }
0x27: {  	s1 =	sld [smem:$0x3F9D]  }
0x28: {  	s2 =	sld [smem:$0x3F9E]  }
0x29: {  	s4 =	sld [smem:$0x3FA0]  }
0x2a: {  	p0 =	seq.s32 s5, $0x0;
	s5 =	sld [smem:$0x3FA1]  }
0x2b: {  	s6 =	sld [smem:$0x3FA2]  }
0x2c: {  	s7 =	sld [smem:$0x3FA3]  }
0x2d: {  	s3 =	simm.s32 $0x108;
	s8 =	sld [smem:$0x3FA4]  }
0x2e: {  	s3 =	simm.s32 @!p0 $0x1082;
	s9 =	sld [smem:$0x3FA5]  }
0x2f: {  	lr =	sadd.s32 s0, s3;
	s0 =	sld [smem:$0x3F9C]  }
0x30: {  	s3 =	sld [smem:$0x3F9F]  }
0x31: {  	[smem:$0x3FA8] =	sst s10  }
0x32: {  	s10 =	sld [smem:$0x3FA6];
	_ =	sdelay $0x3  }
0x33: {  	p0 =	seq.s32 s10, $0x1;
	s10 =	sld [smem:$0x3FA8];
	_ =	sdelay $0x3  }
0x34: {  	[smem:$0x3FA8] =	sst s10  }
0x35: {  	s10 =	sld [smem:$0x3FA7];
	_ =	sdelay $0x3  }
0x36: {  	p1 =	seq.s32 s10, $0x1;
	s10 =	sld [smem:$0x3FA8];
	_ =	sdelay $0x3  }
0x37: {  	[smem:$0x3FA8] =	sst s10  }
0x38: {  	s10 =	sld [smem:$0x3FA9]  }
0x39: {  	_ = 	snop;
	(pc) =	sbr.ind lr, $3  }
0x3a: {  	_ = 	snop  }
0x3b: {  	_ = 	snop  }
0x3c: {  	p2 =	seq.s32 s10, $0x1;
	s10 =	sld [smem:$0x3FA8]  }
0x3d: {  	_ =	shalt  }
0x3e: {  	_ =	shalt  }
0x3f: {  	_ =	shalt  }
0x40: {  	_ =	shalt  }
0x41: {  	_ =	shalt  }
0x42: {  	_ =	shalt  }
0x43: {  	_ =	shalt  }
0x44: {  	_ =	shalt  }
0x45: {  	_ =	shalt  }
0x46: {  	_ =	shalt  }
0x47: {  	_ =	shalt  }
0x48: {  	_ =	shalt  }
0x49: {  	_ =	shalt  }
0x4a: {  	_ =	shalt  }
0x4b: {  	_ =	shalt  }
0x4c: {  	_ =	shalt  }
0x4d: {  	_ =	shalt  }
0x4e: {  	_ =	shalt  }
0x4f: {  	_ =	shalt  }
0x50: {  	_ =	shalt  }
0x51: {  	_ =	shalt  }
0x52: {  	_ =	shalt  }
0x53: {  	_ =	shalt  }
0x54: {  	_ =	shalt  }
0x55: {  	_ =	shalt  }
0x56: {  	_ =	shalt  }
0x57: {  	_ =	shalt  }
0x58: {  	_ =	shalt  }
0x59: {  	_ =	shalt  }
0x5a: {  	_ =	shalt  }
0x5b: {  	_ =	shalt  }
0x5c: {  	_ =	shalt  }
0x5d: {  	_ =	shalt  }
0x5e: {  	_ =	shalt  }
0x5f: {  	_ =	shalt  }
0x60: {  	_ =	shalt  }
0x61: {  	_ =	shalt  }
0x62: {  	_ =	shalt  }
0x63: {  	_ =	shalt  }
0x64: {  	_ =	shalt  }
0x65: {  	_ =	shalt  }
0x66: {  	_ =	shalt  }
0x67: {  	_ =	shalt  }
0x68: {  	_ =	shalt  }
0x69: {  	_ =	shalt  }
0x6a: {  	_ =	shalt  }
0x6b: {  	_ =	shalt  }
0x6c: {  	_ =	shalt  }
0x6d: {  	_ =	shalt  }
0x6e: {  	_ =	shalt  }
0x6f: {  	_ =	shalt  }
0x70: {  	_ =	shalt  }
0x71: {  	_ =	shalt  }
0x72: {  	_ =	shalt  }
0x73: {  	_ =	shalt  }
0x74: {  	_ =	shalt  }
0x75: {  	_ =	shalt  }
0x76: {  	_ =	shalt  }
0x77: {  	_ =	shalt  }
0x78: {  	_ =	shalt  }
0x79: {  	_ =	shalt  }
0x7a: {  	_ =	shalt  }
0x7b: {  	_ =	shalt  }
0x7c: {  	_ =	shalt  }
0x7d: {  	_ =	shalt  }
0x7e: {  	_ =	shalt  }
0x7f: {  	_ =	shalt  }
0x80: {  	_ =	shalt  }
0x81: {  	_ =	shalt  }
0x82: {  	_ =	shalt  }
0x83: {  	_ =	shalt  }
0x84: {  	_ =	shalt  }
0x85: {  	_ =	shalt  }
0x86: {  	_ =	shalt  }
0x87: {  	_ =	shalt  }
.Lfunc_end0:
.L_simem_size_0:
called_computation_lowered:
.L_overlay_start_0:
0x88: {  	s2 =	sld [smem:$0x3FD9]  }
0x89: {  	s3 =	sld [smem:$0x3FFE];
	_ =	sdelay $0x1  }
0x8a: {  	s1 =	srdreg.scid  }
0x8b: {  	s0 =	sand.u32 $0x1, s1  }
0x8c: {  	s16 =	sshll.u32 s0, $0xA;
	s2 =	sadd.s32 s3, s2  }
0x8d: {  	s2 =	sadd.s32 s2, s16  }
0x8e: {  	[smem:$0x3FB4] =	sst s2  }
0x8f: {  	_ = 	snop  }
0x90: {  	(tm) =	ssettm $0x1  }
0x91: {  	s17 =	sld [smem:$0x3FFB];
	_ =	sdelay $0x3  }
0x92: {  	_ =	strace s17  }
0x93: {  	s2 =	sld [smem:$0x3FFC];
	_ =	sdelay $0x3  }
0x94: {  	_ =	strace s2  }
0x95: {  	s2 =	sld [smem:$0x3FFD];
	_ =	sdelay $0x3  }
0x96: {  	_ =	strace s2  }
0x97: {  	_ =	strace $0x8FFFFFFF  }
0x98: {  	s18 =	sld [smem:$0x3FDB];
	_ =	sdelay $0x1  }
0x99: {  	s19 =	simm.s32 $_scs_section_size  }
0x9a: {  	s4 =	simm.s32 $_size__tile_overlayer_lowered;
	s5 =	simm.s32 $_tile_overlayer_lowered  }
0x9b: {  	s22 =	simm.s32 $0x1BFF;
	s21 =	sshll.u32 s5, $0x1;
	s2 =	sadd.s32 s19, s18  }
0x9c: {  	s6 =	simm.s32 $0x0;
	s20 =	sshll.u32 s4, $0x1;
	s4 =	sadd.s32 s21, s2  }
0x9d: {  	[timem:s6], [sflag:s22] =	dma.local [hbm:s4], s20  }
0x9e: {  	_ =	swait.ge [sflag:s22], s20  }
0x9f: {  	s3 =	ssub.s32 $0x0, s20;
	[sflag:s22] =	ssyncset.done $0x0  }
0xa0: {  	[sflag:s22] =	ssyncadd.s32 s3;
	_ =	sdelay $0x1  }
0xa1: {  	s23 =	simm.s32 $0x1B8B  }
0xa2: {  	_ =	swait.ge [sflag:s23], $0x1  }
0xa3: {  	[sflag:s23] =	ssyncset.done $0x0  }
0xa4: {  	s25 =	simm.s32 $0x1B8E;
	s24 =	sld [smem:$0x3FFE];
	[sflag:s23] =	ssyncadd.s32 $0xFFFFFFFF  }
0xa5: {  	s26 =	simm.s32 $execute0_lowered;
	[smem:$0x3FD2] =	sst s25  }
0xa6: {  	s4 =	sshll.u32 s26, $0x1;
	_ =	strace $0x80000046;
	[dreg:$0x1] =	wrdreg $0xFFFFFFFF  }
0xa7: {  	s28 =	simm.s32 $_size_execute0_lowered;
	s2 =	sadd.s32 s2, s4;
	[dreg:$0x0] =	wrdreg $0x0  }
0xa8: {  	s4 =	sshll.u32 s28, $0x1;
	[dreg:$0x2] =	wrdreg s2  }
0xa9: {  	[dreg:$0x3] =	wrdreg s4  }
0xaa: {  	[dreg:$0x4] =	wrdreg $0xC0  }
0xab: {  	_ =	task [dreg:s6], $0x5FFFF  }
0xac: {  	[dreg:$0x1] =	wrdreg $0xFFFFFFFF  }
0xad: {  	[dreg:$0x0] =	wrdreg $0x60  }
0xae: {  	[dreg:$0x2] =	wrdreg s24  }
0xaf: {  	[dreg:$0x3] =	wrdreg $0x68000  }
0xb0: {  	[dreg:$0x4] =	wrdreg $0x9  }
0xb1: {  	_ =	task.clear_ibuf [dreg:s6], $0x5FFFF;
	_ =	strace $0x90000046  }
0xb2: {  	s29 =	simm.s32 $0x9;
	_ =	strace $0x80000048  }
0xb3: {  	_ =	swait.ge [sflag:s29], $0x1  }
0xb4: {  	[sflag:s29] =	ssyncadd.s32 $0xFFFFFFFF  }
0xb5: {  	_ =	strace $0x90000048  }
0xb6: {  	_ =	sfence  }
0xb7: {  	s30 =	sld [smem:$0x0];
	_ =	sdelay $0x2  }
0xb8: {  	s31 =	sshll.u32 s1, $0xD;
	s1 =	sshrl.u32 s1, $0x2  }
0xb9: {  	s3 =	sand.u32 $0x4000, s31;
	s1 =	sadd.s32 s1, s30  }
0xba: {  	s0 =	sor.u32 s3, s0;
	s1 =	sshll.u32 s1, $0x11  }
0xbb: {  	s0 =	sor.u32 s1, s0  }
0xbc: {  	s0 =	sadd.s32 $0x8F2B, s0  }
0xbd: {  	[sflag:s0] =	ssyncadd.remote.s32 $0x1  }
0xbe: {  	_ =	sfence.sel $0xFFFF  }
0xbf: {  	[dreg:$0x0] =	wrdreg $0xFFFFFFFF;
	(pc) =	sbr.abs _section_cstart, $3  }
0xc0: {  	[dreg:$0x1] =	wrdreg $0xFFFFFFFF  }
0xc1: {  	_ =	task.clear_ibuf [dreg:s6], $0x2FFFF;
	_ =	strace $0x9FFFFFFF  }
0xc2: {  	(tm) =	ssettm $0x7FFFFFFF  }
0xc3: {  	_ =	shalt  }
tec
execute0_lowered:
.L_overlay_start_1:
0x0: {  	(tag) =	ssettag $0x1  }
0x1: {  	s0 =	srdreg.scid;
	s5 =	rddreg [dreg:$0x0]  }
0x2: {  	s2 =	rddreg [dreg:$0x1];
	s4 =	sand.u32 $0x1, s0  }
0x3: {  	s0 =	stileid.u32;
	s6 =	smul.u32 $0x28000, s4  }
0x4: {  	s1 =	rddreg [dreg:$0x2];
	s3 =	simm.s32 $0x0;
	s7 =	smul.u32 $0x2800, s0  }
0x5: {  	s14 =	simm.s32 $0x0;
	[smem:$0x7FF] =	sst s3;
	s8 =	smul.u32 $0x13C00, s0  }
0x6: {  	s9 =	smul.u32 $0x13C000, s4;
	_ =	strace $0x80000047;
	s28 =	ssub.s32 $0x2, s4  }
0x7: {  	s29 =	smul.u32 $0x4F000, s0;
	s4 =	sadd.s32 $0xF800, s5;
	s31 =	sshll.u32 s0, $0x6  }
0x8: {  	s11 =	sshrl.u32 s28, $0x1;
	s6 =	sadd.s32 s7, s6;
	s24 =	sshrl.u32 s8, $0x3  }
0x9: {  	s26 =	sadd.s32 s8, s9;
	s11 =	ssub.s32 s28, s11;
	s30 =	sshrl.u32 s29, $0x2  }
0xa: {  	s6 =	sshrl.u32 s6, $0x3;
	s25 =	sadd.s32 s24, s5;
	s7 =	sshrl.u32 s26, $0x3  }
0xb: {  	s13 =	sadd.s32 s30, s2;
	s9 =	smax.u32 s11, $0x1;
	s11 =	simm.s32 $0x1  }
0xc: {  	s10 =	sadd.s32 s6, s5;
	s12 =	sadd.s32 s7, s5;
	s5 =	sadd.s32 $0x10000, s25  }
0xd: {  	s6 =	sor.u32 $0x1C01, s31;
	s7 =	sadd.s32 $0x5800, s10;
	s8 =	sadd.s32 $0x37800, s12  }
0xe: {  	s10 =	sshrl.u32 s13, $0x3;
	s12 =	simm.s32 $0x2800;
	s13 =	simm.s32 $0x80  }
.LBB2_1:
0xf: {  	[spmem:s10], [sflag:s6] =	dma.local [hbm:s5], $0x2780  }
0x10: {  	_ =	swait.ge [sflag:s11], $0x2780  }
0x11: {  	[sflag:s11] =	ssyncset.done $0x0  }
0x12: {  	[sflag:s11] =	ssyncadd.s32 $0xFFFFD880  }
0x13: {  	[tilespmem:s12], [sflag:$0x1] =	stream.linear.gather [hbm4b:s4+s3], $0x4000, $0x38;
	[tilespmem:$0x1A400] =	vst v63  }
0x14: {  	_ =	swait.ge [sflag:s11], $0x4000  }
0x15: {  	[sflag:s11] =	ssyncset.done $0x0  }
0x16: {  	[sflag:s11] =	ssyncadd.s32 $0xFFFFC000  }
0x17: {  	[tilespmem:s3], [sflag:$0x1] =	stream.linear.gather [hbm4b:s7+s3], $0x2780, $0x38;
	[tilespmem:$0x1A400] =	vst v63  }
0x18: {  	_ =	swait.ge [sflag:s11], $0x2780  }
0x19: {  	[sflag:s11] =	ssyncset.done $0x0  }
0x1a: {  	[sflag:s11] =	ssyncadd.s32 $0xFFFFD880  }
0x1b: {  	s15 =	simm.s32 $0x0;
	[bflag:$0x0] =	sbarrier.arrive $0xFFFF  }
0x1c: {  	[spmem:s2] =	stream.indirect.scatter.add.f32 [tilespmem:s12], [sflag:$0x1], $0x80, s15, s13, $0xb8;
	[tilespmem:$0x1A400] =	vst v63  }
0x1d: {  	_ =	swait.ge [sflag:s11], $0x4000  }
0x1e: {  	s15 =	simm.s32 $0x200;
	[sflag:s11] =	ssyncset.done $0x0  }
.LBB2_2:
0x1f: {  	s16 =	sshra.s32 s15, $0x2;
	[sflag:s11] =	ssyncadd.s32 $0xFFFFC000;
	p0 =	sne.s32 s15, $0x9C00  }
0x20: {  	[spmem:s2] =	stream.indirect.scatter.add.f32 [tilespmem:s12], [sflag:$0x1], $0x80, s16, s13, $0xb8;
	[tilespmem:$0x1A400] =	vst v63  }
.Ltmp0:
0x21: {  	_ = 	snop;
	(pc) =	sbr.rel @p0 .LBB2_2-.Ltmp0, $4  }
0x22: {  	_ = 	snop  }
0x23: {  	s15 =	sadd.s32 $0x200, s15  }
0x24: {  	_ =	swait.ge [sflag:s11], $0x4000  }
0x25: {  	[sflag:s11] =	ssyncset.done $0x0  }
0x26: {  	s14 =	sadd.s32 $0x1, s14  }
0x27: {  	[sflag:s11] =	ssyncadd.s32 $0xFFFFC000;
	p0 =	sne.s32 s14, s9  }
.Ltmp1:
0x28: {  	[bflag:$0x0] =	sbarrier.arrive $0xFFFF;
	(pc) =	sbr.rel @p0 .LBB2_1-.Ltmp1, $4  }
0x29: {  	[hbm:s8], [sflag:s6] =	dma.local [spmem:s10], $0x2780  }
0x2a: {  	_ =	swait.ge [sflag:s11], $0x2780  }
0x2b: {  	[sflag:s11] =	ssyncset.done $0x0  }
0x2c: {  	[sflag:s11] =	ssyncadd.s32 $0xFFFFD880  }
0x2d: {  	_ =	sfence.sel $0x180000  }
0x2e: {  	[bflag:$0x0] =	sbarrier.arrive $0xFFFF  }
0x2f: {  	p0 =	sne.s32 s0, $0x0;
	_ =	strace $0x90000047  }
0x30: {  	s0 =	sadd.s32 @!p0 $0x100000, s1;
	[bflag:$0x2] =	sbarrier.arrive $0xFFFF  }
0x31: {  	[sflag:s0] =	ssyncadd.tile.s32 @!p0 $0x1;
	_ =	shalt  }
.Lfunc_end2:
_tile_overlayer_lowered:
.L_overlay_start_2:
0x32: {  	(tag) =	ssettag $0x2  }
0x33: {  	s0 =	rddreg [dreg:$0x0];
	s2 =	stileid.u32  }
0x34: {  	s1 =	rddreg [dreg:$0x1];
	p0 =	sne.s32 s2, $0x0  }
0x35: {  	s3 =	rddreg [dreg:$0x2];
	[bflag:$0x3] =	sbarrier.arrive $0xFFFF;
	s2 =	simm.s32 @!p0 $0x1C01  }
0x36: {  	[timem:s3], [sflag:s2] =	dma.local @!p0 [hbm:s0], s1  }
0x37: {  	s0 =	simm.s32 @!p0 $0x1  }
0x38: {  	_ =	swait.ge @!p0 [sflag:s0], s1  }
0x39: {  	s1 =	ssub.s32 @!p0 $0x0, s1;
	[sflag:s0] =	ssyncset.done @!p0 $0x0  }
0x3a: {  	[sflag:s0] =	ssyncadd.s32 @!p0 s1  }
0x3b: {  	[bflag:$0x3] =	sbarrier.arrive $0xFFFF  }
0x3c: {  	_ =	shalt  }

// kernel: kernel.24.cloned.1.call-start
scs
__scs_entry_jumppad:
0x0: {  	(pc) =	sbr.rel $0x88, $3  }
0x1: {  	(tag) =	ssettag $0x0;
	lr =	simm.s32 $0x1  }
0x2: {  	[smem:$0x3F8D] =	sst lr;
	_ =	strace $0xD0000000  }
0x3: {  	_ = 	snop  }
0x4: {  	_ = 	snop  }
0x5: {  	_ = 	snop  }
0x6: {  	_ = 	snop  }
0x7: {  	_ = 	snop  }
__scs_overlays_trampoline_lowered:
0x8: {  	[smem:$0x3F9C] =	sst s0  }
0x9: {  	[smem:$0x3F9D] =	sst s1  }
0xa: {  	[smem:$0x3F9E] =	sst s2  }
0xb: {  	[smem:$0x3F9F] =	sst s3  }
0xc: {  	[smem:$0x3FA0] =	sst s4  }
0xd: {  	[smem:$0x3FA1] =	sst s5  }
0xe: {  	[smem:$0x3FA2] =	sst s6  }
0xf: {  	[smem:$0x3FA3] =	sst s7  }
0x10: {  	[smem:$0x3FA4] =	sst s8  }
0x11: {  	[smem:$0x3FA5] =	sst s9;
	s0 =	simm.s32 @!p0 $0x0  }
0x12: {  	s1 =	sld [smem:$0x3F8B];
	s0 =	simm.s32 @p0 $0x1  }
0x13: {  	[smem:$0x3FA6] =	sst s0;
	s0 =	simm.s32 @!p1 $0x0  }
0x14: {  	s2 =	sld [smem:$0x3F8A];
	s0 =	simm.s32 @p1 $0x1  }
0x15: {  	[smem:$0x3FA7] =	sst s0;
	s0 =	simm.s32 @!p2 $0x0  }
0x16: {  	s3 =	sld [smem:$0x3FDB];
	s0 =	simm.s32 @p2 $0x1  }
0x17: {  	s4 =	simm.s32 $0x1BF5;
	[smem:$0x3FA9] =	sst s0  }
0x18: {  	s0 =	sld [smem:$0x3F8C];
	_ =	swait.ge [sflag:s4], $0x0  }
0x19: {  	s7 =	sld [smem:$0x3F8D]  }
0x1a: {  	s8 =	sadd.s32 $0xFFFFE003, lr  }
0x1b: {  	s9 =	sadd.s32 $0xFFFFFEF7, lr;
	s5 =	simm.s32 $0xFFFFFFFF;
	p2 =	slt.u32 s8, $0xFFFFF086  }
0x1c: {  	p1 =	slt.u32 s9, $0xF7A;
	s5 =	simm.s32 @!p2 $0x0  }
0x1d: {  	s5 =	simm.s32 @p1 $0x1;
	p0 =	seq.s32 s7, s2  }
0x1e: {  	s7 =	smul.u32 @!p0 $0xF7A, s2;
	p2 =	seq.s32 @!p0 s5, $0x0  }
0x1f: {  	s9 =	smul.u32 $0xF7A, s1;
	s8 =	simm.s32 @!p0 $0x1BF5;
	p2 =	por !p2, p0  }
0x20: {  	[sflag:s8] =	ssyncset.s32 @!p0 $0xFFFFF086;
	s6 =	sadd.s32 @!p0 s3, s7;
	s7 =	simm.s32 @!p0 $0x108  }
0x21: {  	s3 =	sadd.s32 s3, s9;
	s6 =	sadd.s32 @!p0 $0x88, s6;
	s7 =	simm.s32 @p2 $0x1082  }
0x22: {  	[simem:s7], [sflag:s8] =	dma.local @!p0 [hbm:s6], $0xF7A  }
0x23: {  	s9 =	sor.u32 $0xD0000000, s2;
	s6 =	simm.s32 $0x108;
	_ =	swait.ge @!p0 [sflag:s8], $0x0  }
0x24: {  	s3 =	sadd.s32 $0x88, s3;
	s6 =	simm.s32 @!p1 $0x1082;
	[sflag:s4] =	ssyncset.s32 $0xFFFFF086  }
0x25: {  	[simem:s6], [sflag:s4] =	dma.local [hbm:s3], $0xF7A  }
0x26: {  	[smem:$0x3F8D] =	sst s1;
	(tag) =	ssettag s2;
	_ =	strace s9  }
0x27: {  	s1 =	sld [smem:$0x3F9D]  }
0x28: {  	s2 =	sld [smem:$0x3F9E]  }
0x29: {  	s4 =	sld [smem:$0x3FA0]  }
0x2a: {  	p0 =	seq.s32 s5, $0x0;
	s5 =	sld [smem:$0x3FA1]  }
0x2b: {  	s6 =	sld [smem:$0x3FA2]  }
0x2c: {  	s7 =	sld [smem:$0x3FA3]  }
0x2d: {  	s3 =	simm.s32 $0x108;
	s8 =	sld [smem:$0x3FA4]  }
0x2e: {  	s3 =	simm.s32 @!p0 $0x1082;
	s9 =	sld [smem:$0x3FA5]  }
0x2f: {  	lr =	sadd.s32 s0, s3;
	s0 =	sld [smem:$0x3F9C]  }
0x30: {  	s3 =	sld [smem:$0x3F9F]  }
0x31: {  	[smem:$0x3FA8] =	sst s10  }
0x32: {  	s10 =	sld [smem:$0x3FA6];
	_ =	sdelay $0x3  }
0x33: {  	p0 =	seq.s32 s10, $0x1;
	s10 =	sld [smem:$0x3FA8];
	_ =	sdelay $0x3  }
0x34: {  	[smem:$0x3FA8] =	sst s10  }
0x35: {  	s10 =	sld [smem:$0x3FA7];
	_ =	sdelay $0x3  }
0x36: {  	p1 =	seq.s32 s10, $0x1;
	s10 =	sld [smem:$0x3FA8];
	_ =	sdelay $0x3  }
0x37: {  	[smem:$0x3FA8] =	sst s10  }
0x38: {  	s10 =	sld [smem:$0x3FA9]  }
0x39: {  	_ = 	snop;
	(pc) =	sbr.ind lr, $3  }
0x3a: {  	_ = 	snop  }
0x3b: {  	_ = 	snop  }
0x3c: {  	p2 =	seq.s32 s10, $0x1;
	s10 =	sld [smem:$0x3FA8]  }
0x3d: {  	_ =	shalt  }
0x3e: {  	_ =	shalt  }
0x3f: {  	_ =	shalt  }
0x40: {  	_ =	shalt  }
0x41: {  	_ =	shalt  }
0x42: {  	_ =	shalt  }
0x43: {  	_ =	shalt  }
0x44: {  	_ =	shalt  }
0x45: {  	_ =	shalt  }
0x46: {  	_ =	shalt  }
0x47: {  	_ =	shalt  }
0x48: {  	_ =	shalt  }
0x49: {  	_ =	shalt  }
0x4a: {  	_ =	shalt  }
0x4b: {  	_ =	shalt  }
0x4c: {  	_ =	shalt  }
0x4d: {  	_ =	shalt  }
0x4e: {  	_ =	shalt  }
0x4f: {  	_ =	shalt  }
0x50: {  	_ =	shalt  }
0x51: {  	_ =	shalt  }
0x52: {  	_ =	shalt  }
0x53: {  	_ =	shalt  }
0x54: {  	_ =	shalt  }
0x55: {  	_ =	shalt  }
0x56: {  	_ =	shalt  }
0x57: {  	_ =	shalt  }
0x58: {  	_ =	shalt  }
0x59: {  	_ =	shalt  }
0x5a: {  	_ =	shalt  }
0x5b: {  	_ =	shalt  }
0x5c: {  	_ =	shalt  }
0x5d: {  	_ =	shalt  }
0x5e: {  	_ =	shalt  }
0x5f: {  	_ =	shalt  }
0x60: {  	_ =	shalt  }
0x61: {  	_ =	shalt  }
0x62: {  	_ =	shalt  }
0x63: {  	_ =	shalt  }
0x64: {  	_ =	shalt  }
0x65: {  	_ =	shalt  }
0x66: {  	_ =	shalt  }
0x67: {  	_ =	shalt  }
0x68: {  	_ =	shalt  }
0x69: {  	_ =	shalt  }
0x6a: {  	_ =	shalt  }
0x6b: {  	_ =	shalt  }
0x6c: {  	_ =	shalt  }
0x6d: {  	_ =	shalt  }
0x6e: {  	_ =	shalt  }
0x6f: {  	_ =	shalt  }
0x70: {  	_ =	shalt  }
0x71: {  	_ =	shalt  }
0x72: {  	_ =	shalt  }
0x73: {  	_ =	shalt  }
0x74: {  	_ =	shalt  }
0x75: {  	_ =	shalt  }
0x76: {  	_ =	shalt  }
0x77: {  	_ =	shalt  }
0x78: {  	_ =	shalt  }
0x79: {  	_ =	shalt  }
0x7a: {  	_ =	shalt  }
0x7b: {  	_ =	shalt  }
0x7c: {  	_ =	shalt  }
0x7d: {  	_ =	shalt  }
0x7e: {  	_ =	shalt  }
0x7f: {  	_ =	shalt  }
0x80: {  	_ =	shalt  }
0x81: {  	_ =	shalt  }
0x82: {  	_ =	shalt  }
0x83: {  	_ =	shalt  }
0x84: {  	_ =	shalt  }
0x85: {  	_ =	shalt  }
0x86: {  	_ =	shalt  }
0x87: {  	_ =	shalt  }
.Lfunc_end0:
.L_simem_size_0:
called_computation.1_lowered:
.L_overlay_start_0:
0x88: {  	s2 =	sld [smem:$0x3FD9]  }
0x89: {  	s3 =	sld [smem:$0x3FFE];
	_ =	sdelay $0x1  }
0x8a: {  	s1 =	srdreg.scid  }
0x8b: {  	s0 =	sand.u32 $0x1, s1  }
0x8c: {  	s16 =	sshll.u32 s0, $0xA;
	s2 =	sadd.s32 s3, s2  }
0x8d: {  	s2 =	sadd.s32 s2, s16  }
0x8e: {  	[smem:$0x3FB4] =	sst s2  }
0x8f: {  	_ = 	snop  }
0x90: {  	(tm) =	ssettm $0x1  }
0x91: {  	s17 =	sld [smem:$0x3FFB];
	_ =	sdelay $0x3  }
0x92: {  	_ =	strace s17  }
0x93: {  	s2 =	sld [smem:$0x3FFC];
	_ =	sdelay $0x3  }
0x94: {  	_ =	strace s2  }
0x95: {  	s2 =	sld [smem:$0x3FFD];
	_ =	sdelay $0x3  }
0x96: {  	_ =	strace s2  }
0x97: {  	_ =	strace $0x8FFFFFFF  }
0x98: {  	s18 =	sld [smem:$0x3FDB];
	_ =	sdelay $0x1  }
0x99: {  	s19 =	simm.s32 $_scs_section_size  }
0x9a: {  	s4 =	simm.s32 $_size__tile_overlayer_lowered;
	s5 =	simm.s32 $_tile_overlayer_lowered  }
0x9b: {  	s22 =	simm.s32 $0x1BFF;
	s21 =	sshll.u32 s5, $0x1;
	s2 =	sadd.s32 s19, s18  }
0x9c: {  	s6 =	simm.s32 $0x0;
	s20 =	sshll.u32 s4, $0x1;
	s4 =	sadd.s32 s21, s2  }
0x9d: {  	[timem:s6], [sflag:s22] =	dma.local [hbm:s4], s20  }
0x9e: {  	_ =	swait.ge [sflag:s22], s20  }
0x9f: {  	s3 =	ssub.s32 $0x0, s20;
	[sflag:s22] =	ssyncset.done $0x0  }
0xa0: {  	[sflag:s22] =	ssyncadd.s32 s3;
	_ =	sdelay $0x1  }
0xa1: {  	s23 =	simm.s32 $0x1B8B  }
0xa2: {  	_ =	swait.ge [sflag:s23], $0x1  }
0xa3: {  	[sflag:s23] =	ssyncset.done $0x0  }
0xa4: {  	s25 =	simm.s32 $0x1B8E;
	s24 =	sld [smem:$0x3FFE];
	[sflag:s23] =	ssyncadd.s32 $0xFFFFFFFF  }
0xa5: {  	s26 =	simm.s32 $execute0_lowered;
	[smem:$0x3FD2] =	sst s25  }
0xa6: {  	s4 =	sshll.u32 s26, $0x1;
	_ =	strace $0x80000049;
	[dreg:$0x1] =	wrdreg $0xFFFFFFFF  }
0xa7: {  	s28 =	simm.s32 $_size_execute0_lowered;
	s2 =	sadd.s32 s2, s4;
	[dreg:$0x0] =	wrdreg $0x0  }
0xa8: {  	s4 =	sshll.u32 s28, $0x1;
	[dreg:$0x2] =	wrdreg s2  }
0xa9: {  	[dreg:$0x3] =	wrdreg s4  }
0xaa: {  	[dreg:$0x4] =	wrdreg $0xC0  }
0xab: {  	_ =	task [dreg:s6], $0x5FFFF  }
0xac: {  	[dreg:$0x1] =	wrdreg $0xFFFFFFFF  }
0xad: {  	[dreg:$0x0] =	wrdreg $0x60  }
0xae: {  	[dreg:$0x2] =	wrdreg s24  }
0xaf: {  	[dreg:$0x3] =	wrdreg $0x90000  }
0xb0: {  	[dreg:$0x4] =	wrdreg $0x9  }
0xb1: {  	_ =	task.clear_ibuf [dreg:s6], $0x5FFFF;
	_ =	strace $0x90000049  }
0xb2: {  	s29 =	simm.s32 $0x9;
	_ =	strace $0x8000004B  }
0xb3: {  	_ =	swait.ge [sflag:s29], $0x1  }
0xb4: {  	[sflag:s29] =	ssyncadd.s32 $0xFFFFFFFF  }
0xb5: {  	_ =	strace $0x9000004B  }
0xb6: {  	_ =	sfence  }
0xb7: {  	s30 =	sld [smem:$0x0];
	_ =	sdelay $0x2  }
0xb8: {  	s31 =	sshll.u32 s1, $0xD;
	s1 =	sshrl.u32 s1, $0x2  }
0xb9: {  	s3 =	sand.u32 $0x4000, s31;
	s1 =	sadd.s32 s1, s30  }
0xba: {  	s0 =	sor.u32 s3, s0;
	s1 =	sshll.u32 s1, $0x11  }
0xbb: {  	s0 =	sor.u32 s1, s0  }
0xbc: {  	s0 =	sadd.s32 $0x8F2B, s0  }
0xbd: {  	[sflag:s0] =	ssyncadd.remote.s32 $0x1  }
0xbe: {  	_ =	sfence.sel $0xFFFF  }
0xbf: {  	[dreg:$0x0] =	wrdreg $0xFFFFFFFF;
	(pc) =	sbr.abs _section_cstart, $3  }
0xc0: {  	[dreg:$0x1] =	wrdreg $0xFFFFFFFF  }
0xc1: {  	_ =	task.clear_ibuf [dreg:s6], $0x2FFFF;
	_ =	strace $0x9FFFFFFF  }
0xc2: {  	(tm) =	ssettm $0x7FFFFFFF  }
0xc3: {  	_ =	shalt  }
tec
execute0_lowered:
.L_overlay_start_1:
0x0: {  	(tag) =	ssettag $0x1  }
0x1: {  	s5 =	rddreg [dreg:$0x0]  }
0x2: {  	s0 =	srdreg.scid;
	s2 =	rddreg [dreg:$0x1]  }
0x3: {  	s1 =	rddreg [dreg:$0x2];
	s3 =	simm.s32 $0x0;
	s6 =	sand.u32 $0x1, s0  }
0x4: {  	s14 =	simm.s32 $0x80;
	s0 =	stileid.u32;
	s4 =	smul.u32 $0x28000, s6  }
0x5: {  	s15 =	simm.s32 $0x5000;
	s16 =	simm.s32 $0x1;
	s7 =	smul.u32 $0x2800, s0  }
0x6: {  	s17 =	simm.s32 $0x0;
	[smem:$0x7FF] =	sst s3;
	s28 =	smul.u32 $0x13C00, s0  }
0x7: {  	_ =	strace $0x8000004A;
	s9 =	smul.u32 $0x13C000, s6;
	s6 =	ssub.s32 $0x2, s6  }
0x8: {  	s29 =	smul.u32 $0x4F000, s0;
	s31 =	sshll.u32 s0, $0x6;
	s11 =	sshrl.u32 s6, $0x1  }
0x9: {  	s4 =	sadd.s32 s7, s4;
	s10 =	sshrl.u32 s28, $0x3;
	s7 =	sadd.s32 s28, s9  }
0xa: {  	s11 =	ssub.s32 s6, s11;
	s30 =	sshrl.u32 s29, $0x2;
	s6 =	sor.u32 $0x1C02, s31  }
0xb: {  	s8 =	sshrl.u32 s4, $0x3;
	s4 =	sadd.s32 $0x37800, s5;
	s10 =	sadd.s32 s10, s5  }
0xc: {  	s7 =	sshrl.u32 s7, $0x3;
	s13 =	sadd.s32 s30, s2;
	s8 =	sadd.s32 s8, s5  }
0xd: {  	s12 =	sadd.s32 s7, s5;
	s5 =	sadd.s32 $0x10000, s10;
	s10 =	smax.u32 s11, $0x1  }
0xe: {  	s11 =	sshrl.u32 s13, $0x3;
	s13 =	simm.s32 $0x2800;
	s7 =	sadd.s32 $0x86800, s8  }
0xf: {  	s8 =	sadd.s32 $0x5800, s8;
	s9 =	sadd.s32 $0x90800, s12;
	s12 =	simm.s32 $0x2  }
.LBB2_1:
0x10: {  	[spmem:s11], [sflag:s6] =	dma.local [hbm:s5], $0x2780  }
0x11: {  	_ =	swait.ge [sflag:s12], $0x2780  }
0x12: {  	[sflag:s12] =	ssyncset.done $0x0  }
0x13: {  	[sflag:s12] =	ssyncadd.s32 $0xFFFFD880  }
0x14: {  	[tilespmem:s3], [sflag:$0x2] =	stream.linear.gather [hbm4b:s7+s3], $0x2780, $0x38;
	[tilespmem:$0x1CC00] =	vst v63  }
0x15: {  	_ =	swait.ge [sflag:s12], $0x2780  }
0x16: {  	[sflag:s12] =	ssyncset.done $0x0  }
0x17: {  	[sflag:s12] =	ssyncadd.s32 $0xFFFFD880  }
0x18: {  	[tilespmem:s13], [sflag:$0x2] =	stream.linear.gather [hbm4b:s8+s3], $0x2780, $0x38;
	[tilespmem:$0x1CC00] =	vst v63  }
0x19: {  	_ =	swait.ge [sflag:s12], $0x2780  }
0x1a: {  	[sflag:s12] =	ssyncset.done $0x0  }
0x1b: {  	[sflag:s12] =	ssyncadd.s32 $0xFFFFD880  }
0x1c: {  	s18 =	simm.s32 $0x0;
	[bflag:$0x0] =	sbarrier.arrive $0xFFFF  }
0x1d: {  	[tilespmem:s15], [sflag:$0x1] =	stream.indirect.gather [hbm4b:s4+s14], $0x80, s18, s14, $0xb8;
	[tilespmem:$0x1CC00] =	vst v63  }
0x1e: {  	_ =	swait.ge [sflag:s16], $0x4000  }
0x1f: {  	[sflag:s16] =	ssyncset.done $0x0  }
0x20: {  	s31 =	simm.s32 $0x2800;
	[sflag:s16] =	ssyncadd.s32 $0xFFFFC000  }
0x21: {  	[spmem:s2] =	stream.indirect.scatter.add.f32 [tilespmem:s15], [sflag:$0x2], $0x80, s31, s14, $0xb8;
	[tilespmem:$0x1CC00] =	vst v63  }
0x22: {  	_ =	swait.ge [sflag:s12], $0x4000  }
0x23: {  	s19 =	simm.s32 $0x400;
	s18 =	simm.s32 $0x200;
	[sflag:s12] =	ssyncset.done $0x0  }
.LBB2_2:
0x24: {  	s20 =	sshra.s32 s18, $0x2  }
0x25: {  	[sflag:s12] =	ssyncadd.s32 $0xFFFFC000;
	s18 =	smov.u32 s19;
	s21 =	sadd.s32 $0x200, s19  }
0x26: {  	[tilespmem:s15], [sflag:$0x1] =	stream.indirect.gather [hbm4b:s4+s14], $0x80, s20, s14, $0xb8;
	[tilespmem:$0x1CC00] =	vst v63  }
0x27: {  	p0 =	sne.s32 s19, $0x9C00;
	_ =	swait.ge [sflag:s16], $0x4000  }
.Ltmp0:
0x28: {  	[sflag:s16] =	ssyncset.done $0x0;
	(pc) =	sbr.rel @p0 .LBB2_2-.Ltmp0, $4  }
0x29: {  	s19 =	sadd.s32 $0x2800, s20;
	[sflag:s16] =	ssyncadd.s32 $0xFFFFC000  }
0x2a: {  	[spmem:s2] =	stream.indirect.scatter.add.f32 [tilespmem:s15], [sflag:$0x2], $0x80, s19, s14, $0xb8;
	[tilespmem:$0x1CC00] =	vst v63  }
0x2b: {  	_ =	swait.ge [sflag:s12], $0x4000  }
0x2c: {  	s19 =	smov.u32 s21;
	[sflag:s12] =	ssyncset.done $0x0  }
0x2d: {  	s18 =	sshra.s32 s18, $0x2;
	[sflag:s12] =	ssyncadd.s32 $0xFFFFC000  }
0x2e: {  	[tilespmem:s15], [sflag:$0x1] =	stream.indirect.gather [hbm4b:s4+s14], $0x80, s18, s14, $0xb8;
	[tilespmem:$0x1CC00] =	vst v63  }
0x2f: {  	_ =	swait.ge [sflag:s16], $0x4000  }
0x30: {  	[sflag:s16] =	ssyncset.done $0x0  }
0x31: {  	s18 =	sadd.s32 $0x2800, s18;
	[sflag:s16] =	ssyncadd.s32 $0xFFFFC000  }
0x32: {  	[spmem:s2] =	stream.indirect.scatter.add.f32 [tilespmem:s15], [sflag:$0x2], $0x80, s18, s14, $0xb8;
	[tilespmem:$0x1CC00] =	vst v63  }
0x33: {  	_ =	swait.ge [sflag:s12], $0x4000  }
0x34: {  	s17 =	sadd.s32 $0x1, s17;
	[sflag:s12] =	ssyncset.done $0x0  }
0x35: {  	p0 =	sne.s32 s17, s10;
	[sflag:s12] =	ssyncadd.s32 $0xFFFFC000  }
.Ltmp1:
0x36: {  	[bflag:$0x0] =	sbarrier.arrive $0xFFFF;
	(pc) =	sbr.rel @p0 .LBB2_1-.Ltmp1, $4  }
0x37: {  	[hbm:s9], [sflag:s6] =	dma.local [spmem:s11], $0x2780  }
0x38: {  	_ =	swait.ge [sflag:s12], $0x2780  }
0x39: {  	[sflag:s12] =	ssyncset.done $0x0  }
0x3a: {  	[sflag:s12] =	ssyncadd.s32 $0xFFFFD880  }
0x3b: {  	_ =	sfence.sel $0x180000  }
0x3c: {  	[bflag:$0x0] =	sbarrier.arrive $0xFFFF  }
0x3d: {  	p0 =	sne.s32 s0, $0x0;
	_ =	strace $0x9000004A  }
0x3e: {  	s0 =	sadd.s32 @!p0 $0x100000, s1;
	[bflag:$0x2] =	sbarrier.arrive $0xFFFF  }
0x3f: {  	[sflag:s0] =	ssyncadd.tile.s32 @!p0 $0x1;
	_ =	shalt  }
.Lfunc_end2:
_tile_overlayer_lowered:
.L_overlay_start_2:
0x40: {  	(tag) =	ssettag $0x2  }
0x41: {  	s0 =	rddreg [dreg:$0x0];
	s2 =	stileid.u32  }
0x42: {  	s1 =	rddreg [dreg:$0x1];
	p0 =	sne.s32 s2, $0x0  }
0x43: {  	s3 =	rddreg [dreg:$0x2];
	[bflag:$0x3] =	sbarrier.arrive $0xFFFF;
	s2 =	simm.s32 @!p0 $0x1C02  }
0x44: {  	[timem:s3], [sflag:s2] =	dma.local @!p0 [hbm:s0], s1  }
0x45: {  	s0 =	simm.s32 @!p0 $0x2  }
0x46: {  	_ =	swait.ge @!p0 [sflag:s0], s1  }
0x47: {  	s1 =	ssub.s32 @!p0 $0x0, s1;
	[sflag:s0] =	ssyncset.done @!p0 $0x0  }
0x48: {  	[sflag:s0] =	ssyncadd.s32 @!p0 s1  }
0x49: {  	[bflag:$0x3] =	sbarrier.arrive $0xFFFF  }
0x4a: {  	_ =	shalt  }

// kernel: kernel.27.cloned.1.call-start
scs
__scs_entry_jumppad:
0x0: {  	(pc) =	sbr.rel $0x88, $3  }
0x1: {  	(tag) =	ssettag $0x0;
	lr =	simm.s32 $0x1  }
0x2: {  	[smem:$0x3F8D] =	sst lr;
	_ =	strace $0xD0000000  }
0x3: {  	_ = 	snop  }
0x4: {  	_ = 	snop  }
0x5: {  	_ = 	snop  }
0x6: {  	_ = 	snop  }
0x7: {  	_ = 	snop  }
__scs_overlays_trampoline_lowered:
0x8: {  	[smem:$0x3F9C] =	sst s0  }
0x9: {  	[smem:$0x3F9D] =	sst s1  }
0xa: {  	[smem:$0x3F9E] =	sst s2  }
0xb: {  	[smem:$0x3F9F] =	sst s3  }
0xc: {  	[smem:$0x3FA0] =	sst s4  }
0xd: {  	[smem:$0x3FA1] =	sst s5  }
0xe: {  	[smem:$0x3FA2] =	sst s6  }
0xf: {  	[smem:$0x3FA3] =	sst s7  }
0x10: {  	[smem:$0x3FA4] =	sst s8  }
0x11: {  	[smem:$0x3FA5] =	sst s9;
	s0 =	simm.s32 @!p0 $0x0  }
0x12: {  	s1 =	sld [smem:$0x3F8B];
	s0 =	simm.s32 @p0 $0x1  }
0x13: {  	[smem:$0x3FA6] =	sst s0;
	s0 =	simm.s32 @!p1 $0x0  }
0x14: {  	s2 =	sld [smem:$0x3F8A];
	s0 =	simm.s32 @p1 $0x1  }
0x15: {  	[smem:$0x3FA7] =	sst s0;
	s0 =	simm.s32 @!p2 $0x0  }
0x16: {  	s3 =	sld [smem:$0x3FDB];
	s0 =	simm.s32 @p2 $0x1  }
0x17: {  	s4 =	simm.s32 $0x1BF5;
	[smem:$0x3FA9] =	sst s0  }
0x18: {  	s0 =	sld [smem:$0x3F8C];
	_ =	swait.ge [sflag:s4], $0x0  }
0x19: {  	s7 =	sld [smem:$0x3F8D]  }
0x1a: {  	s8 =	sadd.s32 $0xFFFFE003, lr  }
0x1b: {  	s9 =	sadd.s32 $0xFFFFFEF7, lr;
	s5 =	simm.s32 $0xFFFFFFFF;
	p2 =	slt.u32 s8, $0xFFFFF086  }
0x1c: {  	p1 =	slt.u32 s9, $0xF7A;
	s5 =	simm.s32 @!p2 $0x0  }
0x1d: {  	s5 =	simm.s32 @p1 $0x1;
	p0 =	seq.s32 s7, s2  }
0x1e: {  	s7 =	smul.u32 @!p0 $0xF7A, s2;
	p2 =	seq.s32 @!p0 s5, $0x0  }
0x1f: {  	s9 =	smul.u32 $0xF7A, s1;
	s8 =	simm.s32 @!p0 $0x1BF5;
	p2 =	por !p2, p0  }
0x20: {  	[sflag:s8] =	ssyncset.s32 @!p0 $0xFFFFF086;
	s6 =	sadd.s32 @!p0 s3, s7;
	s7 =	simm.s32 @!p0 $0x108  }
0x21: {  	s3 =	sadd.s32 s3, s9;
	s6 =	sadd.s32 @!p0 $0x88, s6;
	s7 =	simm.s32 @p2 $0x1082  }
0x22: {  	[simem:s7], [sflag:s8] =	dma.local @!p0 [hbm:s6], $0xF7A  }
0x23: {  	s9 =	sor.u32 $0xD0000000, s2;
	s6 =	simm.s32 $0x108;
	_ =	swait.ge @!p0 [sflag:s8], $0x0  }
0x24: {  	s3 =	sadd.s32 $0x88, s3;
	s6 =	simm.s32 @!p1 $0x1082;
	[sflag:s4] =	ssyncset.s32 $0xFFFFF086  }
0x25: {  	[simem:s6], [sflag:s4] =	dma.local [hbm:s3], $0xF7A  }
0x26: {  	[smem:$0x3F8D] =	sst s1;
	(tag) =	ssettag s2;
	_ =	strace s9  }
0x27: {  	s1 =	sld [smem:$0x3F9D]  }
0x28: {  	s2 =	sld [smem:$0x3F9E]  }
0x29: {  	s4 =	sld [smem:$0x3FA0]  }
0x2a: {  	p0 =	seq.s32 s5, $0x0;
	s5 =	sld [smem:$0x3FA1]  }
0x2b: {  	s6 =	sld [smem:$0x3FA2]  }
0x2c: {  	s7 =	sld [smem:$0x3FA3]  }
0x2d: {  	s3 =	simm.s32 $0x108;
	s8 =	sld [smem:$0x3FA4]  }
0x2e: {  	s3 =	simm.s32 @!p0 $0x1082;
	s9 =	sld [smem:$0x3FA5]  }
0x2f: {  	lr =	sadd.s32 s0, s3;
	s0 =	sld [smem:$0x3F9C]  }
0x30: {  	s3 =	sld [smem:$0x3F9F]  }
0x31: {  	[smem:$0x3FA8] =	sst s10  }
0x32: {  	s10 =	sld [smem:$0x3FA6];
	_ =	sdelay $0x3  }
0x33: {  	p0 =	seq.s32 s10, $0x1;
	s10 =	sld [smem:$0x3FA8];
	_ =	sdelay $0x3  }
0x34: {  	[smem:$0x3FA8] =	sst s10  }
0x35: {  	s10 =	sld [smem:$0x3FA7];
	_ =	sdelay $0x3  }
0x36: {  	p1 =	seq.s32 s10, $0x1;
	s10 =	sld [smem:$0x3FA8];
	_ =	sdelay $0x3  }
0x37: {  	[smem:$0x3FA8] =	sst s10  }
0x38: {  	s10 =	sld [smem:$0x3FA9]  }
0x39: {  	_ = 	snop;
	(pc) =	sbr.ind lr, $3  }
0x3a: {  	_ = 	snop  }
0x3b: {  	_ = 	snop  }
0x3c: {  	p2 =	seq.s32 s10, $0x1;
	s10 =	sld [smem:$0x3FA8]  }
0x3d: {  	_ =	shalt  }
0x3e: {  	_ =	shalt  }
0x3f: {  	_ =	shalt  }
0x40: {  	_ =	shalt  }
0x41: {  	_ =	shalt  }
0x42: {  	_ =	shalt  }
0x43: {  	_ =	shalt  }
0x44: {  	_ =	shalt  }
0x45: {  	_ =	shalt  }
0x46: {  	_ =	shalt  }
0x47: {  	_ =	shalt  }
0x48: {  	_ =	shalt  }
0x49: {  	_ =	shalt  }
0x4a: {  	_ =	shalt  }
0x4b: {  	_ =	shalt  }
0x4c: {  	_ =	shalt  }
0x4d: {  	_ =	shalt  }
0x4e: {  	_ =	shalt  }
0x4f: {  	_ =	shalt  }
0x50: {  	_ =	shalt  }
0x51: {  	_ =	shalt  }
0x52: {  	_ =	shalt  }
0x53: {  	_ =	shalt  }
0x54: {  	_ =	shalt  }
0x55: {  	_ =	shalt  }
0x56: {  	_ =	shalt  }
0x57: {  	_ =	shalt  }
0x58: {  	_ =	shalt  }
0x59: {  	_ =	shalt  }
0x5a: {  	_ =	shalt  }
0x5b: {  	_ =	shalt  }
0x5c: {  	_ =	shalt  }
0x5d: {  	_ =	shalt  }
0x5e: {  	_ =	shalt  }
0x5f: {  	_ =	shalt  }
0x60: {  	_ =	shalt  }
0x61: {  	_ =	shalt  }
0x62: {  	_ =	shalt  }
0x63: {  	_ =	shalt  }
0x64: {  	_ =	shalt  }
0x65: {  	_ =	shalt  }
0x66: {  	_ =	shalt  }
0x67: {  	_ =	shalt  }
0x68: {  	_ =	shalt  }
0x69: {  	_ =	shalt  }
0x6a: {  	_ =	shalt  }
0x6b: {  	_ =	shalt  }
0x6c: {  	_ =	shalt  }
0x6d: {  	_ =	shalt  }
0x6e: {  	_ =	shalt  }
0x6f: {  	_ =	shalt  }
0x70: {  	_ =	shalt  }
0x71: {  	_ =	shalt  }
0x72: {  	_ =	shalt  }
0x73: {  	_ =	shalt  }
0x74: {  	_ =	shalt  }
0x75: {  	_ =	shalt  }
0x76: {  	_ =	shalt  }
0x77: {  	_ =	shalt  }
0x78: {  	_ =	shalt  }
0x79: {  	_ =	shalt  }
0x7a: {  	_ =	shalt  }
0x7b: {  	_ =	shalt  }
0x7c: {  	_ =	shalt  }
0x7d: {  	_ =	shalt  }
0x7e: {  	_ =	shalt  }
0x7f: {  	_ =	shalt  }
0x80: {  	_ =	shalt  }
0x81: {  	_ =	shalt  }
0x82: {  	_ =	shalt  }
0x83: {  	_ =	shalt  }
0x84: {  	_ =	shalt  }
0x85: {  	_ =	shalt  }
0x86: {  	_ =	shalt  }
0x87: {  	_ =	shalt  }
.Lfunc_end0:
.L_simem_size_0:
called_computation.2_lowered:
.L_overlay_start_0:
0x88: {  	s2 =	sld [smem:$0x3FD9]  }
0x89: {  	s3 =	sld [smem:$0x3FFE];
	_ =	sdelay $0x1  }
0x8a: {  	s1 =	srdreg.scid  }
0x8b: {  	s0 =	sand.u32 $0x1, s1  }
0x8c: {  	s16 =	sshll.u32 s0, $0xA;
	s2 =	sadd.s32 s3, s2  }
0x8d: {  	s2 =	sadd.s32 s2, s16  }
0x8e: {  	[smem:$0x3FB4] =	sst s2  }
0x8f: {  	_ = 	snop  }
0x90: {  	(tm) =	ssettm $0x1  }
0x91: {  	s17 =	sld [smem:$0x3FFB];
	_ =	sdelay $0x3  }
0x92: {  	_ =	strace s17  }
0x93: {  	s2 =	sld [smem:$0x3FFC];
	_ =	sdelay $0x3  }
0x94: {  	_ =	strace s2  }
0x95: {  	s2 =	sld [smem:$0x3FFD];
	_ =	sdelay $0x3  }
0x96: {  	_ =	strace s2  }
0x97: {  	_ =	strace $0x8FFFFFFF  }
0x98: {  	s18 =	sld [smem:$0x3FDB];
	_ =	sdelay $0x1  }
0x99: {  	s19 =	simm.s32 $_scs_section_size  }
0x9a: {  	s4 =	simm.s32 $_size__tile_overlayer_lowered;
	s5 =	simm.s32 $_tile_overlayer_lowered  }
0x9b: {  	s22 =	simm.s32 $0x1BFF;
	s21 =	sshll.u32 s5, $0x1;
	s2 =	sadd.s32 s19, s18  }
0x9c: {  	s6 =	simm.s32 $0x0;
	s20 =	sshll.u32 s4, $0x1;
	s4 =	sadd.s32 s21, s2  }
0x9d: {  	[timem:s6], [sflag:s22] =	dma.local [hbm:s4], s20  }
0x9e: {  	_ =	swait.ge [sflag:s22], s20  }
0x9f: {  	s3 =	ssub.s32 $0x0, s20;
	[sflag:s22] =	ssyncset.done $0x0  }
0xa0: {  	[sflag:s22] =	ssyncadd.s32 s3;
	_ =	sdelay $0x1  }
0xa1: {  	s23 =	simm.s32 $0x1B8B  }
0xa2: {  	_ =	swait.ge [sflag:s23], $0x1  }
0xa3: {  	[sflag:s23] =	ssyncset.done $0x0  }
0xa4: {  	s25 =	simm.s32 $0x1B8E;
	s24 =	sld [smem:$0x3FFE];
	[sflag:s23] =	ssyncadd.s32 $0xFFFFFFFF  }
0xa5: {  	s26 =	simm.s32 $execute0_lowered;
	[smem:$0x3FD2] =	sst s25  }
0xa6: {  	s4 =	sshll.u32 s26, $0x1;
	_ =	strace $0x8000004C;
	[dreg:$0x1] =	wrdreg $0xFFFFFFFF  }
0xa7: {  	s28 =	simm.s32 $_size_execute0_lowered;
	s2 =	sadd.s32 s2, s4;
	[dreg:$0x0] =	wrdreg $0x0  }
0xa8: {  	s4 =	sshll.u32 s28, $0x1;
	[dreg:$0x2] =	wrdreg s2  }
0xa9: {  	[dreg:$0x3] =	wrdreg s4  }
0xaa: {  	[dreg:$0x4] =	wrdreg $0xC0  }
0xab: {  	_ =	task [dreg:s6], $0x5FFFF  }
0xac: {  	[dreg:$0x1] =	wrdreg $0xFFFFFFFF  }
0xad: {  	[dreg:$0x0] =	wrdreg $0x60  }
0xae: {  	[dreg:$0x2] =	wrdreg s24  }
0xaf: {  	[dreg:$0x3] =	wrdreg $0x90000  }
0xb0: {  	[dreg:$0x4] =	wrdreg $0x9  }
0xb1: {  	_ =	task.clear_ibuf [dreg:s6], $0x5FFFF;
	_ =	strace $0x9000004C  }
0xb2: {  	s29 =	simm.s32 $0x9;
	_ =	strace $0x8000004E  }
0xb3: {  	_ =	swait.ge [sflag:s29], $0x1  }
0xb4: {  	[sflag:s29] =	ssyncadd.s32 $0xFFFFFFFF  }
0xb5: {  	_ =	strace $0x9000004E  }
0xb6: {  	_ =	sfence  }
0xb7: {  	s30 =	sld [smem:$0x0];
	_ =	sdelay $0x2  }
0xb8: {  	s31 =	sshll.u32 s1, $0xD;
	s1 =	sshrl.u32 s1, $0x2  }
0xb9: {  	s3 =	sand.u32 $0x4000, s31;
	s1 =	sadd.s32 s1, s30  }
0xba: {  	s0 =	sor.u32 s3, s0;
	s1 =	sshll.u32 s1, $0x11  }
0xbb: {  	s0 =	sor.u32 s1, s0  }
0xbc: {  	s0 =	sadd.s32 $0x8F2B, s0  }
0xbd: {  	[sflag:s0] =	ssyncadd.remote.s32 $0x1  }
0xbe: {  	_ =	sfence.sel $0xFFFF  }
0xbf: {  	[dreg:$0x0] =	wrdreg $0xFFFFFFFF;
	(pc) =	sbr.abs _section_cstart, $3  }
0xc0: {  	[dreg:$0x1] =	wrdreg $0xFFFFFFFF  }
0xc1: {  	_ =	task.clear_ibuf [dreg:s6], $0x2FFFF;
	_ =	strace $0x9FFFFFFF  }
0xc2: {  	(tm) =	ssettm $0x7FFFFFFF  }
0xc3: {  	_ =	shalt  }
tec
execute0_lowered:
.L_overlay_start_1:
0x0: {  	(tag) =	ssettag $0x1  }
0x1: {  	s5 =	rddreg [dreg:$0x0]  }
0x2: {  	s0 =	srdreg.scid;
	s2 =	rddreg [dreg:$0x1]  }
0x3: {  	s1 =	rddreg [dreg:$0x2];
	s3 =	simm.s32 $0x0;
	s6 =	sand.u32 $0x1, s0  }
0x4: {  	s14 =	simm.s32 $0x80;
	s0 =	stileid.u32;
	s4 =	smul.u32 $0x28000, s6  }
0x5: {  	s15 =	simm.s32 $0x5000;
	s16 =	simm.s32 $0x1;
	s7 =	smul.u32 $0x2800, s0  }
0x6: {  	s17 =	simm.s32 $0x0;
	[smem:$0x7FF] =	sst s3;
	s28 =	smul.u32 $0x13C00, s0  }
0x7: {  	_ =	strace $0x8000004D;
	s9 =	smul.u32 $0x13C000, s6;
	s6 =	ssub.s32 $0x2, s6  }
0x8: {  	s29 =	smul.u32 $0x4F000, s0;
	s31 =	sshll.u32 s0, $0x6;
	s11 =	sshrl.u32 s6, $0x1  }
0x9: {  	s4 =	sadd.s32 s7, s4;
	s10 =	sshrl.u32 s28, $0x3;
	s7 =	sadd.s32 s28, s9  }
0xa: {  	s11 =	ssub.s32 s6, s11;
	s30 =	sshrl.u32 s29, $0x2;
	s6 =	sor.u32 $0x1C02, s31  }
0xb: {  	s8 =	sshrl.u32 s4, $0x3;
	s4 =	sadd.s32 $0x37800, s5;
	s10 =	sadd.s32 s10, s5  }
0xc: {  	s7 =	sshrl.u32 s7, $0x3;
	s13 =	sadd.s32 s30, s2;
	s8 =	sadd.s32 s8, s5  }
0xd: {  	s12 =	sadd.s32 s7, s5;
	s5 =	sadd.s32 $0x10000, s10;
	s10 =	smax.u32 s11, $0x1  }
0xe: {  	s11 =	sshrl.u32 s13, $0x3;
	s13 =	simm.s32 $0x2800;
	s7 =	sadd.s32 $0x86800, s8  }
0xf: {  	s8 =	sadd.s32 $0x5800, s8;
	s9 =	sadd.s32 $0xDF800, s12;
	s12 =	simm.s32 $0x2  }
.LBB2_1:
0x10: {  	[spmem:s11], [sflag:s6] =	dma.local [hbm:s5], $0x2780  }
0x11: {  	_ =	swait.ge [sflag:s12], $0x2780  }
0x12: {  	[sflag:s12] =	ssyncset.done $0x0  }
0x13: {  	[sflag:s12] =	ssyncadd.s32 $0xFFFFD880  }
0x14: {  	[tilespmem:s3], [sflag:$0x2] =	stream.linear.gather [hbm4b:s7+s3], $0x2780, $0x38;
	[tilespmem:$0x1CC00] =	vst v63  }
0x15: {  	_ =	swait.ge [sflag:s12], $0x2780  }
0x16: {  	[sflag:s12] =	ssyncset.done $0x0  }
0x17: {  	[sflag:s12] =	ssyncadd.s32 $0xFFFFD880  }
0x18: {  	[tilespmem:s13], [sflag:$0x2] =	stream.linear.gather [hbm4b:s8+s3], $0x2780, $0x38;
	[tilespmem:$0x1CC00] =	vst v63  }
0x19: {  	_ =	swait.ge [sflag:s12], $0x2780  }
0x1a: {  	[sflag:s12] =	ssyncset.done $0x0  }
0x1b: {  	[sflag:s12] =	ssyncadd.s32 $0xFFFFD880  }
0x1c: {  	s18 =	simm.s32 $0x0;
	[bflag:$0x0] =	sbarrier.arrive $0xFFFF  }
0x1d: {  	[tilespmem:s15], [sflag:$0x1] =	stream.indirect.gather [hbm4b:s4+s14], $0x80, s18, s14, $0xb8;
	[tilespmem:$0x1CC00] =	vst v63  }
0x1e: {  	_ =	swait.ge [sflag:s16], $0x4000  }
0x1f: {  	[sflag:s16] =	ssyncset.done $0x0  }
0x20: {  	s31 =	simm.s32 $0x2800;
	[sflag:s16] =	ssyncadd.s32 $0xFFFFC000  }
0x21: {  	[spmem:s2] =	stream.indirect.scatter.add.f32 [tilespmem:s15], [sflag:$0x2], $0x80, s31, s14, $0xb8;
	[tilespmem:$0x1CC00] =	vst v63  }
0x22: {  	_ =	swait.ge [sflag:s12], $0x4000  }
0x23: {  	s19 =	simm.s32 $0x400;
	s18 =	simm.s32 $0x200;
	[sflag:s12] =	ssyncset.done $0x0  }
.LBB2_2:
0x24: {  	s20 =	sshra.s32 s18, $0x2  }
0x25: {  	[sflag:s12] =	ssyncadd.s32 $0xFFFFC000;
	s18 =	smov.u32 s19;
	s21 =	sadd.s32 $0x200, s19  }
0x26: {  	[tilespmem:s15], [sflag:$0x1] =	stream.indirect.gather [hbm4b:s4+s14], $0x80, s20, s14, $0xb8;
	[tilespmem:$0x1CC00] =	vst v63  }
0x27: {  	p0 =	sne.s32 s19, $0x9C00;
	_ =	swait.ge [sflag:s16], $0x4000  }
.Ltmp0:
0x28: {  	[sflag:s16] =	ssyncset.done $0x0;
	(pc) =	sbr.rel @p0 .LBB2_2-.Ltmp0, $4  }
0x29: {  	s19 =	sadd.s32 $0x2800, s20;
	[sflag:s16] =	ssyncadd.s32 $0xFFFFC000  }
0x2a: {  	[spmem:s2] =	stream.indirect.scatter.add.f32 [tilespmem:s15], [sflag:$0x2], $0x80, s19, s14, $0xb8;
	[tilespmem:$0x1CC00] =	vst v63  }
0x2b: {  	_ =	swait.ge [sflag:s12], $0x4000  }
0x2c: {  	s19 =	smov.u32 s21;
	[sflag:s12] =	ssyncset.done $0x0  }
0x2d: {  	s18 =	sshra.s32 s18, $0x2;
	[sflag:s12] =	ssyncadd.s32 $0xFFFFC000  }
0x2e: {  	[tilespmem:s15], [sflag:$0x1] =	stream.indirect.gather [hbm4b:s4+s14], $0x80, s18, s14, $0xb8;
	[tilespmem:$0x1CC00] =	vst v63  }
0x2f: {  	_ =	swait.ge [sflag:s16], $0x4000  }
0x30: {  	[sflag:s16] =	ssyncset.done $0x0  }
0x31: {  	s18 =	sadd.s32 $0x2800, s18;
	[sflag:s16] =	ssyncadd.s32 $0xFFFFC000  }
0x32: {  	[spmem:s2] =	stream.indirect.scatter.add.f32 [tilespmem:s15], [sflag:$0x2], $0x80, s18, s14, $0xb8;
	[tilespmem:$0x1CC00] =	vst v63  }
0x33: {  	_ =	swait.ge [sflag:s12], $0x4000  }
0x34: {  	s17 =	sadd.s32 $0x1, s17;
	[sflag:s12] =	ssyncset.done $0x0  }
0x35: {  	p0 =	sne.s32 s17, s10;
	[sflag:s12] =	ssyncadd.s32 $0xFFFFC000  }
.Ltmp1:
0x36: {  	[bflag:$0x0] =	sbarrier.arrive $0xFFFF;
	(pc) =	sbr.rel @p0 .LBB2_1-.Ltmp1, $4  }
0x37: {  	[hbm:s9], [sflag:s6] =	dma.local [spmem:s11], $0x2780  }
0x38: {  	_ =	swait.ge [sflag:s12], $0x2780  }
0x39: {  	[sflag:s12] =	ssyncset.done $0x0  }
0x3a: {  	[sflag:s12] =	ssyncadd.s32 $0xFFFFD880  }
0x3b: {  	_ =	sfence.sel $0x180000  }
0x3c: {  	[bflag:$0x0] =	sbarrier.arrive $0xFFFF  }
0x3d: {  	p0 =	sne.s32 s0, $0x0;
	_ =	strace $0x9000004D  }
0x3e: {  	s0 =	sadd.s32 @!p0 $0x100000, s1;
	[bflag:$0x2] =	sbarrier.arrive $0xFFFF  }
0x3f: {  	[sflag:s0] =	ssyncadd.tile.s32 @!p0 $0x1;
	_ =	shalt  }
.Lfunc_end2:
_tile_overlayer_lowered:
.L_overlay_start_2:
0x40: {  	(tag) =	ssettag $0x2  }
0x41: {  	s0 =	rddreg [dreg:$0x0];
	s2 =	stileid.u32  }
0x42: {  	s1 =	rddreg [dreg:$0x1];
	p0 =	sne.s32 s2, $0x0  }
0x43: {  	s3 =	rddreg [dreg:$0x2];
	[bflag:$0x3] =	sbarrier.arrive $0xFFFF;
	s2 =	simm.s32 @!p0 $0x1C02  }
0x44: {  	[timem:s3], [sflag:s2] =	dma.local @!p0 [hbm:s0], s1  }
0x45: {  	s0 =	simm.s32 @!p0 $0x2  }
0x46: {  	_ =	swait.ge @!p0 [sflag:s0], s1  }
0x47: {  	s1 =	ssub.s32 @!p0 $0x0, s1;
	[sflag:s0] =	ssyncset.done @!p0 $0x0  }
0x48: {  	[sflag:s0] =	ssyncadd.s32 @!p0 s1  }
0x49: {  	[bflag:$0x3] =	sbarrier.arrive $0xFFFF  }
0x4a: {  	_ =	shalt  }

// kernel: kernel.30.cloned.1.call-start
scs
__scs_entry_jumppad:
0x0: {  	(pc) =	sbr.rel $0x88, $3  }
0x1: {  	(tag) =	ssettag $0x0;
	lr =	simm.s32 $0x1  }
0x2: {  	[smem:$0x3F8D] =	sst lr;
	_ =	strace $0xD0000000  }
0x3: {  	_ = 	snop  }
0x4: {  	_ = 	snop  }
0x5: {  	_ = 	snop  }
0x6: {  	_ = 	snop  }
0x7: {  	_ = 	snop  }
__scs_overlays_trampoline_lowered:
0x8: {  	[smem:$0x3F9C] =	sst s0  }
0x9: {  	[smem:$0x3F9D] =	sst s1  }
0xa: {  	[smem:$0x3F9E] =	sst s2  }
0xb: {  	[smem:$0x3F9F] =	sst s3  }
0xc: {  	[smem:$0x3FA0] =	sst s4  }
0xd: {  	[smem:$0x3FA1] =	sst s5  }
0xe: {  	[smem:$0x3FA2] =	sst s6  }
0xf: {  	[smem:$0x3FA3] =	sst s7  }
0x10: {  	[smem:$0x3FA4] =	sst s8  }
0x11: {  	[smem:$0x3FA5] =	sst s9;
	s0 =	simm.s32 @!p0 $0x0  }
0x12: {  	s1 =	sld [smem:$0x3F8B];
	s0 =	simm.s32 @p0 $0x1  }
0x13: {  	[smem:$0x3FA6] =	sst s0;
	s0 =	simm.s32 @!p1 $0x0  }
0x14: {  	s2 =	sld [smem:$0x3F8A];
	s0 =	simm.s32 @p1 $0x1  }
0x15: {  	[smem:$0x3FA7] =	sst s0;
	s0 =	simm.s32 @!p2 $0x0  }
0x16: {  	s3 =	sld [smem:$0x3FDB];
	s0 =	simm.s32 @p2 $0x1  }
0x17: {  	s4 =	simm.s32 $0x1BF5;
	[smem:$0x3FA9] =	sst s0  }
0x18: {  	s0 =	sld [smem:$0x3F8C];
	_ =	swait.ge [sflag:s4], $0x0  }
0x19: {  	s7 =	sld [smem:$0x3F8D]  }
0x1a: {  	s8 =	sadd.s32 $0xFFFFE003, lr  }
0x1b: {  	s9 =	sadd.s32 $0xFFFFFEF7, lr;
	s5 =	simm.s32 $0xFFFFFFFF;
	p2 =	slt.u32 s8, $0xFFFFF086  }
0x1c: {  	p1 =	slt.u32 s9, $0xF7A;
	s5 =	simm.s32 @!p2 $0x0  }
0x1d: {  	s5 =	simm.s32 @p1 $0x1;
	p0 =	seq.s32 s7, s2  }
0x1e: {  	s7 =	smul.u32 @!p0 $0xF7A, s2;
	p2 =	seq.s32 @!p0 s5, $0x0  }
0x1f: {  	s9 =	smul.u32 $0xF7A, s1;
	s8 =	simm.s32 @!p0 $0x1BF5;
	p2 =	por !p2, p0  }
0x20: {  	[sflag:s8] =	ssyncset.s32 @!p0 $0xFFFFF086;
	s6 =	sadd.s32 @!p0 s3, s7;
	s7 =	simm.s32 @!p0 $0x108  }
0x21: {  	s3 =	sadd.s32 s3, s9;
	s6 =	sadd.s32 @!p0 $0x88, s6;
	s7 =	simm.s32 @p2 $0x1082  }
0x22: {  	[simem:s7], [sflag:s8] =	dma.local @!p0 [hbm:s6], $0xF7A  }
0x23: {  	s9 =	sor.u32 $0xD0000000, s2;
	s6 =	simm.s32 $0x108;
	_ =	swait.ge @!p0 [sflag:s8], $0x0  }
0x24: {  	s3 =	sadd.s32 $0x88, s3;
	s6 =	simm.s32 @!p1 $0x1082;
	[sflag:s4] =	ssyncset.s32 $0xFFFFF086  }
0x25: {  	[simem:s6], [sflag:s4] =	dma.local [hbm:s3], $0xF7A  }
0x26: {  	[smem:$0x3F8D] =	sst s1;
	(tag) =	ssettag s2;
	_ =	strace s9  }
0x27: {  	s1 =	sld [smem:$0x3F9D]  }
0x28: {  	s2 =	sld [smem:$0x3F9E]  }
0x29: {  	s4 =	sld [smem:$0x3FA0]  }
0x2a: {  	p0 =	seq.s32 s5, $0x0;
	s5 =	sld [smem:$0x3FA1]  }
0x2b: {  	s6 =	sld [smem:$0x3FA2]  }
0x2c: {  	s7 =	sld [smem:$0x3FA3]  }
0x2d: {  	s3 =	simm.s32 $0x108;
	s8 =	sld [smem:$0x3FA4]  }
0x2e: {  	s3 =	simm.s32 @!p0 $0x1082;
	s9 =	sld [smem:$0x3FA5]  }
0x2f: {  	lr =	sadd.s32 s0, s3;
	s0 =	sld [smem:$0x3F9C]  }
0x30: {  	s3 =	sld [smem:$0x3F9F]  }
0x31: {  	[smem:$0x3FA8] =	sst s10  }
0x32: {  	s10 =	sld [smem:$0x3FA6];
	_ =	sdelay $0x3  }
0x33: {  	p0 =	seq.s32 s10, $0x1;
	s10 =	sld [smem:$0x3FA8];
	_ =	sdelay $0x3  }
0x34: {  	[smem:$0x3FA8] =	sst s10  }
0x35: {  	s10 =	sld [smem:$0x3FA7];
	_ =	sdelay $0x3  }
0x36: {  	p1 =	seq.s32 s10, $0x1;
	s10 =	sld [smem:$0x3FA8];
	_ =	sdelay $0x3  }
0x37: {  	[smem:$0x3FA8] =	sst s10  }
0x38: {  	s10 =	sld [smem:$0x3FA9]  }
0x39: {  	_ = 	snop;
	(pc) =	sbr.ind lr, $3  }
0x3a: {  	_ = 	snop  }
0x3b: {  	_ = 	snop  }
0x3c: {  	p2 =	seq.s32 s10, $0x1;
	s10 =	sld [smem:$0x3FA8]  }
0x3d: {  	_ =	shalt  }
0x3e: {  	_ =	shalt  }
0x3f: {  	_ =	shalt  }
0x40: {  	_ =	shalt  }
0x41: {  	_ =	shalt  }
0x42: {  	_ =	shalt  }
0x43: {  	_ =	shalt  }
0x44: {  	_ =	shalt  }
0x45: {  	_ =	shalt  }
0x46: {  	_ =	shalt  }
0x47: {  	_ =	shalt  }
0x48: {  	_ =	shalt  }
0x49: {  	_ =	shalt  }
0x4a: {  	_ =	shalt  }
0x4b: {  	_ =	shalt  }
0x4c: {  	_ =	shalt  }
0x4d: {  	_ =	shalt  }
0x4e: {  	_ =	shalt  }
0x4f: {  	_ =	shalt  }
0x50: {  	_ =	shalt  }
0x51: {  	_ =	shalt  }
0x52: {  	_ =	shalt  }
0x53: {  	_ =	shalt  }
0x54: {  	_ =	shalt  }
0x55: {  	_ =	shalt  }
0x56: {  	_ =	shalt  }
0x57: {  	_ =	shalt  }
0x58: {  	_ =	shalt  }
0x59: {  	_ =	shalt  }
0x5a: {  	_ =	shalt  }
0x5b: {  	_ =	shalt  }
0x5c: {  	_ =	shalt  }
0x5d: {  	_ =	shalt  }
0x5e: {  	_ =	shalt  }
0x5f: {  	_ =	shalt  }
0x60: {  	_ =	shalt  }
0x61: {  	_ =	shalt  }
0x62: {  	_ =	shalt  }
0x63: {  	_ =	shalt  }
0x64: {  	_ =	shalt  }
0x65: {  	_ =	shalt  }
0x66: {  	_ =	shalt  }
0x67: {  	_ =	shalt  }
0x68: {  	_ =	shalt  }
0x69: {  	_ =	shalt  }
0x6a: {  	_ =	shalt  }
0x6b: {  	_ =	shalt  }
0x6c: {  	_ =	shalt  }
0x6d: {  	_ =	shalt  }
0x6e: {  	_ =	shalt  }
0x6f: {  	_ =	shalt  }
0x70: {  	_ =	shalt  }
0x71: {  	_ =	shalt  }
0x72: {  	_ =	shalt  }
0x73: {  	_ =	shalt  }
0x74: {  	_ =	shalt  }
0x75: {  	_ =	shalt  }
0x76: {  	_ =	shalt  }
0x77: {  	_ =	shalt  }
0x78: {  	_ =	shalt  }
0x79: {  	_ =	shalt  }
0x7a: {  	_ =	shalt  }
0x7b: {  	_ =	shalt  }
0x7c: {  	_ =	shalt  }
0x7d: {  	_ =	shalt  }
0x7e: {  	_ =	shalt  }
0x7f: {  	_ =	shalt  }
0x80: {  	_ =	shalt  }
0x81: {  	_ =	shalt  }
0x82: {  	_ =	shalt  }
0x83: {  	_ =	shalt  }
0x84: {  	_ =	shalt  }
0x85: {  	_ =	shalt  }
0x86: {  	_ =	shalt  }
0x87: {  	_ =	shalt  }
.Lfunc_end0:
.L_simem_size_0:
called_computation.3_lowered:
.L_overlay_start_0:
0x88: {  	s2 =	sld [smem:$0x3FD9]  }
0x89: {  	s3 =	sld [smem:$0x3FFE];
	_ =	sdelay $0x1  }
0x8a: {  	s1 =	srdreg.scid  }
0x8b: {  	s0 =	sand.u32 $0x1, s1  }
0x8c: {  	s16 =	sshll.u32 s0, $0xA;
	s2 =	sadd.s32 s3, s2  }
0x8d: {  	s2 =	sadd.s32 s2, s16  }
0x8e: {  	[smem:$0x3FB4] =	sst s2  }
0x8f: {  	_ = 	snop  }
0x90: {  	(tm) =	ssettm $0x1  }
0x91: {  	s17 =	sld [smem:$0x3FFB];
	_ =	sdelay $0x3  }
0x92: {  	_ =	strace s17  }
0x93: {  	s2 =	sld [smem:$0x3FFC];
	_ =	sdelay $0x3  }
0x94: {  	_ =	strace s2  }
0x95: {  	s2 =	sld [smem:$0x3FFD];
	_ =	sdelay $0x3  }
0x96: {  	_ =	strace s2  }
0x97: {  	_ =	strace $0x8FFFFFFF  }
0x98: {  	s18 =	sld [smem:$0x3FDB];
	_ =	sdelay $0x1  }
0x99: {  	s19 =	simm.s32 $_scs_section_size  }
0x9a: {  	s4 =	simm.s32 $_size__tile_overlayer_lowered;
	s5 =	simm.s32 $_tile_overlayer_lowered  }
0x9b: {  	s22 =	simm.s32 $0x1BFF;
	s21 =	sshll.u32 s5, $0x1;
	s2 =	sadd.s32 s19, s18  }
0x9c: {  	s6 =	simm.s32 $0x0;
	s20 =	sshll.u32 s4, $0x1;
	s4 =	sadd.s32 s21, s2  }
0x9d: {  	[timem:s6], [sflag:s22] =	dma.local [hbm:s4], s20  }
0x9e: {  	_ =	swait.ge [sflag:s22], s20  }
0x9f: {  	s3 =	ssub.s32 $0x0, s20;
	[sflag:s22] =	ssyncset.done $0x0  }
0xa0: {  	[sflag:s22] =	ssyncadd.s32 s3;
	_ =	sdelay $0x1  }
0xa1: {  	s23 =	simm.s32 $0x1B8B  }
0xa2: {  	_ =	swait.ge [sflag:s23], $0x1  }
0xa3: {  	[sflag:s23] =	ssyncset.done $0x0  }
0xa4: {  	s25 =	simm.s32 $0x1B8E;
	s24 =	sld [smem:$0x3FFE];
	[sflag:s23] =	ssyncadd.s32 $0xFFFFFFFF  }
0xa5: {  	s26 =	simm.s32 $execute0_lowered;
	[smem:$0x3FD2] =	sst s25  }
0xa6: {  	s4 =	sshll.u32 s26, $0x1;
	_ =	strace $0x8000004F;
	[dreg:$0x1] =	wrdreg $0xFFFFFFFF  }
0xa7: {  	s28 =	simm.s32 $_size_execute0_lowered;
	s2 =	sadd.s32 s2, s4;
	[dreg:$0x0] =	wrdreg $0x0  }
0xa8: {  	s4 =	sshll.u32 s28, $0x1;
	[dreg:$0x2] =	wrdreg s2  }
0xa9: {  	[dreg:$0x3] =	wrdreg s4  }
0xaa: {  	[dreg:$0x4] =	wrdreg $0xC0  }
0xab: {  	_ =	task [dreg:s6], $0x5FFFF  }
0xac: {  	[dreg:$0x1] =	wrdreg $0xFFFFFFFF  }
0xad: {  	[dreg:$0x0] =	wrdreg $0x60  }
0xae: {  	[dreg:$0x2] =	wrdreg s24  }
0xaf: {  	[dreg:$0x3] =	wrdreg $0x90000  }
0xb0: {  	[dreg:$0x4] =	wrdreg $0x9  }
0xb1: {  	_ =	task.clear_ibuf [dreg:s6], $0x5FFFF;
	_ =	strace $0x9000004F  }
0xb2: {  	s29 =	simm.s32 $0x9;
	_ =	strace $0x80000051  }
0xb3: {  	_ =	swait.ge [sflag:s29], $0x1  }
0xb4: {  	[sflag:s29] =	ssyncadd.s32 $0xFFFFFFFF  }
0xb5: {  	_ =	strace $0x90000051  }
0xb6: {  	_ =	sfence  }
0xb7: {  	s30 =	sld [smem:$0x0];
	_ =	sdelay $0x2  }
0xb8: {  	s31 =	sshll.u32 s1, $0xD;
	s1 =	sshrl.u32 s1, $0x2  }
0xb9: {  	s3 =	sand.u32 $0x4000, s31;
	s1 =	sadd.s32 s1, s30  }
0xba: {  	s0 =	sor.u32 s3, s0;
	s1 =	sshll.u32 s1, $0x11  }
0xbb: {  	s0 =	sor.u32 s1, s0  }
0xbc: {  	s0 =	sadd.s32 $0x8F2B, s0  }
0xbd: {  	[sflag:s0] =	ssyncadd.remote.s32 $0x1  }
0xbe: {  	_ =	sfence.sel $0xFFFF  }
0xbf: {  	[dreg:$0x0] =	wrdreg $0xFFFFFFFF;
	(pc) =	sbr.abs _section_cstart, $3  }
0xc0: {  	[dreg:$0x1] =	wrdreg $0xFFFFFFFF  }
0xc1: {  	_ =	task.clear_ibuf [dreg:s6], $0x2FFFF;
	_ =	strace $0x9FFFFFFF  }
0xc2: {  	(tm) =	ssettm $0x7FFFFFFF  }
0xc3: {  	_ =	shalt  }
tec
execute0_lowered:
.L_overlay_start_1:
0x0: {  	(tag) =	ssettag $0x1  }
0x1: {  	s5 =	rddreg [dreg:$0x0]  }
0x2: {  	s0 =	srdreg.scid;
	s2 =	rddreg [dreg:$0x1]  }
0x3: {  	s1 =	rddreg [dreg:$0x2];
	s3 =	simm.s32 $0x0;
	s6 =	sand.u32 $0x1, s0  }
0x4: {  	s14 =	simm.s32 $0x80;
	s0 =	stileid.u32;
	s4 =	smul.u32 $0x28000, s6  }
0x5: {  	s15 =	simm.s32 $0x5000;
	s16 =	simm.s32 $0x1;
	s7 =	smul.u32 $0x2800, s0  }
0x6: {  	s17 =	simm.s32 $0x0;
	[smem:$0x7FF] =	sst s3;
	s28 =	smul.u32 $0x13C00, s0  }
0x7: {  	_ =	strace $0x80000050;
	s9 =	smul.u32 $0x13C000, s6;
	s6 =	ssub.s32 $0x2, s6  }
0x8: {  	s29 =	smul.u32 $0x4F000, s0;
	s31 =	sshll.u32 s0, $0x6;
	s11 =	sshrl.u32 s6, $0x1  }
0x9: {  	s4 =	sadd.s32 s7, s4;
	s10 =	sshrl.u32 s28, $0x3;
	s7 =	sadd.s32 s28, s9  }
0xa: {  	s11 =	ssub.s32 s6, s11;
	s30 =	sshrl.u32 s29, $0x2;
	s6 =	sor.u32 $0x1C02, s31  }
0xb: {  	s8 =	sshrl.u32 s4, $0x3;
	s4 =	sadd.s32 $0x37800, s5;
	s10 =	sadd.s32 s10, s5  }
0xc: {  	s7 =	sshrl.u32 s7, $0x3;
	s13 =	sadd.s32 s30, s2;
	s8 =	sadd.s32 s8, s5  }
0xd: {  	s12 =	sadd.s32 s7, s5;
	s5 =	sadd.s32 $0x10000, s10;
	s10 =	smax.u32 s11, $0x1  }
0xe: {  	s11 =	sshrl.u32 s13, $0x3;
	s13 =	simm.s32 $0x2800;
	s7 =	sadd.s32 $0x86800, s8  }
0xf: {  	s8 =	sadd.s32 $0x5800, s8;
	s9 =	sadd.s32 $0x12E800, s12;
	s12 =	simm.s32 $0x2  }
.LBB2_1:
0x10: {  	[spmem:s11], [sflag:s6] =	dma.local [hbm:s5], $0x2780  }
0x11: {  	_ =	swait.ge [sflag:s12], $0x2780  }
0x12: {  	[sflag:s12] =	ssyncset.done $0x0  }
0x13: {  	[sflag:s12] =	ssyncadd.s32 $0xFFFFD880  }
0x14: {  	[tilespmem:s3], [sflag:$0x2] =	stream.linear.gather [hbm4b:s7+s3], $0x2780, $0x38;
	[tilespmem:$0x1CC00] =	vst v63  }
0x15: {  	_ =	swait.ge [sflag:s12], $0x2780  }
0x16: {  	[sflag:s12] =	ssyncset.done $0x0  }
0x17: {  	[sflag:s12] =	ssyncadd.s32 $0xFFFFD880  }
0x18: {  	[tilespmem:s13], [sflag:$0x2] =	stream.linear.gather [hbm4b:s8+s3], $0x2780, $0x38;
	[tilespmem:$0x1CC00] =	vst v63  }
0x19: {  	_ =	swait.ge [sflag:s12], $0x2780  }
0x1a: {  	[sflag:s12] =	ssyncset.done $0x0  }
0x1b: {  	[sflag:s12] =	ssyncadd.s32 $0xFFFFD880  }
0x1c: {  	s18 =	simm.s32 $0x0;
	[bflag:$0x0] =	sbarrier.arrive $0xFFFF  }
0x1d: {  	[tilespmem:s15], [sflag:$0x1] =	stream.indirect.gather [hbm4b:s4+s14], $0x80, s18, s14, $0xb8;
	[tilespmem:$0x1CC00] =	vst v63  }
0x1e: {  	_ =	swait.ge [sflag:s16], $0x4000  }
0x1f: {  	[sflag:s16] =	ssyncset.done $0x0  }
0x20: {  	s31 =	simm.s32 $0x2800;
	[sflag:s16] =	ssyncadd.s32 $0xFFFFC000  }
0x21: {  	[spmem:s2] =	stream.indirect.scatter.add.f32 [tilespmem:s15], [sflag:$0x2], $0x80, s31, s14, $0xb8;
	[tilespmem:$0x1CC00] =	vst v63  }
0x22: {  	_ =	swait.ge [sflag:s12], $0x4000  }
0x23: {  	s19 =	simm.s32 $0x400;
	s18 =	simm.s32 $0x200;
	[sflag:s12] =	ssyncset.done $0x0  }
.LBB2_2:
0x24: {  	s20 =	sshra.s32 s18, $0x2  }
0x25: {  	[sflag:s12] =	ssyncadd.s32 $0xFFFFC000;
	s18 =	smov.u32 s19;
	s21 =	sadd.s32 $0x200, s19  }
0x26: {  	[tilespmem:s15], [sflag:$0x1] =	stream.indirect.gather [hbm4b:s4+s14], $0x80, s20, s14, $0xb8;
	[tilespmem:$0x1CC00] =	vst v63  }
0x27: {  	p0 =	sne.s32 s19, $0x9C00;
	_ =	swait.ge [sflag:s16], $0x4000  }
.Ltmp0:
0x28: {  	[sflag:s16] =	ssyncset.done $0x0;
	(pc) =	sbr.rel @p0 .LBB2_2-.Ltmp0, $4  }
0x29: {  	s19 =	sadd.s32 $0x2800, s20;
	[sflag:s16] =	ssyncadd.s32 $0xFFFFC000  }
0x2a: {  	[spmem:s2] =	stream.indirect.scatter.add.f32 [tilespmem:s15], [sflag:$0x2], $0x80, s19, s14, $0xb8;
	[tilespmem:$0x1CC00] =	vst v63  }
0x2b: {  	_ =	swait.ge [sflag:s12], $0x4000  }
0x2c: {  	s19 =	smov.u32 s21;
	[sflag:s12] =	ssyncset.done $0x0  }
0x2d: {  	s18 =	sshra.s32 s18, $0x2;
	[sflag:s12] =	ssyncadd.s32 $0xFFFFC000  }
0x2e: {  	[tilespmem:s15], [sflag:$0x1] =	stream.indirect.gather [hbm4b:s4+s14], $0x80, s18, s14, $0xb8;
	[tilespmem:$0x1CC00] =	vst v63  }
0x2f: {  	_ =	swait.ge [sflag:s16], $0x4000  }
0x30: {  	[sflag:s16] =	ssyncset.done $0x0  }
0x31: {  	s18 =	sadd.s32 $0x2800, s18;
	[sflag:s16] =	ssyncadd.s32 $0xFFFFC000  }
0x32: {  	[spmem:s2] =	stream.indirect.scatter.add.f32 [tilespmem:s15], [sflag:$0x2], $0x80, s18, s14, $0xb8;
	[tilespmem:$0x1CC00] =	vst v63  }
0x33: {  	_ =	swait.ge [sflag:s12], $0x4000  }
0x34: {  	s17 =	sadd.s32 $0x1, s17;
	[sflag:s12] =	ssyncset.done $0x0  }
0x35: {  	p0 =	sne.s32 s17, s10;
	[sflag:s12] =	ssyncadd.s32 $0xFFFFC000  }
.Ltmp1:
0x36: {  	[bflag:$0x0] =	sbarrier.arrive $0xFFFF;
	(pc) =	sbr.rel @p0 .LBB2_1-.Ltmp1, $4  }
0x37: {  	[hbm:s9], [sflag:s6] =	dma.local [spmem:s11], $0x2780  }
0x38: {  	_ =	swait.ge [sflag:s12], $0x2780  }
0x39: {  	[sflag:s12] =	ssyncset.done $0x0  }
0x3a: {  	[sflag:s12] =	ssyncadd.s32 $0xFFFFD880  }
0x3b: {  	_ =	sfence.sel $0x180000  }
0x3c: {  	[bflag:$0x0] =	sbarrier.arrive $0xFFFF  }
0x3d: {  	p0 =	sne.s32 s0, $0x0;
	_ =	strace $0x90000050  }
0x3e: {  	s0 =	sadd.s32 @!p0 $0x100000, s1;
	[bflag:$0x2] =	sbarrier.arrive $0xFFFF  }
0x3f: {  	[sflag:s0] =	ssyncadd.tile.s32 @!p0 $0x1;
	_ =	shalt  }
.Lfunc_end2:
_tile_overlayer_lowered:
.L_overlay_start_2:
0x40: {  	(tag) =	ssettag $0x2  }
0x41: {  	s0 =	rddreg [dreg:$0x0];
	s2 =	stileid.u32  }
0x42: {  	s1 =	rddreg [dreg:$0x1];
	p0 =	sne.s32 s2, $0x0  }
0x43: {  	s3 =	rddreg [dreg:$0x2];
	[bflag:$0x3] =	sbarrier.arrive $0xFFFF;
	s2 =	simm.s32 @!p0 $0x1C02  }
0x44: {  	[timem:s3], [sflag:s2] =	dma.local @!p0 [hbm:s0], s1  }
0x45: {  	s0 =	simm.s32 @!p0 $0x2  }
0x46: {  	_ =	swait.ge @!p0 [sflag:s0], s1  }
0x47: {  	s1 =	ssub.s32 @!p0 $0x0, s1;
	[sflag:s0] =	ssyncset.done @!p0 $0x0  }
0x48: {  	[sflag:s0] =	ssyncadd.s32 @!p0 s1  }
0x49: {  	[bflag:$0x3] =	sbarrier.arrive $0xFFFF  }
0x4a: {  	_ =	shalt  }

// kernel: kernel.33.cloned.1.call-start
scs
__scs_entry_jumppad:
0x0: {  	(pc) =	sbr.rel $0x88, $3  }
0x1: {  	(tag) =	ssettag $0x0;
	lr =	simm.s32 $0x1  }
0x2: {  	[smem:$0x3F8D] =	sst lr;
	_ =	strace $0xD0000000  }
0x3: {  	_ = 	snop  }
0x4: {  	_ = 	snop  }
0x5: {  	_ = 	snop  }
0x6: {  	_ = 	snop  }
0x7: {  	_ = 	snop  }
__scs_overlays_trampoline_lowered:
0x8: {  	[smem:$0x3F9C] =	sst s0  }
0x9: {  	[smem:$0x3F9D] =	sst s1  }
0xa: {  	[smem:$0x3F9E] =	sst s2  }
0xb: {  	[smem:$0x3F9F] =	sst s3  }
0xc: {  	[smem:$0x3FA0] =	sst s4  }
0xd: {  	[smem:$0x3FA1] =	sst s5  }
0xe: {  	[smem:$0x3FA2] =	sst s6  }
0xf: {  	[smem:$0x3FA3] =	sst s7  }
0x10: {  	[smem:$0x3FA4] =	sst s8  }
0x11: {  	[smem:$0x3FA5] =	sst s9;
	s0 =	simm.s32 @!p0 $0x0  }
0x12: {  	s1 =	sld [smem:$0x3F8B];
	s0 =	simm.s32 @p0 $0x1  }
0x13: {  	[smem:$0x3FA6] =	sst s0;
	s0 =	simm.s32 @!p1 $0x0  }
0x14: {  	s2 =	sld [smem:$0x3F8A];
	s0 =	simm.s32 @p1 $0x1  }
0x15: {  	[smem:$0x3FA7] =	sst s0;
	s0 =	simm.s32 @!p2 $0x0  }
0x16: {  	s3 =	sld [smem:$0x3FDB];
	s0 =	simm.s32 @p2 $0x1  }
0x17: {  	s4 =	simm.s32 $0x1BF5;
	[smem:$0x3FA9] =	sst s0  }
0x18: {  	s0 =	sld [smem:$0x3F8C];
	_ =	swait.ge [sflag:s4], $0x0  }
0x19: {  	s7 =	sld [smem:$0x3F8D]  }
0x1a: {  	s8 =	sadd.s32 $0xFFFFE003, lr  }
0x1b: {  	s9 =	sadd.s32 $0xFFFFFEF7, lr;
	s5 =	simm.s32 $0xFFFFFFFF;
	p2 =	slt.u32 s8, $0xFFFFF086  }
0x1c: {  	p1 =	slt.u32 s9, $0xF7A;
	s5 =	simm.s32 @!p2 $0x0  }
0x1d: {  	s5 =	simm.s32 @p1 $0x1;
	p0 =	seq.s32 s7, s2  }
0x1e: {  	s7 =	smul.u32 @!p0 $0xF7A, s2;
	p2 =	seq.s32 @!p0 s5, $0x0  }
0x1f: {  	s9 =	smul.u32 $0xF7A, s1;
	s8 =	simm.s32 @!p0 $0x1BF5;
	p2 =	por !p2, p0  }
0x20: {  	[sflag:s8] =	ssyncset.s32 @!p0 $0xFFFFF086;
	s6 =	sadd.s32 @!p0 s3, s7;
	s7 =	simm.s32 @!p0 $0x108  }
0x21: {  	s3 =	sadd.s32 s3, s9;
	s6 =	sadd.s32 @!p0 $0x88, s6;
	s7 =	simm.s32 @p2 $0x1082  }
0x22: {  	[simem:s7], [sflag:s8] =	dma.local @!p0 [hbm:s6], $0xF7A  }
0x23: {  	s9 =	sor.u32 $0xD0000000, s2;
	s6 =	simm.s32 $0x108;
	_ =	swait.ge @!p0 [sflag:s8], $0x0  }
0x24: {  	s3 =	sadd.s32 $0x88, s3;
	s6 =	simm.s32 @!p1 $0x1082;
	[sflag:s4] =	ssyncset.s32 $0xFFFFF086  }
0x25: {  	[simem:s6], [sflag:s4] =	dma.local [hbm:s3], $0xF7A  }
0x26: {  	[smem:$0x3F8D] =	sst s1;
	(tag) =	ssettag s2;
	_ =	strace s9  }
0x27: {  	s1 =	sld [smem:$0x3F9D]  }
0x28: {  	s2 =	sld [smem:$0x3F9E]  }
0x29: {  	s4 =	sld [smem:$0x3FA0]  }
0x2a: {  	p0 =	seq.s32 s5, $0x0;
	s5 =	sld [smem:$0x3FA1]  }
0x2b: {  	s6 =	sld [smem:$0x3FA2]  }
0x2c: {  	s7 =	sld [smem:$0x3FA3]  }
0x2d: {  	s3 =	simm.s32 $0x108;
	s8 =	sld [smem:$0x3FA4]  }
0x2e: {  	s3 =	simm.s32 @!p0 $0x1082;
	s9 =	sld [smem:$0x3FA5]  }
0x2f: {  	lr =	sadd.s32 s0, s3;
	s0 =	sld [smem:$0x3F9C]  }
0x30: {  	s3 =	sld [smem:$0x3F9F]  }
0x31: {  	[smem:$0x3FA8] =	sst s10  }
0x32: {  	s10 =	sld [smem:$0x3FA6];
	_ =	sdelay $0x3  }
0x33: {  	p0 =	seq.s32 s10, $0x1;
	s10 =	sld [smem:$0x3FA8];
	_ =	sdelay $0x3  }
0x34: {  	[smem:$0x3FA8] =	sst s10  }
0x35: {  	s10 =	sld [smem:$0x3FA7];
	_ =	sdelay $0x3  }
0x36: {  	p1 =	seq.s32 s10, $0x1;
	s10 =	sld [smem:$0x3FA8];
	_ =	sdelay $0x3  }
0x37: {  	[smem:$0x3FA8] =	sst s10  }
0x38: {  	s10 =	sld [smem:$0x3FA9]  }
0x39: {  	_ = 	snop;
	(pc) =	sbr.ind lr, $3  }
0x3a: {  	_ = 	snop  }
0x3b: {  	_ = 	snop  }
0x3c: {  	p2 =	seq.s32 s10, $0x1;
	s10 =	sld [smem:$0x3FA8]  }
0x3d: {  	_ =	shalt  }
0x3e: {  	_ =	shalt  }
0x3f: {  	_ =	shalt  }
0x40: {  	_ =	shalt  }
0x41: {  	_ =	shalt  }
0x42: {  	_ =	shalt  }
0x43: {  	_ =	shalt  }
0x44: {  	_ =	shalt  }
0x45: {  	_ =	shalt  }
0x46: {  	_ =	shalt  }
0x47: {  	_ =	shalt  }
0x48: {  	_ =	shalt  }
0x49: {  	_ =	shalt  }
0x4a: {  	_ =	shalt  }
0x4b: {  	_ =	shalt  }
0x4c: {  	_ =	shalt  }
0x4d: {  	_ =	shalt  }
0x4e: {  	_ =	shalt  }
0x4f: {  	_ =	shalt  }
0x50: {  	_ =	shalt  }
0x51: {  	_ =	shalt  }
0x52: {  	_ =	shalt  }
0x53: {  	_ =	shalt  }
0x54: {  	_ =	shalt  }
0x55: {  	_ =	shalt  }
0x56: {  	_ =	shalt  }
0x57: {  	_ =	shalt  }
0x58: {  	_ =	shalt  }
0x59: {  	_ =	shalt  }
0x5a: {  	_ =	shalt  }
0x5b: {  	_ =	shalt  }
0x5c: {  	_ =	shalt  }
0x5d: {  	_ =	shalt  }
0x5e: {  	_ =	shalt  }
0x5f: {  	_ =	shalt  }
0x60: {  	_ =	shalt  }
0x61: {  	_ =	shalt  }
0x62: {  	_ =	shalt  }
0x63: {  	_ =	shalt  }
0x64: {  	_ =	shalt  }
0x65: {  	_ =	shalt  }
0x66: {  	_ =	shalt  }
0x67: {  	_ =	shalt  }
0x68: {  	_ =	shalt  }
0x69: {  	_ =	shalt  }
0x6a: {  	_ =	shalt  }
0x6b: {  	_ =	shalt  }
0x6c: {  	_ =	shalt  }
0x6d: {  	_ =	shalt  }
0x6e: {  	_ =	shalt  }
0x6f: {  	_ =	shalt  }
0x70: {  	_ =	shalt  }
0x71: {  	_ =	shalt  }
0x72: {  	_ =	shalt  }
0x73: {  	_ =	shalt  }
0x74: {  	_ =	shalt  }
0x75: {  	_ =	shalt  }
0x76: {  	_ =	shalt  }
0x77: {  	_ =	shalt  }
0x78: {  	_ =	shalt  }
0x79: {  	_ =	shalt  }
0x7a: {  	_ =	shalt  }
0x7b: {  	_ =	shalt  }
0x7c: {  	_ =	shalt  }
0x7d: {  	_ =	shalt  }
0x7e: {  	_ =	shalt  }
0x7f: {  	_ =	shalt  }
0x80: {  	_ =	shalt  }
0x81: {  	_ =	shalt  }
0x82: {  	_ =	shalt  }
0x83: {  	_ =	shalt  }
0x84: {  	_ =	shalt  }
0x85: {  	_ =	shalt  }
0x86: {  	_ =	shalt  }
0x87: {  	_ =	shalt  }
.Lfunc_end0:
.L_simem_size_0:
called_computation.4_lowered:
.L_overlay_start_0:
0x88: {  	s2 =	sld [smem:$0x3FD9]  }
0x89: {  	s3 =	sld [smem:$0x3FFE];
	_ =	sdelay $0x1  }
0x8a: {  	s1 =	srdreg.scid  }
0x8b: {  	s0 =	sand.u32 $0x1, s1  }
0x8c: {  	s16 =	sshll.u32 s0, $0xA;
	s2 =	sadd.s32 s3, s2  }
0x8d: {  	s2 =	sadd.s32 s2, s16  }
0x8e: {  	[smem:$0x3FB4] =	sst s2  }
0x8f: {  	_ = 	snop  }
0x90: {  	(tm) =	ssettm $0x1  }
0x91: {  	s17 =	sld [smem:$0x3FFB];
	_ =	sdelay $0x3  }
0x92: {  	_ =	strace s17  }
0x93: {  	s2 =	sld [smem:$0x3FFC];
	_ =	sdelay $0x3  }
0x94: {  	_ =	strace s2  }
0x95: {  	s2 =	sld [smem:$0x3FFD];
	_ =	sdelay $0x3  }
0x96: {  	_ =	strace s2  }
0x97: {  	_ =	strace $0x8FFFFFFF  }
0x98: {  	s18 =	sld [smem:$0x3FDB];
	_ =	sdelay $0x1  }
0x99: {  	s19 =	simm.s32 $_scs_section_size  }
0x9a: {  	s4 =	simm.s32 $_size__tile_overlayer_lowered;
	s5 =	simm.s32 $_tile_overlayer_lowered  }
0x9b: {  	s22 =	simm.s32 $0x1BFF;
	s21 =	sshll.u32 s5, $0x1;
	s2 =	sadd.s32 s19, s18  }
0x9c: {  	s6 =	simm.s32 $0x0;
	s20 =	sshll.u32 s4, $0x1;
	s4 =	sadd.s32 s21, s2  }
0x9d: {  	[timem:s6], [sflag:s22] =	dma.local [hbm:s4], s20  }
0x9e: {  	_ =	swait.ge [sflag:s22], s20  }
0x9f: {  	s3 =	ssub.s32 $0x0, s20;
	[sflag:s22] =	ssyncset.done $0x0  }
0xa0: {  	[sflag:s22] =	ssyncadd.s32 s3;
	_ =	sdelay $0x1  }
0xa1: {  	s23 =	simm.s32 $0x1B8B  }
0xa2: {  	_ =	swait.ge [sflag:s23], $0x1  }
0xa3: {  	[sflag:s23] =	ssyncset.done $0x0  }
0xa4: {  	s25 =	simm.s32 $0x1B8E;
	s24 =	sld [smem:$0x3FFE];
	[sflag:s23] =	ssyncadd.s32 $0xFFFFFFFF  }
0xa5: {  	s26 =	simm.s32 $execute0_lowered;
	[smem:$0x3FD2] =	sst s25  }
0xa6: {  	s4 =	sshll.u32 s26, $0x1;
	_ =	strace $0x80000052;
	[dreg:$0x1] =	wrdreg $0xFFFFFFFF  }
0xa7: {  	s28 =	simm.s32 $_size_execute0_lowered;
	s2 =	sadd.s32 s2, s4;
	[dreg:$0x0] =	wrdreg $0x0  }
0xa8: {  	s4 =	sshll.u32 s28, $0x1;
	[dreg:$0x2] =	wrdreg s2  }
0xa9: {  	[dreg:$0x3] =	wrdreg s4  }
0xaa: {  	[dreg:$0x4] =	wrdreg $0xC0  }
0xab: {  	_ =	task [dreg:s6], $0x5FFFF  }
0xac: {  	[dreg:$0x1] =	wrdreg $0xFFFFFFFF  }
0xad: {  	[dreg:$0x0] =	wrdreg $0x60  }
0xae: {  	[dreg:$0x2] =	wrdreg s24  }
0xaf: {  	[dreg:$0x3] =	wrdreg $0x90000  }
0xb0: {  	[dreg:$0x4] =	wrdreg $0x9  }
0xb1: {  	_ =	task.clear_ibuf [dreg:s6], $0x5FFFF;
	_ =	strace $0x90000052  }
0xb2: {  	s29 =	simm.s32 $0x9;
	_ =	strace $0x80000054  }
0xb3: {  	_ =	swait.ge [sflag:s29], $0x1  }
0xb4: {  	[sflag:s29] =	ssyncadd.s32 $0xFFFFFFFF  }
0xb5: {  	_ =	strace $0x90000054  }
0xb6: {  	_ =	sfence  }
0xb7: {  	s30 =	sld [smem:$0x0];
	_ =	sdelay $0x2  }
0xb8: {  	s31 =	sshll.u32 s1, $0xD;
	s1 =	sshrl.u32 s1, $0x2  }
0xb9: {  	s3 =	sand.u32 $0x4000, s31;
	s1 =	sadd.s32 s1, s30  }
0xba: {  	s0 =	sor.u32 s3, s0;
	s1 =	sshll.u32 s1, $0x11  }
0xbb: {  	s0 =	sor.u32 s1, s0  }
0xbc: {  	s0 =	sadd.s32 $0x8F2B, s0  }
0xbd: {  	[sflag:s0] =	ssyncadd.remote.s32 $0x1  }
0xbe: {  	_ =	sfence.sel $0xFFFF  }
0xbf: {  	[dreg:$0x0] =	wrdreg $0xFFFFFFFF;
	(pc) =	sbr.abs _section_cstart, $3  }
0xc0: {  	[dreg:$0x1] =	wrdreg $0xFFFFFFFF  }
0xc1: {  	_ =	task.clear_ibuf [dreg:s6], $0x2FFFF;
	_ =	strace $0x9FFFFFFF  }
0xc2: {  	(tm) =	ssettm $0x7FFFFFFF  }
0xc3: {  	_ =	shalt  }
tec
execute0_lowered:
.L_overlay_start_1:
0x0: {  	(tag) =	ssettag $0x1  }
0x1: {  	s5 =	rddreg [dreg:$0x0]  }
0x2: {  	s0 =	srdreg.scid;
	s2 =	rddreg [dreg:$0x1]  }
0x3: {  	s1 =	rddreg [dreg:$0x2];
	s3 =	simm.s32 $0x0;
	s6 =	sand.u32 $0x1, s0  }
0x4: {  	s14 =	simm.s32 $0x80;
	s0 =	stileid.u32;
	s4 =	smul.u32 $0x28000, s6  }
0x5: {  	s15 =	simm.s32 $0x5000;
	s16 =	simm.s32 $0x1;
	s7 =	smul.u32 $0x2800, s0  }
0x6: {  	s17 =	simm.s32 $0x0;
	[smem:$0x7FF] =	sst s3;
	s28 =	smul.u32 $0x13C00, s0  }
0x7: {  	_ =	strace $0x80000053;
	s9 =	smul.u32 $0x13C000, s6;
	s6 =	ssub.s32 $0x2, s6  }
0x8: {  	s29 =	smul.u32 $0x4F000, s0;
	s31 =	sshll.u32 s0, $0x6;
	s11 =	sshrl.u32 s6, $0x1  }
0x9: {  	s4 =	sadd.s32 s7, s4;
	s10 =	sshrl.u32 s28, $0x3;
	s7 =	sadd.s32 s28, s9  }
0xa: {  	s11 =	ssub.s32 s6, s11;
	s30 =	sshrl.u32 s29, $0x2;
	s6 =	sor.u32 $0x1C02, s31  }
0xb: {  	s8 =	sshrl.u32 s4, $0x3;
	s4 =	sadd.s32 $0x37800, s5;
	s10 =	sadd.s32 s10, s5  }
0xc: {  	s7 =	sshrl.u32 s7, $0x3;
	s13 =	sadd.s32 s30, s2;
	s8 =	sadd.s32 s8, s5  }
0xd: {  	s12 =	sadd.s32 s7, s5;
	s5 =	sadd.s32 $0x10000, s10;
	s10 =	smax.u32 s11, $0x1  }
0xe: {  	s11 =	sshrl.u32 s13, $0x3;
	s13 =	simm.s32 $0x2800;
	s7 =	sadd.s32 $0x86800, s8  }
0xf: {  	s8 =	sadd.s32 $0x5800, s8;
	s9 =	sadd.s32 $0x90800, s12;
	s12 =	simm.s32 $0x2  }
.LBB2_1:
0x10: {  	[spmem:s11], [sflag:s6] =	dma.local [hbm:s5], $0x2780  }
0x11: {  	_ =	swait.ge [sflag:s12], $0x2780  }
0x12: {  	[sflag:s12] =	ssyncset.done $0x0  }
0x13: {  	[sflag:s12] =	ssyncadd.s32 $0xFFFFD880  }
0x14: {  	[tilespmem:s3], [sflag:$0x2] =	stream.linear.gather [hbm4b:s7+s3], $0x2780, $0x38;
	[tilespmem:$0x1CC00] =	vst v63  }
0x15: {  	_ =	swait.ge [sflag:s12], $0x2780  }
0x16: {  	[sflag:s12] =	ssyncset.done $0x0  }
0x17: {  	[sflag:s12] =	ssyncadd.s32 $0xFFFFD880  }
0x18: {  	[tilespmem:s13], [sflag:$0x2] =	stream.linear.gather [hbm4b:s8+s3], $0x2780, $0x38;
	[tilespmem:$0x1CC00] =	vst v63  }
0x19: {  	_ =	swait.ge [sflag:s12], $0x2780  }
0x1a: {  	[sflag:s12] =	ssyncset.done $0x0  }
0x1b: {  	[sflag:s12] =	ssyncadd.s32 $0xFFFFD880  }
0x1c: {  	s18 =	simm.s32 $0x0;
	[bflag:$0x0] =	sbarrier.arrive $0xFFFF  }
0x1d: {  	[tilespmem:s15], [sflag:$0x1] =	stream.indirect.gather [hbm4b:s4+s14], $0x80, s18, s14, $0xb8;
	[tilespmem:$0x1CC00] =	vst v63  }
0x1e: {  	_ =	swait.ge [sflag:s16], $0x4000  }
0x1f: {  	[sflag:s16] =	ssyncset.done $0x0  }
0x20: {  	s31 =	simm.s32 $0x2800;
	[sflag:s16] =	ssyncadd.s32 $0xFFFFC000  }
0x21: {  	[spmem:s2] =	stream.indirect.scatter.add.f32 [tilespmem:s15], [sflag:$0x2], $0x80, s31, s14, $0xb8;
	[tilespmem:$0x1CC00] =	vst v63  }
0x22: {  	_ =	swait.ge [sflag:s12], $0x4000  }
0x23: {  	s19 =	simm.s32 $0x400;
	s18 =	simm.s32 $0x200;
	[sflag:s12] =	ssyncset.done $0x0  }
.LBB2_2:
0x24: {  	s20 =	sshra.s32 s18, $0x2  }
0x25: {  	[sflag:s12] =	ssyncadd.s32 $0xFFFFC000;
	s18 =	smov.u32 s19;
	s21 =	sadd.s32 $0x200, s19  }
0x26: {  	[tilespmem:s15], [sflag:$0x1] =	stream.indirect.gather [hbm4b:s4+s14], $0x80, s20, s14, $0xb8;
	[tilespmem:$0x1CC00] =	vst v63  }
0x27: {  	p0 =	sne.s32 s19, $0x9C00;
	_ =	swait.ge [sflag:s16], $0x4000  }
.Ltmp0:
0x28: {  	[sflag:s16] =	ssyncset.done $0x0;
	(pc) =	sbr.rel @p0 .LBB2_2-.Ltmp0, $4  }
0x29: {  	s19 =	sadd.s32 $0x2800, s20;
	[sflag:s16] =	ssyncadd.s32 $0xFFFFC000  }
0x2a: {  	[spmem:s2] =	stream.indirect.scatter.add.f32 [tilespmem:s15], [sflag:$0x2], $0x80, s19, s14, $0xb8;
	[tilespmem:$0x1CC00] =	vst v63  }
0x2b: {  	_ =	swait.ge [sflag:s12], $0x4000  }
0x2c: {  	s19 =	smov.u32 s21;
	[sflag:s12] =	ssyncset.done $0x0  }
0x2d: {  	s18 =	sshra.s32 s18, $0x2;
	[sflag:s12] =	ssyncadd.s32 $0xFFFFC000  }
0x2e: {  	[tilespmem:s15], [sflag:$0x1] =	stream.indirect.gather [hbm4b:s4+s14], $0x80, s18, s14, $0xb8;
	[tilespmem:$0x1CC00] =	vst v63  }
0x2f: {  	_ =	swait.ge [sflag:s16], $0x4000  }
0x30: {  	[sflag:s16] =	ssyncset.done $0x0  }
0x31: {  	s18 =	sadd.s32 $0x2800, s18;
	[sflag:s16] =	ssyncadd.s32 $0xFFFFC000  }
0x32: {  	[spmem:s2] =	stream.indirect.scatter.add.f32 [tilespmem:s15], [sflag:$0x2], $0x80, s18, s14, $0xb8;
	[tilespmem:$0x1CC00] =	vst v63  }
0x33: {  	_ =	swait.ge [sflag:s12], $0x4000  }
0x34: {  	s17 =	sadd.s32 $0x1, s17;
	[sflag:s12] =	ssyncset.done $0x0  }
0x35: {  	p0 =	sne.s32 s17, s10;
	[sflag:s12] =	ssyncadd.s32 $0xFFFFC000  }
.Ltmp1:
0x36: {  	[bflag:$0x0] =	sbarrier.arrive $0xFFFF;
	(pc) =	sbr.rel @p0 .LBB2_1-.Ltmp1, $4  }
0x37: {  	[hbm:s9], [sflag:s6] =	dma.local [spmem:s11], $0x2780  }
0x38: {  	_ =	swait.ge [sflag:s12], $0x2780  }
0x39: {  	[sflag:s12] =	ssyncset.done $0x0  }
0x3a: {  	[sflag:s12] =	ssyncadd.s32 $0xFFFFD880  }
0x3b: {  	_ =	sfence.sel $0x180000  }
0x3c: {  	[bflag:$0x0] =	sbarrier.arrive $0xFFFF  }
0x3d: {  	p0 =	sne.s32 s0, $0x0;
	_ =	strace $0x90000053  }
0x3e: {  	s0 =	sadd.s32 @!p0 $0x100000, s1;
	[bflag:$0x2] =	sbarrier.arrive $0xFFFF  }
0x3f: {  	[sflag:s0] =	ssyncadd.tile.s32 @!p0 $0x1;
	_ =	shalt  }
.Lfunc_end2:
_tile_overlayer_lowered:
.L_overlay_start_2:
0x40: {  	(tag) =	ssettag $0x2  }
0x41: {  	s0 =	rddreg [dreg:$0x0];
	s2 =	stileid.u32  }
0x42: {  	s1 =	rddreg [dreg:$0x1];
	p0 =	sne.s32 s2, $0x0  }
0x43: {  	s3 =	rddreg [dreg:$0x2];
	[bflag:$0x3] =	sbarrier.arrive $0xFFFF;
	s2 =	simm.s32 @!p0 $0x1C02  }
0x44: {  	[timem:s3], [sflag:s2] =	dma.local @!p0 [hbm:s0], s1  }
0x45: {  	s0 =	simm.s32 @!p0 $0x2  }
0x46: {  	_ =	swait.ge @!p0 [sflag:s0], s1  }
0x47: {  	s1 =	ssub.s32 @!p0 $0x0, s1;
	[sflag:s0] =	ssyncset.done @!p0 $0x0  }
0x48: {  	[sflag:s0] =	ssyncadd.s32 @!p0 s1  }
0x49: {  	[bflag:$0x3] =	sbarrier.arrive $0xFFFF  }
0x4a: {  	_ =	shalt  }

// kernel: kernel.36.cloned.1.call-start
scs
__scs_entry_jumppad:
0x0: {  	(pc) =	sbr.rel $0x88, $3  }
0x1: {  	(tag) =	ssettag $0x0;
	lr =	simm.s32 $0x1  }
0x2: {  	[smem:$0x3F8D] =	sst lr;
	_ =	strace $0xD0000000  }
0x3: {  	_ = 	snop  }
0x4: {  	_ = 	snop  }
0x5: {  	_ = 	snop  }
0x6: {  	_ = 	snop  }
0x7: {  	_ = 	snop  }
__scs_overlays_trampoline_lowered:
0x8: {  	[smem:$0x3F9C] =	sst s0  }
0x9: {  	[smem:$0x3F9D] =	sst s1  }
0xa: {  	[smem:$0x3F9E] =	sst s2  }
0xb: {  	[smem:$0x3F9F] =	sst s3  }
0xc: {  	[smem:$0x3FA0] =	sst s4  }
0xd: {  	[smem:$0x3FA1] =	sst s5  }
0xe: {  	[smem:$0x3FA2] =	sst s6  }
0xf: {  	[smem:$0x3FA3] =	sst s7  }
0x10: {  	[smem:$0x3FA4] =	sst s8  }
0x11: {  	[smem:$0x3FA5] =	sst s9;
	s0 =	simm.s32 @!p0 $0x0  }
0x12: {  	s1 =	sld [smem:$0x3F8B];
	s0 =	simm.s32 @p0 $0x1  }
0x13: {  	[smem:$0x3FA6] =	sst s0;
	s0 =	simm.s32 @!p1 $0x0  }
0x14: {  	s2 =	sld [smem:$0x3F8A];
	s0 =	simm.s32 @p1 $0x1  }
0x15: {  	[smem:$0x3FA7] =	sst s0;
	s0 =	simm.s32 @!p2 $0x0  }
0x16: {  	s3 =	sld [smem:$0x3FDB];
	s0 =	simm.s32 @p2 $0x1  }
0x17: {  	s4 =	simm.s32 $0x1BF5;
	[smem:$0x3FA9] =	sst s0  }
0x18: {  	s0 =	sld [smem:$0x3F8C];
	_ =	swait.ge [sflag:s4], $0x0  }
0x19: {  	s7 =	sld [smem:$0x3F8D]  }
0x1a: {  	s8 =	sadd.s32 $0xFFFFE003, lr  }
0x1b: {  	s9 =	sadd.s32 $0xFFFFFEF7, lr;
	s5 =	simm.s32 $0xFFFFFFFF;
	p2 =	slt.u32 s8, $0xFFFFF086  }
0x1c: {  	p1 =	slt.u32 s9, $0xF7A;
	s5 =	simm.s32 @!p2 $0x0  }
0x1d: {  	s5 =	simm.s32 @p1 $0x1;
	p0 =	seq.s32 s7, s2  }
0x1e: {  	s7 =	smul.u32 @!p0 $0xF7A, s2;
	p2 =	seq.s32 @!p0 s5, $0x0  }
0x1f: {  	s9 =	smul.u32 $0xF7A, s1;
	s8 =	simm.s32 @!p0 $0x1BF5;
	p2 =	por !p2, p0  }
0x20: {  	[sflag:s8] =	ssyncset.s32 @!p0 $0xFFFFF086;
	s6 =	sadd.s32 @!p0 s3, s7;
	s7 =	simm.s32 @!p0 $0x108  }
0x21: {  	s3 =	sadd.s32 s3, s9;
	s6 =	sadd.s32 @!p0 $0x88, s6;
	s7 =	simm.s32 @p2 $0x1082  }
0x22: {  	[simem:s7], [sflag:s8] =	dma.local @!p0 [hbm:s6], $0xF7A  }
0x23: {  	s9 =	sor.u32 $0xD0000000, s2;
	s6 =	simm.s32 $0x108;
	_ =	swait.ge @!p0 [sflag:s8], $0x0  }
0x24: {  	s3 =	sadd.s32 $0x88, s3;
	s6 =	simm.s32 @!p1 $0x1082;
	[sflag:s4] =	ssyncset.s32 $0xFFFFF086  }
0x25: {  	[simem:s6], [sflag:s4] =	dma.local [hbm:s3], $0xF7A  }
0x26: {  	[smem:$0x3F8D] =	sst s1;
	(tag) =	ssettag s2;
	_ =	strace s9  }
0x27: {  	s1 =	sld [smem:$0x3F9D]  }
0x28: {  	s2 =	sld [smem:$0x3F9E]  }
0x29: {  	s4 =	sld [smem:$0x3FA0]  }
0x2a: {  	p0 =	seq.s32 s5, $0x0;
	s5 =	sld [smem:$0x3FA1]  }
0x2b: {  	s6 =	sld [smem:$0x3FA2]  }
0x2c: {  	s7 =	sld [smem:$0x3FA3]  }
0x2d: {  	s3 =	simm.s32 $0x108;
	s8 =	sld [smem:$0x3FA4]  }
0x2e: {  	s3 =	simm.s32 @!p0 $0x1082;
	s9 =	sld [smem:$0x3FA5]  }
0x2f: {  	lr =	sadd.s32 s0, s3;
	s0 =	sld [smem:$0x3F9C]  }
0x30: {  	s3 =	sld [smem:$0x3F9F]  }
0x31: {  	[smem:$0x3FA8] =	sst s10  }
0x32: {  	s10 =	sld [smem:$0x3FA6];
	_ =	sdelay $0x3  }
0x33: {  	p0 =	seq.s32 s10, $0x1;
	s10 =	sld [smem:$0x3FA8];
	_ =	sdelay $0x3  }
0x34: {  	[smem:$0x3FA8] =	sst s10  }
0x35: {  	s10 =	sld [smem:$0x3FA7];
	_ =	sdelay $0x3  }
0x36: {  	p1 =	seq.s32 s10, $0x1;
	s10 =	sld [smem:$0x3FA8];
	_ =	sdelay $0x3  }
0x37: {  	[smem:$0x3FA8] =	sst s10  }
0x38: {  	s10 =	sld [smem:$0x3FA9]  }
0x39: {  	_ = 	snop;
	(pc) =	sbr.ind lr, $3  }
0x3a: {  	_ = 	snop  }
0x3b: {  	_ = 	snop  }
0x3c: {  	p2 =	seq.s32 s10, $0x1;
	s10 =	sld [smem:$0x3FA8]  }
0x3d: {  	_ =	shalt  }
0x3e: {  	_ =	shalt  }
0x3f: {  	_ =	shalt  }
0x40: {  	_ =	shalt  }
0x41: {  	_ =	shalt  }
0x42: {  	_ =	shalt  }
0x43: {  	_ =	shalt  }
0x44: {  	_ =	shalt  }
0x45: {  	_ =	shalt  }
0x46: {  	_ =	shalt  }
0x47: {  	_ =	shalt  }
0x48: {  	_ =	shalt  }
0x49: {  	_ =	shalt  }
0x4a: {  	_ =	shalt  }
0x4b: {  	_ =	shalt  }
0x4c: {  	_ =	shalt  }
0x4d: {  	_ =	shalt  }
0x4e: {  	_ =	shalt  }
0x4f: {  	_ =	shalt  }
0x50: {  	_ =	shalt  }
0x51: {  	_ =	shalt  }
0x52: {  	_ =	shalt  }
0x53: {  	_ =	shalt  }
0x54: {  	_ =	shalt  }
0x55: {  	_ =	shalt  }
0x56: {  	_ =	shalt  }
0x57: {  	_ =	shalt  }
0x58: {  	_ =	shalt  }
0x59: {  	_ =	shalt  }
0x5a: {  	_ =	shalt  }
0x5b: {  	_ =	shalt  }
0x5c: {  	_ =	shalt  }
0x5d: {  	_ =	shalt  }
0x5e: {  	_ =	shalt  }
0x5f: {  	_ =	shalt  }
0x60: {  	_ =	shalt  }
0x61: {  	_ =	shalt  }
0x62: {  	_ =	shalt  }
0x63: {  	_ =	shalt  }
0x64: {  	_ =	shalt  }
0x65: {  	_ =	shalt  }
0x66: {  	_ =	shalt  }
0x67: {  	_ =	shalt  }
0x68: {  	_ =	shalt  }
0x69: {  	_ =	shalt  }
0x6a: {  	_ =	shalt  }
0x6b: {  	_ =	shalt  }
0x6c: {  	_ =	shalt  }
0x6d: {  	_ =	shalt  }
0x6e: {  	_ =	shalt  }
0x6f: {  	_ =	shalt  }
0x70: {  	_ =	shalt  }
0x71: {  	_ =	shalt  }
0x72: {  	_ =	shalt  }
0x73: {  	_ =	shalt  }
0x74: {  	_ =	shalt  }
0x75: {  	_ =	shalt  }
0x76: {  	_ =	shalt  }
0x77: {  	_ =	shalt  }
0x78: {  	_ =	shalt  }
0x79: {  	_ =	shalt  }
0x7a: {  	_ =	shalt  }
0x7b: {  	_ =	shalt  }
0x7c: {  	_ =	shalt  }
0x7d: {  	_ =	shalt  }
0x7e: {  	_ =	shalt  }
0x7f: {  	_ =	shalt  }
0x80: {  	_ =	shalt  }
0x81: {  	_ =	shalt  }
0x82: {  	_ =	shalt  }
0x83: {  	_ =	shalt  }
0x84: {  	_ =	shalt  }
0x85: {  	_ =	shalt  }
0x86: {  	_ =	shalt  }
0x87: {  	_ =	shalt  }
.Lfunc_end0:
.L_simem_size_0:
called_computation.5_lowered:
.L_overlay_start_0:
0x88: {  	s2 =	sld [smem:$0x3FD9]  }
0x89: {  	s3 =	sld [smem:$0x3FFE];
	_ =	sdelay $0x1  }
0x8a: {  	s1 =	srdreg.scid  }
0x8b: {  	s0 =	sand.u32 $0x1, s1  }
0x8c: {  	s16 =	sshll.u32 s0, $0xA;
	s2 =	sadd.s32 s3, s2  }
0x8d: {  	s2 =	sadd.s32 s2, s16  }
0x8e: {  	[smem:$0x3FB4] =	sst s2  }
0x8f: {  	_ = 	snop  }
0x90: {  	(tm) =	ssettm $0x1  }
0x91: {  	s17 =	sld [smem:$0x3FFB];
	_ =	sdelay $0x3  }
0x92: {  	_ =	strace s17  }
0x93: {  	s2 =	sld [smem:$0x3FFC];
	_ =	sdelay $0x3  }
0x94: {  	_ =	strace s2  }
0x95: {  	s2 =	sld [smem:$0x3FFD];
	_ =	sdelay $0x3  }
0x96: {  	_ =	strace s2  }
0x97: {  	_ =	strace $0x8FFFFFFF  }
0x98: {  	s18 =	sld [smem:$0x3FDB];
	_ =	sdelay $0x1  }
0x99: {  	s19 =	simm.s32 $_scs_section_size  }
0x9a: {  	s4 =	simm.s32 $_size__tile_overlayer_lowered;
	s5 =	simm.s32 $_tile_overlayer_lowered  }
0x9b: {  	s22 =	simm.s32 $0x1BFF;
	s21 =	sshll.u32 s5, $0x1;
	s2 =	sadd.s32 s19, s18  }
0x9c: {  	s6 =	simm.s32 $0x0;
	s20 =	sshll.u32 s4, $0x1;
	s4 =	sadd.s32 s21, s2  }
0x9d: {  	[timem:s6], [sflag:s22] =	dma.local [hbm:s4], s20  }
0x9e: {  	_ =	swait.ge [sflag:s22], s20  }
0x9f: {  	s3 =	ssub.s32 $0x0, s20;
	[sflag:s22] =	ssyncset.done $0x0  }
0xa0: {  	[sflag:s22] =	ssyncadd.s32 s3;
	_ =	sdelay $0x1  }
0xa1: {  	s23 =	simm.s32 $0x1B8B  }
0xa2: {  	_ =	swait.ge [sflag:s23], $0x1  }
0xa3: {  	[sflag:s23] =	ssyncset.done $0x0  }
0xa4: {  	s25 =	simm.s32 $0x1B8E;
	s24 =	sld [smem:$0x3FFE];
	[sflag:s23] =	ssyncadd.s32 $0xFFFFFFFF  }
0xa5: {  	s26 =	simm.s32 $execute0_lowered;
	[smem:$0x3FD2] =	sst s25  }
0xa6: {  	s4 =	sshll.u32 s26, $0x1;
	_ =	strace $0x80000055;
	[dreg:$0x1] =	wrdreg $0xFFFFFFFF  }
0xa7: {  	s28 =	simm.s32 $_size_execute0_lowered;
	s2 =	sadd.s32 s2, s4;
	[dreg:$0x0] =	wrdreg $0x0  }
0xa8: {  	s4 =	sshll.u32 s28, $0x1;
	[dreg:$0x2] =	wrdreg s2  }
0xa9: {  	[dreg:$0x3] =	wrdreg s4  }
0xaa: {  	[dreg:$0x4] =	wrdreg $0xC0  }
0xab: {  	_ =	task [dreg:s6], $0x5FFFF  }
0xac: {  	[dreg:$0x1] =	wrdreg $0xFFFFFFFF  }
0xad: {  	[dreg:$0x0] =	wrdreg $0x60  }
0xae: {  	[dreg:$0x2] =	wrdreg s24  }
0xaf: {  	[dreg:$0x3] =	wrdreg $0x90000  }
0xb0: {  	[dreg:$0x4] =	wrdreg $0x9  }
0xb1: {  	_ =	task.clear_ibuf [dreg:s6], $0x5FFFF;
	_ =	strace $0x90000055  }
0xb2: {  	s29 =	simm.s32 $0x9;
	_ =	strace $0x80000057  }
0xb3: {  	_ =	swait.ge [sflag:s29], $0x1  }
0xb4: {  	[sflag:s29] =	ssyncadd.s32 $0xFFFFFFFF  }
0xb5: {  	_ =	strace $0x90000057  }
0xb6: {  	_ =	sfence  }
0xb7: {  	s30 =	sld [smem:$0x0];
	_ =	sdelay $0x2  }
0xb8: {  	s31 =	sshll.u32 s1, $0xD;
	s1 =	sshrl.u32 s1, $0x2  }
0xb9: {  	s3 =	sand.u32 $0x4000, s31;
	s1 =	sadd.s32 s1, s30  }
0xba: {  	s0 =	sor.u32 s3, s0;
	s1 =	sshll.u32 s1, $0x11  }
0xbb: {  	s0 =	sor.u32 s1, s0  }
0xbc: {  	s0 =	sadd.s32 $0x8F2B, s0  }
0xbd: {  	[sflag:s0] =	ssyncadd.remote.s32 $0x1  }
0xbe: {  	_ =	sfence.sel $0xFFFF  }
0xbf: {  	[dreg:$0x0] =	wrdreg $0xFFFFFFFF;
	(pc) =	sbr.abs _section_cstart, $3  }
0xc0: {  	[dreg:$0x1] =	wrdreg $0xFFFFFFFF  }
0xc1: {  	_ =	task.clear_ibuf [dreg:s6], $0x2FFFF;
	_ =	strace $0x9FFFFFFF  }
0xc2: {  	(tm) =	ssettm $0x7FFFFFFF  }
0xc3: {  	_ =	shalt  }
tec
execute0_lowered:
.L_overlay_start_1:
0x0: {  	(tag) =	ssettag $0x1  }
0x1: {  	s5 =	rddreg [dreg:$0x0]  }
0x2: {  	s0 =	srdreg.scid;
	s2 =	rddreg [dreg:$0x1]  }
0x3: {  	s1 =	rddreg [dreg:$0x2];
	s3 =	simm.s32 $0x0;
	s6 =	sand.u32 $0x1, s0  }
0x4: {  	s14 =	simm.s32 $0x80;
	s0 =	stileid.u32;
	s4 =	smul.u32 $0x28000, s6  }
0x5: {  	s15 =	simm.s32 $0x5000;
	s16 =	simm.s32 $0x1;
	s7 =	smul.u32 $0x2800, s0  }
0x6: {  	s17 =	simm.s32 $0x0;
	[smem:$0x7FF] =	sst s3;
	s28 =	smul.u32 $0x13C00, s0  }
0x7: {  	_ =	strace $0x80000056;
	s9 =	smul.u32 $0x13C000, s6;
	s6 =	ssub.s32 $0x2, s6  }
0x8: {  	s29 =	smul.u32 $0x4F000, s0;
	s31 =	sshll.u32 s0, $0x6;
	s11 =	sshrl.u32 s6, $0x1  }
0x9: {  	s4 =	sadd.s32 s7, s4;
	s10 =	sshrl.u32 s28, $0x3;
	s7 =	sadd.s32 s28, s9  }
0xa: {  	s11 =	ssub.s32 s6, s11;
	s30 =	sshrl.u32 s29, $0x2;
	s6 =	sor.u32 $0x1C02, s31  }
0xb: {  	s8 =	sshrl.u32 s4, $0x3;
	s4 =	sadd.s32 $0x37800, s5;
	s10 =	sadd.s32 s10, s5  }
0xc: {  	s7 =	sshrl.u32 s7, $0x3;
	s13 =	sadd.s32 s30, s2;
	s8 =	sadd.s32 s8, s5  }
0xd: {  	s12 =	sadd.s32 s7, s5;
	s5 =	sadd.s32 $0x10000, s10;
	s10 =	smax.u32 s11, $0x1  }
0xe: {  	s11 =	sshrl.u32 s13, $0x3;
	s13 =	simm.s32 $0x2800;
	s7 =	sadd.s32 $0x86800, s8  }
0xf: {  	s8 =	sadd.s32 $0x5800, s8;
	s9 =	sadd.s32 $0xDF800, s12;
	s12 =	simm.s32 $0x2  }
.LBB2_1:
0x10: {  	[spmem:s11], [sflag:s6] =	dma.local [hbm:s5], $0x2780  }
0x11: {  	_ =	swait.ge [sflag:s12], $0x2780  }
0x12: {  	[sflag:s12] =	ssyncset.done $0x0  }
0x13: {  	[sflag:s12] =	ssyncadd.s32 $0xFFFFD880  }
0x14: {  	[tilespmem:s3], [sflag:$0x2] =	stream.linear.gather [hbm4b:s7+s3], $0x2780, $0x38;
	[tilespmem:$0x1CC00] =	vst v63  }
0x15: {  	_ =	swait.ge [sflag:s12], $0x2780  }
0x16: {  	[sflag:s12] =	ssyncset.done $0x0  }
0x17: {  	[sflag:s12] =	ssyncadd.s32 $0xFFFFD880  }
0x18: {  	[tilespmem:s13], [sflag:$0x2] =	stream.linear.gather [hbm4b:s8+s3], $0x2780, $0x38;
	[tilespmem:$0x1CC00] =	vst v63  }
0x19: {  	_ =	swait.ge [sflag:s12], $0x2780  }
0x1a: {  	[sflag:s12] =	ssyncset.done $0x0  }
0x1b: {  	[sflag:s12] =	ssyncadd.s32 $0xFFFFD880  }
0x1c: {  	s18 =	simm.s32 $0x0;
	[bflag:$0x0] =	sbarrier.arrive $0xFFFF  }
0x1d: {  	[tilespmem:s15], [sflag:$0x1] =	stream.indirect.gather [hbm4b:s4+s14], $0x80, s18, s14, $0xb8;
	[tilespmem:$0x1CC00] =	vst v63  }
0x1e: {  	_ =	swait.ge [sflag:s16], $0x4000  }
0x1f: {  	[sflag:s16] =	ssyncset.done $0x0  }
0x20: {  	s31 =	simm.s32 $0x2800;
	[sflag:s16] =	ssyncadd.s32 $0xFFFFC000  }
0x21: {  	[spmem:s2] =	stream.indirect.scatter.add.f32 [tilespmem:s15], [sflag:$0x2], $0x80, s31, s14, $0xb8;
	[tilespmem:$0x1CC00] =	vst v63  }
0x22: {  	_ =	swait.ge [sflag:s12], $0x4000  }
0x23: {  	s19 =	simm.s32 $0x400;
	s18 =	simm.s32 $0x200;
	[sflag:s12] =	ssyncset.done $0x0  }
.LBB2_2:
0x24: {  	s20 =	sshra.s32 s18, $0x2  }
0x25: {  	[sflag:s12] =	ssyncadd.s32 $0xFFFFC000;
	s18 =	smov.u32 s19;
	s21 =	sadd.s32 $0x200, s19  }
0x26: {  	[tilespmem:s15], [sflag:$0x1] =	stream.indirect.gather [hbm4b:s4+s14], $0x80, s20, s14, $0xb8;
	[tilespmem:$0x1CC00] =	vst v63  }
0x27: {  	p0 =	sne.s32 s19, $0x9C00;
	_ =	swait.ge [sflag:s16], $0x4000  }
.Ltmp0:
0x28: {  	[sflag:s16] =	ssyncset.done $0x0;
	(pc) =	sbr.rel @p0 .LBB2_2-.Ltmp0, $4  }
0x29: {  	s19 =	sadd.s32 $0x2800, s20;
	[sflag:s16] =	ssyncadd.s32 $0xFFFFC000  }
0x2a: {  	[spmem:s2] =	stream.indirect.scatter.add.f32 [tilespmem:s15], [sflag:$0x2], $0x80, s19, s14, $0xb8;
	[tilespmem:$0x1CC00] =	vst v63  }
0x2b: {  	_ =	swait.ge [sflag:s12], $0x4000  }
0x2c: {  	s19 =	smov.u32 s21;
	[sflag:s12] =	ssyncset.done $0x0  }
0x2d: {  	s18 =	sshra.s32 s18, $0x2;
	[sflag:s12] =	ssyncadd.s32 $0xFFFFC000  }
0x2e: {  	[tilespmem:s15], [sflag:$0x1] =	stream.indirect.gather [hbm4b:s4+s14], $0x80, s18, s14, $0xb8;
	[tilespmem:$0x1CC00] =	vst v63  }
0x2f: {  	_ =	swait.ge [sflag:s16], $0x4000  }
0x30: {  	[sflag:s16] =	ssyncset.done $0x0  }
0x31: {  	s18 =	sadd.s32 $0x2800, s18;
	[sflag:s16] =	ssyncadd.s32 $0xFFFFC000  }
0x32: {  	[spmem:s2] =	stream.indirect.scatter.add.f32 [tilespmem:s15], [sflag:$0x2], $0x80, s18, s14, $0xb8;
	[tilespmem:$0x1CC00] =	vst v63  }
0x33: {  	_ =	swait.ge [sflag:s12], $0x4000  }
0x34: {  	s17 =	sadd.s32 $0x1, s17;
	[sflag:s12] =	ssyncset.done $0x0  }
0x35: {  	p0 =	sne.s32 s17, s10;
	[sflag:s12] =	ssyncadd.s32 $0xFFFFC000  }
.Ltmp1:
0x36: {  	[bflag:$0x0] =	sbarrier.arrive $0xFFFF;
	(pc) =	sbr.rel @p0 .LBB2_1-.Ltmp1, $4  }
0x37: {  	[hbm:s9], [sflag:s6] =	dma.local [spmem:s11], $0x2780  }
0x38: {  	_ =	swait.ge [sflag:s12], $0x2780  }
0x39: {  	[sflag:s12] =	ssyncset.done $0x0  }
0x3a: {  	[sflag:s12] =	ssyncadd.s32 $0xFFFFD880  }
0x3b: {  	_ =	sfence.sel $0x180000  }
0x3c: {  	[bflag:$0x0] =	sbarrier.arrive $0xFFFF  }
0x3d: {  	p0 =	sne.s32 s0, $0x0;
	_ =	strace $0x90000056  }
0x3e: {  	s0 =	sadd.s32 @!p0 $0x100000, s1;
	[bflag:$0x2] =	sbarrier.arrive $0xFFFF  }
0x3f: {  	[sflag:s0] =	ssyncadd.tile.s32 @!p0 $0x1;
	_ =	shalt  }
.Lfunc_end2:
_tile_overlayer_lowered:
.L_overlay_start_2:
0x40: {  	(tag) =	ssettag $0x2  }
0x41: {  	s0 =	rddreg [dreg:$0x0];
	s2 =	stileid.u32  }
0x42: {  	s1 =	rddreg [dreg:$0x1];
	p0 =	sne.s32 s2, $0x0  }
0x43: {  	s3 =	rddreg [dreg:$0x2];
	[bflag:$0x3] =	sbarrier.arrive $0xFFFF;
	s2 =	simm.s32 @!p0 $0x1C02  }
0x44: {  	[timem:s3], [sflag:s2] =	dma.local @!p0 [hbm:s0], s1  }
0x45: {  	s0 =	simm.s32 @!p0 $0x2  }
0x46: {  	_ =	swait.ge @!p0 [sflag:s0], s1  }
0x47: {  	s1 =	ssub.s32 @!p0 $0x0, s1;
	[sflag:s0] =	ssyncset.done @!p0 $0x0  }
0x48: {  	[sflag:s0] =	ssyncadd.s32 @!p0 s1  }
0x49: {  	[bflag:$0x3] =	sbarrier.arrive $0xFFFF  }
0x4a: {  	_ =	shalt  }

// kernel: kernel.39.cloned.1.call-start
scs
__scs_entry_jumppad:
0x0: {  	(pc) =	sbr.rel $0x88, $3  }
0x1: {  	(tag) =	ssettag $0x0;
	lr =	simm.s32 $0x1  }
0x2: {  	[smem:$0x3F8D] =	sst lr;
	_ =	strace $0xD0000000  }
0x3: {  	_ = 	snop  }
0x4: {  	_ = 	snop  }
0x5: {  	_ = 	snop  }
0x6: {  	_ = 	snop  }
0x7: {  	_ = 	snop  }
__scs_overlays_trampoline_lowered:
0x8: {  	[smem:$0x3F9C] =	sst s0  }
0x9: {  	[smem:$0x3F9D] =	sst s1  }
0xa: {  	[smem:$0x3F9E] =	sst s2  }
0xb: {  	[smem:$0x3F9F] =	sst s3  }
0xc: {  	[smem:$0x3FA0] =	sst s4  }
0xd: {  	[smem:$0x3FA1] =	sst s5  }
0xe: {  	[smem:$0x3FA2] =	sst s6  }
0xf: {  	[smem:$0x3FA3] =	sst s7  }
0x10: {  	[smem:$0x3FA4] =	sst s8  }
0x11: {  	[smem:$0x3FA5] =	sst s9;
	s0 =	simm.s32 @!p0 $0x0  }
0x12: {  	s1 =	sld [smem:$0x3F8B];
	s0 =	simm.s32 @p0 $0x1  }
0x13: {  	[smem:$0x3FA6] =	sst s0;
	s0 =	simm.s32 @!p1 $0x0  }
0x14: {  	s2 =	sld [smem:$0x3F8A];
	s0 =	simm.s32 @p1 $0x1  }
0x15: {  	[smem:$0x3FA7] =	sst s0;
	s0 =	simm.s32 @!p2 $0x0  }
0x16: {  	s3 =	sld [smem:$0x3FDB];
	s0 =	simm.s32 @p2 $0x1  }
0x17: {  	s4 =	simm.s32 $0x1BF5;
	[smem:$0x3FA9] =	sst s0  }
0x18: {  	s0 =	sld [smem:$0x3F8C];
	_ =	swait.ge [sflag:s4], $0x0  }
0x19: {  	s7 =	sld [smem:$0x3F8D]  }
0x1a: {  	s8 =	sadd.s32 $0xFFFFE003, lr  }
0x1b: {  	s9 =	sadd.s32 $0xFFFFFEF7, lr;
	s5 =	simm.s32 $0xFFFFFFFF;
	p2 =	slt.u32 s8, $0xFFFFF086  }
0x1c: {  	p1 =	slt.u32 s9, $0xF7A;
	s5 =	simm.s32 @!p2 $0x0  }
0x1d: {  	s5 =	simm.s32 @p1 $0x1;
	p0 =	seq.s32 s7, s2  }
0x1e: {  	s7 =	smul.u32 @!p0 $0xF7A, s2;
	p2 =	seq.s32 @!p0 s5, $0x0  }
0x1f: {  	s9 =	smul.u32 $0xF7A, s1;
	s8 =	simm.s32 @!p0 $0x1BF5;
	p2 =	por !p2, p0  }
0x20: {  	[sflag:s8] =	ssyncset.s32 @!p0 $0xFFFFF086;
	s6 =	sadd.s32 @!p0 s3, s7;
	s7 =	simm.s32 @!p0 $0x108  }
0x21: {  	s3 =	sadd.s32 s3, s9;
	s6 =	sadd.s32 @!p0 $0x88, s6;
	s7 =	simm.s32 @p2 $0x1082  }
0x22: {  	[simem:s7], [sflag:s8] =	dma.local @!p0 [hbm:s6], $0xF7A  }
0x23: {  	s9 =	sor.u32 $0xD0000000, s2;
	s6 =	simm.s32 $0x108;
	_ =	swait.ge @!p0 [sflag:s8], $0x0  }
0x24: {  	s3 =	sadd.s32 $0x88, s3;
	s6 =	simm.s32 @!p1 $0x1082;
	[sflag:s4] =	ssyncset.s32 $0xFFFFF086  }
0x25: {  	[simem:s6], [sflag:s4] =	dma.local [hbm:s3], $0xF7A  }
0x26: {  	[smem:$0x3F8D] =	sst s1;
	(tag) =	ssettag s2;
	_ =	strace s9  }
0x27: {  	s1 =	sld [smem:$0x3F9D]  }
0x28: {  	s2 =	sld [smem:$0x3F9E]  }
0x29: {  	s4 =	sld [smem:$0x3FA0]  }
0x2a: {  	p0 =	seq.s32 s5, $0x0;
	s5 =	sld [smem:$0x3FA1]  }
0x2b: {  	s6 =	sld [smem:$0x3FA2]  }
0x2c: {  	s7 =	sld [smem:$0x3FA3]  }
0x2d: {  	s3 =	simm.s32 $0x108;
	s8 =	sld [smem:$0x3FA4]  }
0x2e: {  	s3 =	simm.s32 @!p0 $0x1082;
	s9 =	sld [smem:$0x3FA5]  }
0x2f: {  	lr =	sadd.s32 s0, s3;
	s0 =	sld [smem:$0x3F9C]  }
0x30: {  	s3 =	sld [smem:$0x3F9F]  }
0x31: {  	[smem:$0x3FA8] =	sst s10  }
0x32: {  	s10 =	sld [smem:$0x3FA6];
	_ =	sdelay $0x3  }
0x33: {  	p0 =	seq.s32 s10, $0x1;
	s10 =	sld [smem:$0x3FA8];
	_ =	sdelay $0x3  }
0x34: {  	[smem:$0x3FA8] =	sst s10  }
0x35: {  	s10 =	sld [smem:$0x3FA7];
	_ =	sdelay $0x3  }
0x36: {  	p1 =	seq.s32 s10, $0x1;
	s10 =	sld [smem:$0x3FA8];
	_ =	sdelay $0x3  }
0x37: {  	[smem:$0x3FA8] =	sst s10  }
0x38: {  	s10 =	sld [smem:$0x3FA9]  }
0x39: {  	_ = 	snop;
	(pc) =	sbr.ind lr, $3  }
0x3a: {  	_ = 	snop  }
0x3b: {  	_ = 	snop  }
0x3c: {  	p2 =	seq.s32 s10, $0x1;
	s10 =	sld [smem:$0x3FA8]  }
0x3d: {  	_ =	shalt  }
0x3e: {  	_ =	shalt  }
0x3f: {  	_ =	shalt  }
0x40: {  	_ =	shalt  }
0x41: {  	_ =	shalt  }
0x42: {  	_ =	shalt  }
0x43: {  	_ =	shalt  }
0x44: {  	_ =	shalt  }
0x45: {  	_ =	shalt  }
0x46: {  	_ =	shalt  }
0x47: {  	_ =	shalt  }
0x48: {  	_ =	shalt  }
0x49: {  	_ =	shalt  }
0x4a: {  	_ =	shalt  }
0x4b: {  	_ =	shalt  }
0x4c: {  	_ =	shalt  }
0x4d: {  	_ =	shalt  }
0x4e: {  	_ =	shalt  }
0x4f: {  	_ =	shalt  }
0x50: {  	_ =	shalt  }
0x51: {  	_ =	shalt  }
0x52: {  	_ =	shalt  }
0x53: {  	_ =	shalt  }
0x54: {  	_ =	shalt  }
0x55: {  	_ =	shalt  }
0x56: {  	_ =	shalt  }
0x57: {  	_ =	shalt  }
0x58: {  	_ =	shalt  }
0x59: {  	_ =	shalt  }
0x5a: {  	_ =	shalt  }
0x5b: {  	_ =	shalt  }
0x5c: {  	_ =	shalt  }
0x5d: {  	_ =	shalt  }
0x5e: {  	_ =	shalt  }
0x5f: {  	_ =	shalt  }
0x60: {  	_ =	shalt  }
0x61: {  	_ =	shalt  }
0x62: {  	_ =	shalt  }
0x63: {  	_ =	shalt  }
0x64: {  	_ =	shalt  }
0x65: {  	_ =	shalt  }
0x66: {  	_ =	shalt  }
0x67: {  	_ =	shalt  }
0x68: {  	_ =	shalt  }
0x69: {  	_ =	shalt  }
0x6a: {  	_ =	shalt  }
0x6b: {  	_ =	shalt  }
0x6c: {  	_ =	shalt  }
0x6d: {  	_ =	shalt  }
0x6e: {  	_ =	shalt  }
0x6f: {  	_ =	shalt  }
0x70: {  	_ =	shalt  }
0x71: {  	_ =	shalt  }
0x72: {  	_ =	shalt  }
0x73: {  	_ =	shalt  }
0x74: {  	_ =	shalt  }
0x75: {  	_ =	shalt  }
0x76: {  	_ =	shalt  }
0x77: {  	_ =	shalt  }
0x78: {  	_ =	shalt  }
0x79: {  	_ =	shalt  }
0x7a: {  	_ =	shalt  }
0x7b: {  	_ =	shalt  }
0x7c: {  	_ =	shalt  }
0x7d: {  	_ =	shalt  }
0x7e: {  	_ =	shalt  }
0x7f: {  	_ =	shalt  }
0x80: {  	_ =	shalt  }
0x81: {  	_ =	shalt  }
0x82: {  	_ =	shalt  }
0x83: {  	_ =	shalt  }
0x84: {  	_ =	shalt  }
0x85: {  	_ =	shalt  }
0x86: {  	_ =	shalt  }
0x87: {  	_ =	shalt  }
.Lfunc_end0:
.L_simem_size_0:
called_computation.6_lowered:
.L_overlay_start_0:
0x88: {  	s2 =	sld [smem:$0x3FD9]  }
0x89: {  	s3 =	sld [smem:$0x3FFE];
	_ =	sdelay $0x1  }
0x8a: {  	s1 =	srdreg.scid  }
0x8b: {  	s0 =	sand.u32 $0x1, s1  }
0x8c: {  	s16 =	sshll.u32 s0, $0xA;
	s2 =	sadd.s32 s3, s2  }
0x8d: {  	s2 =	sadd.s32 s2, s16  }
0x8e: {  	[smem:$0x3FB4] =	sst s2  }
0x8f: {  	_ = 	snop  }
0x90: {  	(tm) =	ssettm $0x1  }
0x91: {  	s17 =	sld [smem:$0x3FFB];
	_ =	sdelay $0x3  }
0x92: {  	_ =	strace s17  }
0x93: {  	s2 =	sld [smem:$0x3FFC];
	_ =	sdelay $0x3  }
0x94: {  	_ =	strace s2  }
0x95: {  	s2 =	sld [smem:$0x3FFD];
	_ =	sdelay $0x3  }
0x96: {  	_ =	strace s2  }
0x97: {  	_ =	strace $0x8FFFFFFF  }
0x98: {  	s18 =	sld [smem:$0x3FDB];
	_ =	sdelay $0x1  }
0x99: {  	s19 =	simm.s32 $_scs_section_size  }
0x9a: {  	s4 =	simm.s32 $_size__tile_overlayer_lowered;
	s5 =	simm.s32 $_tile_overlayer_lowered  }
0x9b: {  	s22 =	simm.s32 $0x1BFF;
	s21 =	sshll.u32 s5, $0x1;
	s2 =	sadd.s32 s19, s18  }
0x9c: {  	s6 =	simm.s32 $0x0;
	s20 =	sshll.u32 s4, $0x1;
	s4 =	sadd.s32 s21, s2  }
0x9d: {  	[timem:s6], [sflag:s22] =	dma.local [hbm:s4], s20  }
0x9e: {  	_ =	swait.ge [sflag:s22], s20  }
0x9f: {  	s3 =	ssub.s32 $0x0, s20;
	[sflag:s22] =	ssyncset.done $0x0  }
0xa0: {  	[sflag:s22] =	ssyncadd.s32 s3;
	_ =	sdelay $0x1  }
0xa1: {  	s23 =	simm.s32 $0x1B8B  }
0xa2: {  	_ =	swait.ge [sflag:s23], $0x1  }
0xa3: {  	[sflag:s23] =	ssyncset.done $0x0  }
0xa4: {  	s25 =	simm.s32 $0x1B8E;
	s24 =	sld [smem:$0x3FFE];
	[sflag:s23] =	ssyncadd.s32 $0xFFFFFFFF  }
0xa5: {  	s26 =	simm.s32 $execute0_lowered;
	[smem:$0x3FD2] =	sst s25  }
0xa6: {  	s4 =	sshll.u32 s26, $0x1;
	_ =	strace $0x80000058;
	[dreg:$0x1] =	wrdreg $0xFFFFFFFF  }
0xa7: {  	s28 =	simm.s32 $_size_execute0_lowered;
	s2 =	sadd.s32 s2, s4;
	[dreg:$0x0] =	wrdreg $0x0  }
0xa8: {  	s4 =	sshll.u32 s28, $0x1;
	[dreg:$0x2] =	wrdreg s2  }
0xa9: {  	[dreg:$0x3] =	wrdreg s4  }
0xaa: {  	[dreg:$0x4] =	wrdreg $0xC0  }
0xab: {  	_ =	task [dreg:s6], $0x5FFFF  }
0xac: {  	[dreg:$0x1] =	wrdreg $0xFFFFFFFF  }
0xad: {  	[dreg:$0x0] =	wrdreg $0x60  }
0xae: {  	[dreg:$0x2] =	wrdreg s24  }
0xaf: {  	[dreg:$0x3] =	wrdreg $0x90000  }
0xb0: {  	[dreg:$0x4] =	wrdreg $0x9  }
0xb1: {  	_ =	task.clear_ibuf [dreg:s6], $0x5FFFF;
	_ =	strace $0x90000058  }
0xb2: {  	s29 =	simm.s32 $0x9;
	_ =	strace $0x8000005A  }
0xb3: {  	_ =	swait.ge [sflag:s29], $0x1  }
0xb4: {  	[sflag:s29] =	ssyncadd.s32 $0xFFFFFFFF  }
0xb5: {  	_ =	strace $0x9000005A  }
0xb6: {  	_ =	sfence  }
0xb7: {  	s30 =	sld [smem:$0x0];
	_ =	sdelay $0x2  }
0xb8: {  	s31 =	sshll.u32 s1, $0xD;
	s1 =	sshrl.u32 s1, $0x2  }
0xb9: {  	s3 =	sand.u32 $0x4000, s31;
	s1 =	sadd.s32 s1, s30  }
0xba: {  	s0 =	sor.u32 s3, s0;
	s1 =	sshll.u32 s1, $0x11  }
0xbb: {  	s0 =	sor.u32 s1, s0  }
0xbc: {  	s0 =	sadd.s32 $0x8F2B, s0  }
0xbd: {  	[sflag:s0] =	ssyncadd.remote.s32 $0x1  }
0xbe: {  	_ =	sfence.sel $0xFFFF  }
0xbf: {  	[dreg:$0x0] =	wrdreg $0xFFFFFFFF;
	(pc) =	sbr.abs _section_cstart, $3  }
0xc0: {  	[dreg:$0x1] =	wrdreg $0xFFFFFFFF  }
0xc1: {  	_ =	task.clear_ibuf [dreg:s6], $0x2FFFF;
	_ =	strace $0x9FFFFFFF  }
0xc2: {  	(tm) =	ssettm $0x7FFFFFFF  }
0xc3: {  	_ =	shalt  }
tec
execute0_lowered:
.L_overlay_start_1:
0x0: {  	(tag) =	ssettag $0x1  }
0x1: {  	s5 =	rddreg [dreg:$0x0]  }
0x2: {  	s0 =	srdreg.scid;
	s2 =	rddreg [dreg:$0x1]  }
0x3: {  	s1 =	rddreg [dreg:$0x2];
	s3 =	simm.s32 $0x0;
	s6 =	sand.u32 $0x1, s0  }
0x4: {  	s14 =	simm.s32 $0x80;
	s0 =	stileid.u32;
	s4 =	smul.u32 $0x28000, s6  }
0x5: {  	s15 =	simm.s32 $0x5000;
	s16 =	simm.s32 $0x1;
	s7 =	smul.u32 $0x2800, s0  }
0x6: {  	s17 =	simm.s32 $0x0;
	[smem:$0x7FF] =	sst s3;
	s28 =	smul.u32 $0x13C00, s0  }
0x7: {  	_ =	strace $0x80000059;
	s9 =	smul.u32 $0x13C000, s6;
	s6 =	ssub.s32 $0x2, s6  }
0x8: {  	s29 =	smul.u32 $0x4F000, s0;
	s31 =	sshll.u32 s0, $0x6;
	s11 =	sshrl.u32 s6, $0x1  }
0x9: {  	s4 =	sadd.s32 s7, s4;
	s10 =	sshrl.u32 s28, $0x3;
	s7 =	sadd.s32 s28, s9  }
0xa: {  	s11 =	ssub.s32 s6, s11;
	s30 =	sshrl.u32 s29, $0x2;
	s6 =	sor.u32 $0x1C02, s31  }
0xb: {  	s8 =	sshrl.u32 s4, $0x3;
	s4 =	sadd.s32 $0x37800, s5;
	s10 =	sadd.s32 s10, s5  }
0xc: {  	s7 =	sshrl.u32 s7, $0x3;
	s13 =	sadd.s32 s30, s2;
	s8 =	sadd.s32 s8, s5  }
0xd: {  	s12 =	sadd.s32 s7, s5;
	s5 =	sadd.s32 $0x10000, s10;
	s10 =	smax.u32 s11, $0x1  }
0xe: {  	s11 =	sshrl.u32 s13, $0x3;
	s13 =	simm.s32 $0x2800;
	s7 =	sadd.s32 $0x86800, s8  }
0xf: {  	s8 =	sadd.s32 $0x5800, s8;
	s9 =	sadd.s32 $0x12E800, s12;
	s12 =	simm.s32 $0x2  }
.LBB2_1:
0x10: {  	[spmem:s11], [sflag:s6] =	dma.local [hbm:s5], $0x2780  }
0x11: {  	_ =	swait.ge [sflag:s12], $0x2780  }
0x12: {  	[sflag:s12] =	ssyncset.done $0x0  }
0x13: {  	[sflag:s12] =	ssyncadd.s32 $0xFFFFD880  }
0x14: {  	[tilespmem:s3], [sflag:$0x2] =	stream.linear.gather [hbm4b:s7+s3], $0x2780, $0x38;
	[tilespmem:$0x1CC00] =	vst v63  }
0x15: {  	_ =	swait.ge [sflag:s12], $0x2780  }
0x16: {  	[sflag:s12] =	ssyncset.done $0x0  }
0x17: {  	[sflag:s12] =	ssyncadd.s32 $0xFFFFD880  }
0x18: {  	[tilespmem:s13], [sflag:$0x2] =	stream.linear.gather [hbm4b:s8+s3], $0x2780, $0x38;
	[tilespmem:$0x1CC00] =	vst v63  }
0x19: {  	_ =	swait.ge [sflag:s12], $0x2780  }
0x1a: {  	[sflag:s12] =	ssyncset.done $0x0  }
0x1b: {  	[sflag:s12] =	ssyncadd.s32 $0xFFFFD880  }
0x1c: {  	s18 =	simm.s32 $0x0;
	[bflag:$0x0] =	sbarrier.arrive $0xFFFF  }
0x1d: {  	[tilespmem:s15], [sflag:$0x1] =	stream.indirect.gather [hbm4b:s4+s14], $0x80, s18, s14, $0xb8;
	[tilespmem:$0x1CC00] =	vst v63  }
0x1e: {  	_ =	swait.ge [sflag:s16], $0x4000  }
0x1f: {  	[sflag:s16] =	ssyncset.done $0x0  }
0x20: {  	s31 =	simm.s32 $0x2800;
	[sflag:s16] =	ssyncadd.s32 $0xFFFFC000  }
0x21: {  	[spmem:s2] =	stream.indirect.scatter.add.f32 [tilespmem:s15], [sflag:$0x2], $0x80, s31, s14, $0xb8;
	[tilespmem:$0x1CC00] =	vst v63  }
0x22: {  	_ =	swait.ge [sflag:s12], $0x4000  }
0x23: {  	s19 =	simm.s32 $0x400;
	s18 =	simm.s32 $0x200;
	[sflag:s12] =	ssyncset.done $0x0  }
.LBB2_2:
0x24: {  	s20 =	sshra.s32 s18, $0x2  }
0x25: {  	[sflag:s12] =	ssyncadd.s32 $0xFFFFC000;
	s18 =	smov.u32 s19;
	s21 =	sadd.s32 $0x200, s19  }
0x26: {  	[tilespmem:s15], [sflag:$0x1] =	stream.indirect.gather [hbm4b:s4+s14], $0x80, s20, s14, $0xb8;
	[tilespmem:$0x1CC00] =	vst v63  }
0x27: {  	p0 =	sne.s32 s19, $0x9C00;
	_ =	swait.ge [sflag:s16], $0x4000  }
.Ltmp0:
0x28: {  	[sflag:s16] =	ssyncset.done $0x0;
	(pc) =	sbr.rel @p0 .LBB2_2-.Ltmp0, $4  }
0x29: {  	s19 =	sadd.s32 $0x2800, s20;
	[sflag:s16] =	ssyncadd.s32 $0xFFFFC000  }
0x2a: {  	[spmem:s2] =	stream.indirect.scatter.add.f32 [tilespmem:s15], [sflag:$0x2], $0x80, s19, s14, $0xb8;
	[tilespmem:$0x1CC00] =	vst v63  }
0x2b: {  	_ =	swait.ge [sflag:s12], $0x4000  }
0x2c: {  	s19 =	smov.u32 s21;
	[sflag:s12] =	ssyncset.done $0x0  }
0x2d: {  	s18 =	sshra.s32 s18, $0x2;
	[sflag:s12] =	ssyncadd.s32 $0xFFFFC000  }
0x2e: {  	[tilespmem:s15], [sflag:$0x1] =	stream.indirect.gather [hbm4b:s4+s14], $0x80, s18, s14, $0xb8;
	[tilespmem:$0x1CC00] =	vst v63  }
0x2f: {  	_ =	swait.ge [sflag:s16], $0x4000  }
0x30: {  	[sflag:s16] =	ssyncset.done $0x0  }
0x31: {  	s18 =	sadd.s32 $0x2800, s18;
	[sflag:s16] =	ssyncadd.s32 $0xFFFFC000  }
0x32: {  	[spmem:s2] =	stream.indirect.scatter.add.f32 [tilespmem:s15], [sflag:$0x2], $0x80, s18, s14, $0xb8;
	[tilespmem:$0x1CC00] =	vst v63  }
0x33: {  	_ =	swait.ge [sflag:s12], $0x4000  }
0x34: {  	s17 =	sadd.s32 $0x1, s17;
	[sflag:s12] =	ssyncset.done $0x0  }
0x35: {  	p0 =	sne.s32 s17, s10;
	[sflag:s12] =	ssyncadd.s32 $0xFFFFC000  }
.Ltmp1:
0x36: {  	[bflag:$0x0] =	sbarrier.arrive $0xFFFF;
	(pc) =	sbr.rel @p0 .LBB2_1-.Ltmp1, $4  }
0x37: {  	[hbm:s9], [sflag:s6] =	dma.local [spmem:s11], $0x2780  }
0x38: {  	_ =	swait.ge [sflag:s12], $0x2780  }
0x39: {  	[sflag:s12] =	ssyncset.done $0x0  }
0x3a: {  	[sflag:s12] =	ssyncadd.s32 $0xFFFFD880  }
0x3b: {  	_ =	sfence.sel $0x180000  }
0x3c: {  	[bflag:$0x0] =	sbarrier.arrive $0xFFFF  }
0x3d: {  	p0 =	sne.s32 s0, $0x0;
	_ =	strace $0x90000059  }
0x3e: {  	s0 =	sadd.s32 @!p0 $0x100000, s1;
	[bflag:$0x2] =	sbarrier.arrive $0xFFFF  }
0x3f: {  	[sflag:s0] =	ssyncadd.tile.s32 @!p0 $0x1;
	_ =	shalt  }
.Lfunc_end2:
_tile_overlayer_lowered:
.L_overlay_start_2:
0x40: {  	(tag) =	ssettag $0x2  }
0x41: {  	s0 =	rddreg [dreg:$0x0];
	s2 =	stileid.u32  }
0x42: {  	s1 =	rddreg [dreg:$0x1];
	p0 =	sne.s32 s2, $0x0  }
0x43: {  	s3 =	rddreg [dreg:$0x2];
	[bflag:$0x3] =	sbarrier.arrive $0xFFFF;
	s2 =	simm.s32 @!p0 $0x1C02  }
0x44: {  	[timem:s3], [sflag:s2] =	dma.local @!p0 [hbm:s0], s1  }
0x45: {  	s0 =	simm.s32 @!p0 $0x2  }
0x46: {  	_ =	swait.ge @!p0 [sflag:s0], s1  }
0x47: {  	s1 =	ssub.s32 @!p0 $0x0, s1;
	[sflag:s0] =	ssyncset.done @!p0 $0x0  }
0x48: {  	[sflag:s0] =	ssyncadd.s32 @!p0 s1  }
0x49: {  	[bflag:$0x3] =	sbarrier.arrive $0xFFFF  }
0x4a: {  	_ =	shalt  }

</sc_bundles>
